<compile_context>
chip_gen: v7x
topology: tpu7x:2x2x1
jax: 0.10.2.dev20260603
libtpu: 0.0.44.dev20260713+nightly
codegen_flags: <defaults>
</compile_context>

<pallas_src>
import functools
import jax
import jax.numpy as jnp
from jax import lax
from jax.experimental import pallas as pl
from jax.experimental.pallas import tpu as pltpu
from jax.experimental.pallas import tpu_sc as plsc

N_NODES = 10000
N_PAD = 10240
E_EDGES = 320000
E_PAD = 327680
N_TILES = 32
N_CHUNKS = 80
CHUNK = 128
ROWS_PER_TILE = N_PAD // 16
BLK = 1024
GRID = N_PAD // BLK

@functools.cache
def _sc_mesh():
    return plsc.VectorSubcoreMesh(core_axis_name="c", subcore_axis_name="s")



def _zero_vmem(buf, ncols):
    nj = ncols // 16
    def zrow(r, carry):
        for j in range(nj):
            buf[r, pl.ds(16 * j, 16)] = jnp.zeros((16,), jnp.float32)
        return carry
    lax.fori_loop(0, 128, zrow, 0)


HALF = N_CHUNKS // 2
PAIRS = HALF // 2


def _edge_scatter_body(table_hbm, ridx_hbm, cidx_hbm, out_hbm,
                       acc_sh, buf0, buf1, ridx_v, cidx_v, g0, g1, s0, s1):
    ci = lax.axis_index("c")
    si = lax.axis_index("s")
    wid = ci * 16 + si

    _zero_vmem(buf0, 128)
    def zchunk(k, carry):
        r = si * ROWS_PER_TILE + k * 128
        pltpu.sync_copy(buf0, acc_sh.at[pl.ds(r, 128)])
        return carry
    lax.fori_loop(0, ROWS_PER_TILE // 128, zchunk, 0)
    plsc.subcore_barrier()

    def wait_g(buf, sem):
        pltpu.make_async_copy(table_hbm.at[pl.ds(0, CHUNK)], buf, sem).wait()

    def wait_s(buf, sem):
        pltpu.make_async_copy(buf, acc_sh.at[pl.ds(0, CHUNK)], sem).wait()

    for h in range(2):
        pltpu.sync_copy(ridx_hbm.at[wid, pl.ds(h * HALF, HALF)], ridx_v)
        pltpu.sync_copy(cidx_hbm.at[wid, pl.ds(h * HALF, HALF)], cidx_v)
        pltpu.async_copy(table_hbm.at[ridx_v.at[0]], buf0, g0)

        def pair(i, carry):
            a = 2 * i
            @pl.when(i > 0)
            def _():
                wait_s(buf1, s1)
            wait_g(buf0, g0)
            pltpu.async_copy(table_hbm.at[ridx_v.at[a + 1]], buf1, g1)
            pltpu.async_copy(buf0, acc_sh.at[cidx_v.at[a]], s0, add=True)
            wait_g(buf1, g1)
            wait_s(buf0, s0)
            @pl.when(i < PAIRS - 1)
            def _():
                pltpu.async_copy(table_hbm.at[ridx_v.at[a + 2]], buf0, g0)
            pltpu.async_copy(buf1, acc_sh.at[cidx_v.at[a + 1]], s1, add=True)
            return carry
        lax.fori_loop(0, PAIRS, pair, 0)
        wait_s(buf1, s1)
    plsc.subcore_barrier()

    def xchunk(k, carry):
        r = si * ROWS_PER_TILE + k * 128
        pltpu.sync_copy(acc_sh.at[pl.ds(r, 128)], buf0)
        pltpu.sync_copy(buf0, out_hbm.at[ci, pl.ds(r, 128)])
        return carry
    lax.fori_loop(0, ROWS_PER_TILE // 128, xchunk, 0)


@functools.cache
def _edge_scatter():
    return pl.kernel(
        _edge_scatter_body,
        out_type=jax.ShapeDtypeStruct((2, N_PAD, 128), jnp.float32),
        mesh=_sc_mesh(),
        scratch_types=[
            pltpu.VMEM_SHARED((N_PAD, 128), jnp.float32),
            pltpu.VMEM((CHUNK, 128), jnp.float32),
            pltpu.VMEM((CHUNK, 128), jnp.float32),
            pltpu.VMEM((HALF, CHUNK), jnp.int32),
            pltpu.VMEM((HALF, CHUNK), jnp.int32),
            pltpu.SemaphoreType.DMA,
            pltpu.SemaphoreType.DMA,
            pltpu.SemaphoreType.DMA,
            pltpu.SemaphoreType.DMA,
        ],
    )


def _attr_scatter_body(eb_hbm, ridx_hbm, out_hbm,
                       acc_sh, eb0, eb1, ew0, ew1, ridx_v, l0, l1, s0, s1):
    ci = lax.axis_index("c")
    si = lax.axis_index("s")
    wid = ci * 16 + si

    def widen(src, dst):
        def wrow(rr, carry):
            for u in range(4):
                r = rr * 4 + u
                dst[r, pl.ds(0, 16)] = src[pl.ds(r * 16, 16)]
            return carry
        lax.fori_loop(0, CHUNK // 4, wrow, 0)

    _zero_vmem(ew0, 128)
    _zero_vmem(ew1, 128)
    def zchunk(k, carry):
        pltpu.sync_copy(ew0, acc_sh.at[pl.ds(si * ROWS_PER_TILE + k * 128, 128)])
        return carry
    lax.fori_loop(0, ROWS_PER_TILE // 128, zchunk, 0)
    plsc.subcore_barrier()

    pltpu.sync_copy(ridx_hbm.at[wid], ridx_v)

    def wait_l(buf, sem):
        pltpu.make_async_copy(eb_hbm.at[0, 0], buf, sem).wait()

    def wait_s(buf, sem):
        pltpu.make_async_copy(buf, acc_sh.at[pl.ds(0, CHUNK)], sem).wait()

    pltpu.async_copy(eb_hbm.at[wid, 0], eb0, l0)

    def pair(i, carry):
        a = 2 * i
        wait_l(eb0, l0)
        pltpu.async_copy(eb_hbm.at[wid, a + 1], eb1, l1)
        @pl.when(i > 0)
        def _():
            wait_s(ew0, s0)
        widen(eb0, ew0)
        pltpu.async_copy(ew0, acc_sh.at[ridx_v.at[a]], s0, add=True)
        wait_l(eb1, l1)
        @pl.when(i < N_CHUNKS // 2 - 1)
        def _():
            pltpu.async_copy(eb_hbm.at[wid, a + 2], eb0, l0)
        @pl.when(i > 0)
        def _():
            wait_s(ew1, s1)
        widen(eb1, ew1)
        pltpu.async_copy(ew1, acc_sh.at[ridx_v.at[a + 1]], s1, add=True)
        return carry
    lax.fori_loop(0, N_CHUNKS // 2, pair, 0)
    wait_s(ew0, s0)
    wait_s(ew1, s1)
    plsc.subcore_barrier()

    def xchunk(k, carry):
        r = si * ROWS_PER_TILE + k * 128
        pltpu.sync_copy(acc_sh.at[pl.ds(r, 128)], ew0)
        pltpu.sync_copy(ew0, out_hbm.at[ci, pl.ds(r, 128)])
        return carry
    lax.fori_loop(0, ROWS_PER_TILE // 128, xchunk, 0)


@functools.cache
def _attr_scatter():
    return pl.kernel(
        _attr_scatter_body,
        out_type=jax.ShapeDtypeStruct((2, N_PAD, 128), jnp.float32),
        mesh=_sc_mesh(),
        scratch_types=[
            pltpu.VMEM_SHARED((N_PAD, 128), jnp.float32),
            pltpu.VMEM((CHUNK * 16,), jnp.float32),
            pltpu.VMEM((CHUNK * 16,), jnp.float32),
            pltpu.VMEM((CHUNK, 128), jnp.float32),
            pltpu.VMEM((CHUNK, 128), jnp.float32),
            pltpu.VMEM((N_CHUNKS, CHUNK), jnp.int32),
            pltpu.SemaphoreType.DMA,
            pltpu.SemaphoreType.DMA,
            pltpu.SemaphoreType.DMA,
            pltpu.SemaphoreType.DMA,
        ],
    )



def _dense1_body(x_ref, s5a_ref, s5b_ref, w1_ref, b1_ref, ew1_ref, ew2_ref,
                 ynorm_ref, z1_ref, ea2_ref, normc_ref):
    x = x_ref[...]
    s5 = s5a_ref[...] + s5b_ref[...]
    deg = s5[:, 4:5]
    norm = jnp.where(deg > 0, lax.rsqrt(jnp.maximum(deg, 1e-30)), 0.0)
    w = w1_ref[...]
    y = jnp.dot(x, w[2], preferred_element_type=jnp.float32)
    ynorm_ref[...] = jnp.concatenate(
        [norm * y, jnp.zeros((BLK, 64), jnp.float32)], axis=1)
    a = w[0] + w[1] - w[2]
    ew1 = ew1_ref[0] + ew1_ref[1] + ew1_ref[2]
    ew2 = ew2_ref[0] + ew2_ref[1] + ew2_ref[2]
    s4 = s5[:, 0:4]
    z1_ref[...] = (jnp.dot(x, a, preferred_element_type=jnp.float32)
                   + b1_ref[...]
                   + jnp.dot(s4, ew1, preferred_element_type=jnp.float32))
    ea2_ref[...] = jnp.dot(s4, ew2, preferred_element_type=jnp.float32)
    normc_ref[...] = jnp.broadcast_to(norm, (BLK, 8))


def _dense2_body(z1_ref, p1a_ref, p1b_ref, normc_ref, w2_ref, b2_ref, ea2_ref,
                 ynorm2_ref, z2_ref):
    norm = normc_ref[:, 0:1]
    h1 = jax.nn.relu(z1_ref[...] + 2.0 * norm
                     * (p1a_ref[:, 0:64] + p1b_ref[:, 0:64]))
    w = w2_ref[...]
    y2 = jnp.dot(h1, w[2], preferred_element_type=jnp.float32)
    ynorm2_ref[...] = jnp.concatenate(
        [norm * y2, jnp.zeros((BLK, 64), jnp.float32)], axis=1)
    a = w[0] + w[1] - w[2]
    z2_ref[...] = (jnp.dot(h1, a, preferred_element_type=jnp.float32)
                   + b2_ref[...] + ea2_ref[...])


def _final_body(z2_ref, p2a_ref, p2b_ref, normc_ref, batch_ref, wl_ref, bl_ref,
                out_ref, acc_ref):
    i = pl.program_id(0)

    @pl.when(i == 0)
    def _init():
        acc_ref[...] = jnp.zeros((64, 128), jnp.float32)

    norm = normc_ref[:, 0:1]
    h2 = jax.nn.relu(z2_ref[...] + 2.0 * norm
                     * (p2a_ref[:, 0:64] + p2b_ref[:, 0:64]))
    h2c = jnp.concatenate([h2, jnp.ones((BLK, 64), jnp.float32)], axis=1)
    b = batch_ref[:, 0:1]
    g = lax.broadcasted_iota(jnp.int32, (1, 64), 1)
    m = (b == g).astype(jnp.float32)
    acc_ref[...] += lax.dot_general(
        m, h2c, (((0,), (0,)), ((), ())), preferred_element_type=jnp.float32)

    @pl.when(i == GRID - 1)
    def _fin():
        acc = acc_ref[...]
        cnt = jnp.maximum(acc[:, 64:65], 1.0)
        pooled = acc[:, 0:64] / cnt
        logits = (jnp.dot(pooled, wl_ref[...], preferred_element_type=jnp.float32)
                  + bl_ref[...])
        mx = jnp.max(logits, axis=1, keepdims=True)
        sh = logits - mx
        out_ref[...] = sh - jnp.log(jnp.sum(jnp.exp(sh), axis=1, keepdims=True))


def _row_spec(cols):
    return pl.BlockSpec((BLK, cols), lambda i: (i, 0))


def _full_spec(shape):
    nd = len(shape)
    return pl.BlockSpec(shape, lambda i: (0,) * nd)


_dense1 = pl.pallas_call(
    _dense1_body,
    grid=(GRID,),
    in_specs=[
        _row_spec(128), _row_spec(128), _row_spec(128),
        _full_spec((3, 128, 64)), _full_spec((1, 64)),
        _full_spec((3, 4, 64)), _full_spec((3, 4, 64)),
    ],
    out_specs=[_row_spec(128), _row_spec(64), _row_spec(64), _row_spec(8)],
    out_shape=[
        jax.ShapeDtypeStruct((N_PAD, 128), jnp.float32),
        jax.ShapeDtypeStruct((N_PAD, 64), jnp.float32),
        jax.ShapeDtypeStruct((N_PAD, 64), jnp.float32),
        jax.ShapeDtypeStruct((N_PAD, 8), jnp.float32),
    ],
)

_dense2 = pl.pallas_call(
    _dense2_body,
    grid=(GRID,),
    in_specs=[
        _row_spec(64), _row_spec(128), _row_spec(128), _row_spec(8),
        _full_spec((3, 64, 64)), _full_spec((1, 64)), _row_spec(64),
    ],
    out_specs=[_row_spec(128), _row_spec(64)],
    out_shape=[
        jax.ShapeDtypeStruct((N_PAD, 128), jnp.float32),
        jax.ShapeDtypeStruct((N_PAD, 64), jnp.float32),
    ],
)

_final = pl.pallas_call(
    _final_body,
    grid=(GRID,),
    in_specs=[
        _row_spec(64), _row_spec(128), _row_spec(128), _row_spec(8),
        pl.BlockSpec((BLK, 8), lambda i: (i, 0)),
        _full_spec((64, 4)), _full_spec((1, 4)),
    ],
    out_specs=pl.BlockSpec((64, 4), lambda i: (0, 0)),
    out_shape=jax.ShapeDtypeStruct((64, 4), jnp.float32),
    scratch_shapes=[pltpu.VMEM((64, 128), jnp.float32)],
)



@jax.jit
def kernel(x, edge_index, edge_attr, batch, W1, EW1, b1, W2, EW2, b2, Wl, bl):
    f32 = jnp.float32
    x_pad = jnp.pad(x, ((0, N_PAD - N_NODES), (0, 0)))
    pad_e = E_PAD - E_EDGES
    dummy = N_NODES + (jnp.arange(pad_e, dtype=jnp.int32)
                       % (N_PAD - N_NODES))
    row = jnp.concatenate([edge_index[0], dummy])
    col = jnp.concatenate([edge_index[1], dummy])
    ridx = row.reshape(N_TILES, N_CHUNKS, CHUNK)
    cidx = col.reshape(N_TILES, N_CHUNKS, CHUNK)
    m32 = jnp.arange(32)[:, None]
    q = jnp.arange(512)[None, :]
    flag = (q[0] % 16 == 4).astype(f32)
    attr_t = edge_attr.T
    eb0 = flag[None, :]
    for j in range(4):
        mj = (q == 16 * m32 + j).astype(f32)
        aj = attr_t[j].reshape(E_EDGES // 32, 32)
        eb0 = eb0 + jnp.dot(aj, mj, preferred_element_type=f32)
    eb = jnp.pad(eb0, ((0, pad_e // 32), (0, 0))).reshape(
        N_TILES, N_CHUNKS, CHUNK * 16)
    batchc = jnp.broadcast_to(
        jnp.pad(batch, (0, N_PAD - N_NODES), constant_values=64)[:, None],
        (N_PAD, 8))
    b1r = b1.reshape(1, 64)
    b2r = b2.reshape(1, 64)
    blr = bl.reshape(1, 4)

    s5p = _attr_scatter()(eb, ridx)
    ynorm1, z1, ea2, normc = _dense1(x_pad, s5p[0], s5p[1], W1, b1r, EW1, EW2)
    p1 = _edge_scatter()(ynorm1, ridx, cidx)
    ynorm2, z2 = _dense2(z1, p1[0], p1[1], normc, W2, b2r, ea2)
    p2 = _edge_scatter()(ynorm2, ridx, cidx)
    return _final(z2, p2[0], p2[1], normc, batchc, Wl, blr)

# --- scband reference (transcript-rebuilt; emitter-appended) ---
"""Pipeline reference for scband-gsn-14783277433402 (READ-ONLY COPY).

The authoritative reference and input builder live on the scoring server;
editing this copy changes nothing except your own understanding.
"""

import jax, jax.numpy as jnp
import numpy as np

N = 10000
E = 320000
F_IN = 128
H = 64
ED = 4
C = 4
KORD = 3
G = 64


def setup_inputs(seed: int = 0):
    key = jax.random.key(seed)
    ks = jax.random.split(key, 12)
    x = jax.random.normal(ks[0], (N, F_IN), dtype=jnp.float32)
    edge_index = jax.random.randint(ks[1], (2, E), 0, N, dtype=jnp.int32)
    edge_attr = jax.random.normal(ks[2], (E, ED), dtype=jnp.float32)
    batch = jnp.sort(jax.random.randint(ks[3], (N,), 0, G, dtype=jnp.int32))
    def xavier(k, shape):
        fan_in, fan_out = shape[-2], shape[-1]
        a = float(np.sqrt(6.0 / (fan_in + fan_out)))
        return jax.random.uniform(k, shape, dtype=jnp.float32, minval=-a, maxval=a)
    W1 = xavier(ks[4], (KORD, F_IN, H))
    EW1 = xavier(ks[5], (KORD, ED, H))
    b1 = jnp.zeros((H,), dtype=jnp.float32)
    W2 = xavier(ks[6], (KORD, H, H))
    EW2 = xavier(ks[7], (KORD, ED, H))
    b2 = jnp.zeros((H,), dtype=jnp.float32)
    Wl = xavier(ks[8], (H, C))
    bl = jnp.zeros((C,), dtype=jnp.float32)
    return {"x": x, "edge_index": edge_index, "edge_attr": edge_attr, "batch": batch,
            "W1": W1, "EW1": EW1, "b1": b1, "W2": W2, "EW2": EW2, "b2": b2,
            "Wl": Wl, "bl": bl}


def cheb_conv(x, edge_index, edge_attr, W, EW, b):
    row = edge_index[0]
    col = edge_index[1]
    n = x.shape[0]
    deg = jnp.zeros((n,), dtype=x.dtype).at[row].add(1.0)
    norm = jnp.where(deg > 0, deg ** (-0.5), 0.0)
    enorm = norm[row] * norm[col]
    Kk = W.shape[0]
    Tx_0 = x
    Tx_1 = x
    out = jnp.matmul(Tx_0, W[0])
    if Kk > 1:
        out = out + jnp.matmul(Tx_1, W[1])
    for k in range(2, Kk):
        msg = enorm[:, None] * Tx_1[row]
        agg = jnp.zeros_like(Tx_1).at[col].add(msg)
        Tx_2 = 2.0 * agg - Tx_0
        out = out + jnp.matmul(Tx_2, W[k])
        Tx_0, Tx_1 = Tx_1, Tx_2
    out = out + b
    edge_out = jnp.matmul(edge_attr, EW[0])
    for k in range(1, Kk):
        edge_out = edge_out + jnp.matmul(edge_attr, EW[k])
    edge_agg = jnp.zeros_like(out).at[row].add(edge_out)
    return out + edge_agg


def reference(x, edge_index, edge_attr, batch, W1, EW1, b1, W2, EW2, b2, Wl, bl):
    h = jax.nn.relu(cheb_conv(x, edge_index, edge_attr, W1, EW1, b1))
    h = jax.nn.relu(cheb_conv(h, edge_index, edge_attr, W2, EW2, b2))
    sums = jnp.zeros((G, h.shape[1]), dtype=h.dtype).at[batch].add(h)
    cnt = jnp.zeros((G,), dtype=h.dtype).at[batch].add(1.0)
    pooled = sums / jnp.maximum(cnt, 1.0)[:, None]
    logits = jnp.matmul(pooled, Wl) + bl
    return jax.nn.log_softmax(logits, axis=1)

if __name__ == "__main__":
    import jax
    _d = setup_inputs()
    print(jax.jit(kernel)(*tuple(_d.values())))

</pallas_src>

<mosaic_0001>
#map = affine_map<(d0, d1) -> (0, 0, 0)>
module attributes {stable_mosaic.version = 14 : i64} {
  func.func @_attr_scatter_body(%arg0: i32, %arg1: i32, %arg2: memref<32x80x2048xf32, #tpu.memory_space<hbm>>, %arg3: memref<32x80x128xi32, #tpu.memory_space<hbm>>, %arg4: memref<2x10240x128xf32, #tpu.memory_space<hbm>>, %arg5: memref<10240x128xf32, #tpu.memory_space<vmem_shared>>, %arg6: memref<2048xf32, #tpu.memory_space<vmem>>, %arg7: memref<2048xf32, #tpu.memory_space<vmem>>, %arg8: memref<128x128xf32, #tpu.memory_space<vmem>>, %arg9: memref<128x128xf32, #tpu.memory_space<vmem>>, %arg10: memref<80x128xi32, #tpu.memory_space<vmem>>, %arg11: memref<!tpu.dma_semaphore, #tpu.memory_space<semaphore_mem>>, %arg12: memref<!tpu.dma_semaphore, #tpu.memory_space<semaphore_mem>>, %arg13: memref<!tpu.dma_semaphore, #tpu.memory_space<semaphore_mem>>, %arg14: memref<!tpu.dma_semaphore, #tpu.memory_space<semaphore_mem>>) attributes {dimension_semantics = [#tpu.dimension_semantics<core_parallel>, #tpu.dimension_semantics<subcore_parallel>], iteration_bounds = array<i64: 2, 16>, scalar_prefetch = 0 : i64, scratch_operands = 10 : i64, tpu.core_type = #tpu.core_type<sc_vector_subcore>, window_params = [{transform_indices = #map}, {transform_indices = #map}, {transform_indices = #map}]} {
    %mul3A = arith.constant 16 : i32
    %mul3A_0 = arith.muli %arg0, %mul3A : i32
    %add3A = arith.addi %mul3A_0, %arg1 : i32
    %scan3A = arith.constant 0 : i32
    %scan3A_1 = arith.constant 0 : i32
    %scan3A_2 = arith.constant 128 : i32
    %scan3A_3 = arith.addi %scan3A_1, %scan3A_2 : i32
    %scan3A_4 = arith.constant 1 : i32
    scf.for %scan3A_48 = %scan3A_1 to %scan3A_3 step %scan3A_4  : i32 {
      %broadcast_in_dim3A = arith.constant 0.000000e+00 : f32
      %broadcast_in_dim3A_49 = vector.broadcast %broadcast_in_dim3A : f32 to vector<16xf32>
      %swap3A = arith.index_cast %scan3A_48 : i32 to index
      %swap3A_50 = arith.constant 0 : index
      %swap3A_51 = tpu.vector_load %arg8[%swap3A, %swap3A_50] {strides = array<i32>} : memref<128x128xf32, #tpu.memory_space<vmem>>, vector<1x16xf32>,
      %swap3A_52 = vector.shape_cast %swap3A_51 : vector<1x16xf32> to vector<16xf32>
      %swap3A_53 = vector.shape_cast %broadcast_in_dim3A_49 : vector<16xf32> to vector<1x16xf32>
      tpu.vector_store %arg8[%swap3A, %swap3A_50], %swap3A_53 {strides = array<i32>} : memref<128x128xf32, #tpu.memory_space<vmem>>, vector<1x16xf32>,
      %broadcast_in_dim3A_54 = arith.constant 0.000000e+00 : f32
      %broadcast_in_dim3A_55 = vector.broadcast %broadcast_in_dim3A_54 : f32 to vector<16xf32>
      %swap3A_56 = arith.index_cast %scan3A_48 : i32 to index
      %swap3A_57 = arith.constant 16 : index
      %swap3A_58 = tpu.vector_load %arg8[%swap3A_56, %swap3A_57] {strides = array<i32>} : memref<128x128xf32, #tpu.memory_space<vmem>>, vector<1x16xf32>,
      %swap3A_59 = vector.shape_cast %swap3A_58 : vector<1x16xf32> to vector<16xf32>
      %swap3A_60 = vector.shape_cast %broadcast_in_dim3A_55 : vector<16xf32> to vector<1x16xf32>
      tpu.vector_store %arg8[%swap3A_56, %swap3A_57], %swap3A_60 {strides = array<i32>} : memref<128x128xf32, #tpu.memory_space<vmem>>, vector<1x16xf32>,
      %broadcast_in_dim3A_61 = arith.constant 0.000000e+00 : f32
      %broadcast_in_dim3A_62 = vector.broadcast %broadcast_in_dim3A_61 : f32 to vector<16xf32>
      %swap3A_63 = arith.index_cast %scan3A_48 : i32 to index
      %swap3A_64 = arith.constant 32 : index
      %swap3A_65 = tpu.vector_load %arg8[%swap3A_63, %swap3A_64] {strides = array<i32>} : memref<128x128xf32, #tpu.memory_space<vmem>>, vector<1x16xf32>,
      %swap3A_66 = vector.shape_cast %swap3A_65 : vector<1x16xf32> to vector<16xf32>
      %swap3A_67 = vector.shape_cast %broadcast_in_dim3A_62 : vector<16xf32> to vector<1x16xf32>
      tpu.vector_store %arg8[%swap3A_63, %swap3A_64], %swap3A_67 {strides = array<i32>} : memref<128x128xf32, #tpu.memory_space<vmem>>, vector<1x16xf32>,
      %broadcast_in_dim3A_68 = arith.constant 0.000000e+00 : f32
      %broadcast_in_dim3A_69 = vector.broadcast %broadcast_in_dim3A_68 : f32 to vector<16xf32>
      %swap3A_70 = arith.index_cast %scan3A_48 : i32 to index
      %swap3A_71 = arith.constant 48 : index
      %swap3A_72 = tpu.vector_load %arg8[%swap3A_70, %swap3A_71] {strides = array<i32>} : memref<128x128xf32, #tpu.memory_space<vmem>>, vector<1x16xf32>,
      %swap3A_73 = vector.shape_cast %swap3A_72 : vector<1x16xf32> to vector<16xf32>
      %swap3A_74 = vector.shape_cast %broadcast_in_dim3A_69 : vector<16xf32> to vector<1x16xf32>
      tpu.vector_store %arg8[%swap3A_70, %swap3A_71], %swap3A_74 {strides = array<i32>} : memref<128x128xf32, #tpu.memory_space<vmem>>, vector<1x16xf32>,
      %broadcast_in_dim3A_75 = arith.constant 0.000000e+00 : f32
      %broadcast_in_dim3A_76 = vector.broadcast %broadcast_in_dim3A_75 : f32 to vector<16xf32>
      %swap3A_77 = arith.index_cast %scan3A_48 : i32 to index
      %swap3A_78 = arith.constant 64 : index
      %swap3A_79 = tpu.vector_load %arg8[%swap3A_77, %swap3A_78] {strides = array<i32>} : memref<128x128xf32, #tpu.memory_space<vmem>>, vector<1x16xf32>,
      %swap3A_80 = vector.shape_cast %swap3A_79 : vector<1x16xf32> to vector<16xf32>
      %swap3A_81 = vector.shape_cast %broadcast_in_dim3A_76 : vector<16xf32> to vector<1x16xf32>
      tpu.vector_store %arg8[%swap3A_77, %swap3A_78], %swap3A_81 {strides = array<i32>} : memref<128x128xf32, #tpu.memory_space<vmem>>, vector<1x16xf32>,
      %broadcast_in_dim3A_82 = arith.constant 0.000000e+00 : f32
      %broadcast_in_dim3A_83 = vector.broadcast %broadcast_in_dim3A_82 : f32 to vector<16xf32>
      %swap3A_84 = arith.index_cast %scan3A_48 : i32 to index
      %swap3A_85 = arith.constant 80 : index
      %swap3A_86 = tpu.vector_load %arg8[%swap3A_84, %swap3A_85] {strides = array<i32>} : memref<128x128xf32, #tpu.memory_space<vmem>>, vector<1x16xf32>,
      %swap3A_87 = vector.shape_cast %swap3A_86 : vector<1x16xf32> to vector<16xf32>
      %swap3A_88 = vector.shape_cast %broadcast_in_dim3A_83 : vector<16xf32> to vector<1x16xf32>
      tpu.vector_store %arg8[%swap3A_84, %swap3A_85], %swap3A_88 {strides = array<i32>} : memref<128x128xf32, #tpu.memory_space<vmem>>, vector<1x16xf32>,
      %broadcast_in_dim3A_89 = arith.constant 0.000000e+00 : f32
      %broadcast_in_dim3A_90 = vector.broadcast %broadcast_in_dim3A_89 : f32 to vector<16xf32>
      %swap3A_91 = arith.index_cast %scan3A_48 : i32 to index
      %swap3A_92 = arith.constant 96 : index
      %swap3A_93 = tpu.vector_load %arg8[%swap3A_91, %swap3A_92] {strides = array<i32>} : memref<128x128xf32, #tpu.memory_space<vmem>>, vector<1x16xf32>,
      %swap3A_94 = vector.shape_cast %swap3A_93 : vector<1x16xf32> to vector<16xf32>
      %swap3A_95 = vector.shape_cast %broadcast_in_dim3A_90 : vector<16xf32> to vector<1x16xf32>
      tpu.vector_store %arg8[%swap3A_91, %swap3A_92], %swap3A_95 {strides = array<i32>} : memref<128x128xf32, #tpu.memory_space<vmem>>, vector<1x16xf32>,
      %broadcast_in_dim3A_96 = arith.constant 0.000000e+00 : f32
      %broadcast_in_dim3A_97 = vector.broadcast %broadcast_in_dim3A_96 : f32 to vector<16xf32>
      %swap3A_98 = arith.index_cast %scan3A_48 : i32 to index
      %swap3A_99 = arith.constant 112 : index
      %swap3A_100 = tpu.vector_load %arg8[%swap3A_98, %swap3A_99] {strides = array<i32>} : memref<128x128xf32, #tpu.memory_space<vmem>>, vector<1x16xf32>,
      %swap3A_101 = vector.shape_cast %swap3A_100 : vector<1x16xf32> to vector<16xf32>
      %swap3A_102 = vector.shape_cast %broadcast_in_dim3A_97 : vector<16xf32> to vector<1x16xf32>
      tpu.vector_store %arg8[%swap3A_98, %swap3A_99], %swap3A_102 {strides = array<i32>} : memref<128x128xf32, #tpu.memory_space<vmem>>, vector<1x16xf32>,
    }
    %scan3A_5 = arith.constant 128 : i32
    %scan3A_6 = arith.constant 0 : i32
    %scan3A_7 = arith.constant 0 : i32
    %scan3A_8 = arith.constant 128 : i32
    %scan3A_9 = arith.addi %scan3A_7, %scan3A_8 : i32
    %scan3A_10 = arith.constant 1 : i32
    scf.for %scan3A_48 = %scan3A_7 to %scan3A_9 step %scan3A_10  : i32 {
      %broadcast_in_dim3A = arith.constant 0.000000e+00 : f32
      %broadcast_in_dim3A_49 = vector.broadcast %broadcast_in_dim3A : f32 to vector<16xf32>
      %swap3A = arith.index_cast %scan3A_48 : i32 to index
      %swap3A_50 = arith.constant 0 : index
      %swap3A_51 = tpu.vector_load %arg9[%swap3A, %swap3A_50] {strides = array<i32>} : memref<128x128xf32, #tpu.memory_space<vmem>>, vector<1x16xf32>,
      %swap3A_52 = vector.shape_cast %swap3A_51 : vector<1x16xf32> to vector<16xf32>
      %swap3A_53 = vector.shape_cast %broadcast_in_dim3A_49 : vector<16xf32> to vector<1x16xf32>
      tpu.vector_store %arg9[%swap3A, %swap3A_50], %swap3A_53 {strides = array<i32>} : memref<128x128xf32, #tpu.memory_space<vmem>>, vector<1x16xf32>,
      %broadcast_in_dim3A_54 = arith.constant 0.000000e+00 : f32
      %broadcast_in_dim3A_55 = vector.broadcast %broadcast_in_dim3A_54 : f32 to vector<16xf32>
      %swap3A_56 = arith.index_cast %scan3A_48 : i32 to index
      %swap3A_57 = arith.constant 16 : index
      %swap3A_58 = tpu.vector_load %arg9[%swap3A_56, %swap3A_57] {strides = array<i32>} : memref<128x128xf32, #tpu.memory_space<vmem>>, vector<1x16xf32>,
      %swap3A_59 = vector.shape_cast %swap3A_58 : vector<1x16xf32> to vector<16xf32>
      %swap3A_60 = vector.shape_cast %broadcast_in_dim3A_55 : vector<16xf32> to vector<1x16xf32>
      tpu.vector_store %arg9[%swap3A_56, %swap3A_57], %swap3A_60 {strides = array<i32>} : memref<128x128xf32, #tpu.memory_space<vmem>>, vector<1x16xf32>,
      %broadcast_in_dim3A_61 = arith.constant 0.000000e+00 : f32
      %broadcast_in_dim3A_62 = vector.broadcast %broadcast_in_dim3A_61 : f32 to vector<16xf32>
      %swap3A_63 = arith.index_cast %scan3A_48 : i32 to index
      %swap3A_64 = arith.constant 32 : index
      %swap3A_65 = tpu.vector_load %arg9[%swap3A_63, %swap3A_64] {strides = array<i32>} : memref<128x128xf32, #tpu.memory_space<vmem>>, vector<1x16xf32>,
      %swap3A_66 = vector.shape_cast %swap3A_65 : vector<1x16xf32> to vector<16xf32>
      %swap3A_67 = vector.shape_cast %broadcast_in_dim3A_62 : vector<16xf32> to vector<1x16xf32>
      tpu.vector_store %arg9[%swap3A_63, %swap3A_64], %swap3A_67 {strides = array<i32>} : memref<128x128xf32, #tpu.memory_space<vmem>>, vector<1x16xf32>,
      %broadcast_in_dim3A_68 = arith.constant 0.000000e+00 : f32
      %broadcast_in_dim3A_69 = vector.broadcast %broadcast_in_dim3A_68 : f32 to vector<16xf32>
      %swap3A_70 = arith.index_cast %scan3A_48 : i32 to index
      %swap3A_71 = arith.constant 48 : index
      %swap3A_72 = tpu.vector_load %arg9[%swap3A_70, %swap3A_71] {strides = array<i32>} : memref<128x128xf32, #tpu.memory_space<vmem>>, vector<1x16xf32>,
      %swap3A_73 = vector.shape_cast %swap3A_72 : vector<1x16xf32> to vector<16xf32>
      %swap3A_74 = vector.shape_cast %broadcast_in_dim3A_69 : vector<16xf32> to vector<1x16xf32>
      tpu.vector_store %arg9[%swap3A_70, %swap3A_71], %swap3A_74 {strides = array<i32>} : memref<128x128xf32, #tpu.memory_space<vmem>>, vector<1x16xf32>,
      %broadcast_in_dim3A_75 = arith.constant 0.000000e+00 : f32
      %broadcast_in_dim3A_76 = vector.broadcast %broadcast_in_dim3A_75 : f32 to vector<16xf32>
      %swap3A_77 = arith.index_cast %scan3A_48 : i32 to index
      %swap3A_78 = arith.constant 64 : index
      %swap3A_79 = tpu.vector_load %arg9[%swap3A_77, %swap3A_78] {strides = array<i32>} : memref<128x128xf32, #tpu.memory_space<vmem>>, vector<1x16xf32>,
      %swap3A_80 = vector.shape_cast %swap3A_79 : vector<1x16xf32> to vector<16xf32>
      %swap3A_81 = vector.shape_cast %broadcast_in_dim3A_76 : vector<16xf32> to vector<1x16xf32>
      tpu.vector_store %arg9[%swap3A_77, %swap3A_78], %swap3A_81 {strides = array<i32>} : memref<128x128xf32, #tpu.memory_space<vmem>>, vector<1x16xf32>,
      %broadcast_in_dim3A_82 = arith.constant 0.000000e+00 : f32
      %broadcast_in_dim3A_83 = vector.broadcast %broadcast_in_dim3A_82 : f32 to vector<16xf32>
      %swap3A_84 = arith.index_cast %scan3A_48 : i32 to index
      %swap3A_85 = arith.constant 80 : index
      %swap3A_86 = tpu.vector_load %arg9[%swap3A_84, %swap3A_85] {strides = array<i32>} : memref<128x128xf32, #tpu.memory_space<vmem>>, vector<1x16xf32>,
      %swap3A_87 = vector.shape_cast %swap3A_86 : vector<1x16xf32> to vector<16xf32>
      %swap3A_88 = vector.shape_cast %broadcast_in_dim3A_83 : vector<16xf32> to vector<1x16xf32>
      tpu.vector_store %arg9[%swap3A_84, %swap3A_85], %swap3A_88 {strides = array<i32>} : memref<128x128xf32, #tpu.memory_space<vmem>>, vector<1x16xf32>,
      %broadcast_in_dim3A_89 = arith.constant 0.000000e+00 : f32
      %broadcast_in_dim3A_90 = vector.broadcast %broadcast_in_dim3A_89 : f32 to vector<16xf32>
      %swap3A_91 = arith.index_cast %scan3A_48 : i32 to index
      %swap3A_92 = arith.constant 96 : index
      %swap3A_93 = tpu.vector_load %arg9[%swap3A_91, %swap3A_92] {strides = array<i32>} : memref<128x128xf32, #tpu.memory_space<vmem>>, vector<1x16xf32>,
      %swap3A_94 = vector.shape_cast %swap3A_93 : vector<1x16xf32> to vector<16xf32>
      %swap3A_95 = vector.shape_cast %broadcast_in_dim3A_90 : vector<16xf32> to vector<1x16xf32>
      tpu.vector_store %arg9[%swap3A_91, %swap3A_92], %swap3A_95 {strides = array<i32>} : memref<128x128xf32, #tpu.memory_space<vmem>>, vector<1x16xf32>,
      %broadcast_in_dim3A_96 = arith.constant 0.000000e+00 : f32
      %broadcast_in_dim3A_97 = vector.broadcast %broadcast_in_dim3A_96 : f32 to vector<16xf32>
      %swap3A_98 = arith.index_cast %scan3A_48 : i32 to index
      %swap3A_99 = arith.constant 112 : index
      %swap3A_100 = tpu.vector_load %arg9[%swap3A_98, %swap3A_99] {strides = array<i32>} : memref<128x128xf32, #tpu.memory_space<vmem>>, vector<1x16xf32>,
      %swap3A_101 = vector.shape_cast %swap3A_100 : vector<1x16xf32> to vector<16xf32>
      %swap3A_102 = vector.shape_cast %broadcast_in_dim3A_97 : vector<16xf32> to vector<1x16xf32>
      tpu.vector_store %arg9[%swap3A_98, %swap3A_99], %swap3A_102 {strides = array<i32>} : memref<128x128xf32, #tpu.memory_space<vmem>>, vector<1x16xf32>,
    }
    %scan3A_11 = arith.constant 128 : i32
    %scan3A_12 = arith.constant 0 : i32
    %scan3A_13 = arith.constant 0 : i32
    %scan3A_14 = arith.constant 5 : i32
    %scan3A_15 = arith.addi %scan3A_13, %scan3A_14 : i32
    %scan3A_16 = arith.constant 1 : i32
    scf.for %scan3A_48 = %scan3A_13 to %scan3A_15 step %scan3A_16  : i32 {
      %mul3A_49 = arith.constant 640 : i32
      %mul3A_50 = arith.muli %arg1, %mul3A_49 : i32
      %mul3A_51 = arith.constant 128 : i32
      %mul3A_52 = arith.muli %scan3A_48, %mul3A_51 : i32
      %add3A_53 = arith.addi %mul3A_50, %mul3A_52 : i32
      "tpu.region"() ({
        %run_scoped3A = tpu.sem_alloc : memref<!tpu.dma_semaphore, #tpu.memory_space<semaphore_mem>>
        %dma_start3A_54 = arith.constant 0 : i32
        %dma_start3A_55 = tpu.memref_slice %arg5[%add3A_53, %dma_start3A_54] : memref<10240x128xf32, #tpu.memory_space<vmem_shared>> -> memref<128x128xf32, #tpu.memory_space<vmem_shared>>
        %dma_start3A_56 = arith.constant 0 : i32
        %dma_start3A_57 = tpu.memref_slice %arg5[%add3A_53, %dma_start3A_56] : memref<10240x128xf32, #tpu.memory_space<vmem_shared>> -> memref<128x128xf32, #tpu.memory_space<vmem_shared>>
        tpu.enqueue_dma source(%arg8 : memref<128x128xf32, #tpu.memory_space<vmem>>) target(%dma_start3A_57 : memref<128x128xf32, #tpu.memory_space<vmem_shared>>) target_semaphore(%run_scoped3A : memref<!tpu.dma_semaphore, #tpu.memory_space<semaphore_mem>>)
        %dma_wait3A_58 = arith.constant 0 : i32
        %dma_wait3A_59 = tpu.memref_slice %arg5[%add3A_53, %dma_wait3A_58] : memref<10240x128xf32, #tpu.memory_space<vmem_shared>> -> memref<128x128xf32, #tpu.memory_space<vmem_shared>>
        %dma_wait3A_60 = arith.constant 0 : i32
        %dma_wait3A_61 = tpu.memref_slice %arg5[%add3A_53, %dma_wait3A_60] : memref<10240x128xf32, #tpu.memory_space<vmem_shared>> -> memref<128x128xf32, #tpu.memory_space<vmem_shared>>
        tpu.wait_dma2 semaphore(%run_scoped3A : memref<!tpu.dma_semaphore, #tpu.memory_space<semaphore_mem>>) src(%arg8 : memref<128x128xf32, #tpu.memory_space<vmem>>) dst(%dma_wait3A_61 : memref<128x128xf32, #tpu.memory_space<vmem_shared>>)
        tpu.yield
      }) : () -> ()
    }
    %scan3A_17 = arith.constant 5 : i32
    %barrier3A = arith.constant 0 : index
    tpu.barrier barrier_id(%barrier3A)
    "tpu.region"() ({
      %run_scoped3A = tpu.sem_alloc : memref<!tpu.dma_semaphore, #tpu.memory_space<semaphore_mem>>
      %dma_start3A_48 = arith.constant 0 : i32
      %dma_start3A_49 = arith.constant 0 : i32
      %dma_start3A_50 = tpu.memref_slice %arg3[%add3A, %dma_start3A_48, %dma_start3A_49] : memref<32x80x128xi32, #tpu.memory_space<hbm>> -> memref<1x80x128xi32, #tpu.memory_space<hbm>>
      %dma_start3A_51 = tpu.memref_squeeze %dma_start3A_50 : memref<1x80x128xi32, #tpu.memory_space<hbm>> -> memref<80x128xi32, #tpu.memory_space<hbm>>
      %dma_start3A_52 = arith.constant 0 : i32
      %dma_start3A_53 = arith.constant 0 : i32
      %dma_start3A_54 = tpu.memref_slice %arg3[%add3A, %dma_start3A_52, %dma_start3A_53] : memref<32x80x128xi32, #tpu.memory_space<hbm>> -> memref<1x80x128xi32, #tpu.memory_space<hbm>>
      %dma_start3A_55 = tpu.memref_squeeze %dma_start3A_54 : memref<1x80x128xi32, #tpu.memory_space<hbm>> -> memref<80x128xi32, #tpu.memory_space<hbm>>
      tpu.enqueue_dma source(%dma_start3A_55 : memref<80x128xi32, #tpu.memory_space<hbm>>) target(%arg10 : memref<80x128xi32, #tpu.memory_space<vmem>>) target_semaphore(%run_scoped3A : memref<!tpu.dma_semaphore, #tpu.memory_space<semaphore_mem>>)
      %dma_wait3A_56 = arith.constant 0 : i32
      %dma_wait3A_57 = arith.constant 0 : i32
      %dma_wait3A_58 = tpu.memref_slice %arg3[%add3A, %dma_wait3A_56, %dma_wait3A_57] : memref<32x80x128xi32, #tpu.memory_space<hbm>> -> memref<1x80x128xi32, #tpu.memory_space<hbm>>
      %dma_wait3A_59 = tpu.memref_squeeze %dma_wait3A_58 : memref<1x80x128xi32, #tpu.memory_space<hbm>> -> memref<80x128xi32, #tpu.memory_space<hbm>>
      %dma_wait3A_60 = arith.constant 0 : i32
      %dma_wait3A_61 = arith.constant 0 : i32
      %dma_wait3A_62 = tpu.memref_slice %arg3[%add3A, %dma_wait3A_60, %dma_wait3A_61] : memref<32x80x128xi32, #tpu.memory_space<hbm>> -> memref<1x80x128xi32, #tpu.memory_space<hbm>>
      %dma_wait3A_63 = tpu.memref_squeeze %dma_wait3A_62 : memref<1x80x128xi32, #tpu.memory_space<hbm>> -> memref<80x128xi32, #tpu.memory_space<hbm>>
      tpu.wait_dma2 semaphore(%run_scoped3A : memref<!tpu.dma_semaphore, #tpu.memory_space<semaphore_mem>>) src(%dma_wait3A_63 : memref<80x128xi32, #tpu.memory_space<hbm>>) dst(%arg10 : memref<80x128xi32, #tpu.memory_space<vmem>>)
      tpu.yield
    }) : () -> ()
    %dma_start3A = arith.constant 0 : i32
    %dma_start3A_18 = arith.constant 0 : i32
    %dma_start3A_19 = tpu.memref_slice %arg2[%add3A, %dma_start3A, %dma_start3A_18] : memref<32x80x2048xf32, #tpu.memory_space<hbm>> -> memref<1x1x2048xf32, #tpu.memory_space<hbm>>
    %dma_start3A_20 = tpu.memref_squeeze %dma_start3A_19 : memref<1x1x2048xf32, #tpu.memory_space<hbm>> -> memref<2048xf32, #tpu.memory_space<hbm>>
    %dma_start3A_21 = arith.constant 0 : i32
    %dma_start3A_22 = tpu.memref_slice %arg2[%add3A, %dma_start3A, %dma_start3A_21] : memref<32x80x2048xf32, #tpu.memory_space<hbm>> -> memref<1x1x2048xf32, #tpu.memory_space<hbm>>
    %dma_start3A_23 = tpu.memref_squeeze %dma_start3A_22 : memref<1x1x2048xf32, #tpu.memory_space<hbm>> -> memref<2048xf32, #tpu.memory_space<hbm>>
    tpu.enqueue_dma source(%dma_start3A_23 : memref<2048xf32, #tpu.memory_space<hbm>>) target(%arg6 : memref<2048xf32, #tpu.memory_space<vmem>>) target_semaphore(%arg11 : memref<!tpu.dma_semaphore, #tpu.memory_space<semaphore_mem>>)
    %scan3A_24 = arith.constant 0 : i32
    %scan3A_25 = arith.constant 0 : i32
    %scan3A_26 = arith.constant 40 : i32
    %scan3A_27 = arith.addi %scan3A_25, %scan3A_26 : i32
    %scan3A_28 = arith.constant 1 : i32
    scf.for %scan3A_48 = %scan3A_25 to %scan3A_27 step %scan3A_28  : i32 {
      %mul3A_49 = arith.constant 2 : i32
      %mul3A_50 = arith.muli %mul3A_49, %scan3A_48 : i32
      %dma_wait3A_51 = arith.constant 0 : i32
      %dma_wait3A_52 = arith.constant 0 : i32
      %dma_wait3A_53 = arith.constant 0 : i32
      %dma_wait3A_54 = tpu.memref_slice %arg2[%dma_wait3A_51, %dma_wait3A_52, %dma_wait3A_53] : memref<32x80x2048xf32, #tpu.memory_space<hbm>> -> memref<1x1x2048xf32, #tpu.memory_space<hbm>>
      %dma_wait3A_55 = tpu.memref_squeeze %dma_wait3A_54 : memref<1x1x2048xf32, #tpu.memory_space<hbm>> -> memref<2048xf32, #tpu.memory_space<hbm>>
      %dma_wait3A_56 = arith.constant 0 : i32
      %dma_wait3A_57 = tpu.memref_slice %arg2[%dma_wait3A_51, %dma_wait3A_52, %dma_wait3A_56] : memref<32x80x2048xf32, #tpu.memory_space<hbm>> -> memref<1x1x2048xf32, #tpu.memory_space<hbm>>
      %dma_wait3A_58 = tpu.memref_squeeze %dma_wait3A_57 : memref<1x1x2048xf32, #tpu.memory_space<hbm>> -> memref<2048xf32, #tpu.memory_space<hbm>>
      tpu.wait_dma2 semaphore(%arg11 : memref<!tpu.dma_semaphore, #tpu.memory_space<semaphore_mem>>) src(%dma_wait3A_58 : memref<2048xf32, #tpu.memory_space<hbm>>) dst(%arg6 : memref<2048xf32, #tpu.memory_space<vmem>>)
      %add3A_59 = arith.constant 1 : i32
      %add3A_60 = arith.addi %mul3A_50, %add3A_59 : i32
      %dma_start3A_61 = arith.constant 0 : i32
      %dma_start3A_62 = tpu.memref_slice %arg2[%add3A, %add3A_60, %dma_start3A_61] : memref<32x80x2048xf32, #tpu.memory_space<hbm>> -> memref<1x1x2048xf32, #tpu.memory_space<hbm>>
      %dma_start3A_63 = tpu.memref_squeeze %dma_start3A_62 : memref<1x1x2048xf32, #tpu.memory_space<hbm>> -> memref<2048xf32, #tpu.memory_space<hbm>>
      %dma_start3A_64 = arith.constant 0 : i32
      %dma_start3A_65 = tpu.memref_slice %arg2[%add3A, %add3A_60, %dma_start3A_64] : memref<32x80x2048xf32, #tpu.memory_space<hbm>> -> memref<1x1x2048xf32, #tpu.memory_space<hbm>>
      %dma_start3A_66 = tpu.memref_squeeze %dma_start3A_65 : memref<1x1x2048xf32, #tpu.memory_space<hbm>> -> memref<2048xf32, #tpu.memory_space<hbm>>
      tpu.enqueue_dma source(%dma_start3A_66 : memref<2048xf32, #tpu.memory_space<hbm>>) target(%arg7 : memref<2048xf32, #tpu.memory_space<vmem>>) target_semaphore(%arg12 : memref<!tpu.dma_semaphore, #tpu.memory_space<semaphore_mem>>)
      %gt3A = arith.constant 0 : i32
      %gt3A_67 = arith.cmpi sgt, %scan3A_48, %gt3A : i32
      %convert_element_type3A = arith.extui %gt3A_67 : i1 to i32
      %cond3A = arith.constant 0 : i32
      %cond3A_68 = arith.cmpi ne, %convert_element_type3A, %cond3A : i32
      scf.if %cond3A_68 {
        %dma_wait3A_112 = arith.constant 0 : i32
        %dma_wait3A_113 = arith.constant 0 : i32
        %dma_wait3A_114 = tpu.memref_slice %arg5[%dma_wait3A_112, %dma_wait3A_113] : memref<10240x128xf32, #tpu.memory_space<vmem_shared>> -> memref<128x128xf32, #tpu.memory_space<vmem_shared>>
        %dma_wait3A_115 = arith.constant 0 : i32
        %dma_wait3A_116 = arith.constant 0 : i32
        %dma_wait3A_117 = tpu.memref_slice %arg5[%dma_wait3A_115, %dma_wait3A_116] : memref<10240x128xf32, #tpu.memory_space<vmem_shared>> -> memref<128x128xf32, #tpu.memory_space<vmem_shared>>
        tpu.wait_dma2 semaphore(%arg13 : memref<!tpu.dma_semaphore, #tpu.memory_space<semaphore_mem>>) src(%arg8 : memref<128x128xf32, #tpu.memory_space<vmem>>) dst(%dma_wait3A_117 : memref<128x128xf32, #tpu.memory_space<vmem_shared>>)
      } else {
      }
      %scan3A_69 = arith.constant 0 : i32
      %scan3A_70 = arith.constant 0 : i32
      %scan3A_71 = arith.constant 32 : i32
      %scan3A_72 = arith.addi %scan3A_70, %scan3A_71 : i32
      %scan3A_73 = arith.constant 1 : i32
      scf.for %scan3A_112 = %scan3A_70 to %scan3A_72 step %scan3A_73  : i32 {
        %mul3A_113 = arith.constant 4 : i32
        %mul3A_114 = arith.muli %scan3A_112, %mul3A_113 : i32
        %add3A_115 = arith.constant 0 : i32
        %add3A_116 = arith.addi %mul3A_114, %add3A_115 : i32
        %mul3A_117 = arith.constant 16 : i32
        %mul3A_118 = arith.muli %add3A_116, %mul3A_117 : i32
        %get3A = arith.index_cast %mul3A_118 : i32 to index
        %get3A_119 = tpu.vector_load %arg6[%get3A] {strides = array<i32>} : memref<2048xf32, #tpu.memory_space<vmem>>, vector<16xf32>,
        %get3A_120 = vector.shape_cast %get3A_119 : vector<16xf32> to vector<16xf32>
        %swap3A = arith.index_cast %add3A_116 : i32 to index
        %swap3A_121 = arith.constant 0 : index
        %swap3A_122 = tpu.vector_load %arg8[%swap3A, %swap3A_121] {strides = array<i32>} : memref<128x128xf32, #tpu.memory_space<vmem>>, vector<1x16xf32>,
        %swap3A_123 = vector.shape_cast %swap3A_122 : vector<1x16xf32> to vector<16xf32>
        %swap3A_124 = vector.shape_cast %get3A_120 : vector<16xf32> to vector<1x16xf32>
        tpu.vector_store %arg8[%swap3A, %swap3A_121], %swap3A_124 {strides = array<i32>} : memref<128x128xf32, #tpu.memory_space<vmem>>, vector<1x16xf32>,
        %mul3A_125 = arith.constant 4 : i32
        %mul3A_126 = arith.muli %scan3A_112, %mul3A_125 : i32
        %add3A_127 = arith.constant 1 : i32
        %add3A_128 = arith.addi %mul3A_126, %add3A_127 : i32
        %mul3A_129 = arith.constant 16 : i32
        %mul3A_130 = arith.muli %add3A_128, %mul3A_129 : i32
        %get3A_131 = arith.index_cast %mul3A_130 : i32 to index
        %get3A_132 = tpu.vector_load %arg6[%get3A_131] {strides = array<i32>} : memref<2048xf32, #tpu.memory_space<vmem>>, vector<16xf32>,
        %get3A_133 = vector.shape_cast %get3A_132 : vector<16xf32> to vector<16xf32>
        %swap3A_134 = arith.index_cast %add3A_128 : i32 to index
        %swap3A_135 = arith.constant 0 : index
        %swap3A_136 = tpu.vector_load %arg8[%swap3A_134, %swap3A_135] {strides = array<i32>} : memref<128x128xf32, #tpu.memory_space<vmem>>, vector<1x16xf32>,
        %swap3A_137 = vector.shape_cast %swap3A_136 : vector<1x16xf32> to vector<16xf32>
        %swap3A_138 = vector.shape_cast %get3A_133 : vector<16xf32> to vector<1x16xf32>
        tpu.vector_store %arg8[%swap3A_134, %swap3A_135], %swap3A_138 {strides = array<i32>} : memref<128x128xf32, #tpu.memory_space<vmem>>, vector<1x16xf32>,
        %mul3A_139 = arith.constant 4 : i32
        %mul3A_140 = arith.muli %scan3A_112, %mul3A_139 : i32
        %add3A_141 = arith.constant 2 : i32
        %add3A_142 = arith.addi %mul3A_140, %add3A_141 : i32
        %mul3A_143 = arith.constant 16 : i32
        %mul3A_144 = arith.muli %add3A_142, %mul3A_143 : i32
        %get3A_145 = arith.index_cast %mul3A_144 : i32 to index
        %get3A_146 = tpu.vector_load %arg6[%get3A_145] {strides = array<i32>} : memref<2048xf32, #tpu.memory_space<vmem>>, vector<16xf32>,
        %get3A_147 = vector.shape_cast %get3A_146 : vector<16xf32> to vector<16xf32>
        %swap3A_148 = arith.index_cast %add3A_142 : i32 to index
        %swap3A_149 = arith.constant 0 : index
        %swap3A_150 = tpu.vector_load %arg8[%swap3A_148, %swap3A_149] {strides = array<i32>} : memref<128x128xf32, #tpu.memory_space<vmem>>, vector<1x16xf32>,
        %swap3A_151 = vector.shape_cast %swap3A_150 : vector<1x16xf32> to vector<16xf32>
        %swap3A_152 = vector.shape_cast %get3A_147 : vector<16xf32> to vector<1x16xf32>
        tpu.vector_store %arg8[%swap3A_148, %swap3A_149], %swap3A_152 {strides = array<i32>} : memref<128x128xf32, #tpu.memory_space<vmem>>, vector<1x16xf32>,
        %mul3A_153 = arith.constant 4 : i32
        %mul3A_154 = arith.muli %scan3A_112, %mul3A_153 : i32
        %add3A_155 = arith.constant 3 : i32
        %add3A_156 = arith.addi %mul3A_154, %add3A_155 : i32
        %mul3A_157 = arith.constant 16 : i32
        %mul3A_158 = arith.muli %add3A_156, %mul3A_157 : i32
        %get3A_159 = arith.index_cast %mul3A_158 : i32 to index
        %get3A_160 = tpu.vector_load %arg6[%get3A_159] {strides = array<i32>} : memref<2048xf32, #tpu.memory_space<vmem>>, vector<16xf32>,
        %get3A_161 = vector.shape_cast %get3A_160 : vector<16xf32> to vector<16xf32>
        %swap3A_162 = arith.index_cast %add3A_156 : i32 to index
        %swap3A_163 = arith.constant 0 : index
        %swap3A_164 = tpu.vector_load %arg8[%swap3A_162, %swap3A_163] {strides = array<i32>} : memref<128x128xf32, #tpu.memory_space<vmem>>, vector<1x16xf32>,
        %swap3A_165 = vector.shape_cast %swap3A_164 : vector<1x16xf32> to vector<16xf32>
        %swap3A_166 = vector.shape_cast %get3A_161 : vector<16xf32> to vector<1x16xf32>
        tpu.vector_store %arg8[%swap3A_162, %swap3A_163], %swap3A_166 {strides = array<i32>} : memref<128x128xf32, #tpu.memory_space<vmem>>, vector<1x16xf32>,
      }
      %scan3A_74 = arith.constant 32 : i32
      %dma_start3A_75 = arith.constant 0 : i32
      %dma_start3A_76 = tpu.memref_slice %arg10[%mul3A_50, %dma_start3A_75] : memref<80x128xi32, #tpu.memory_space<vmem>> -> memref<1x128xi32, #tpu.memory_space<vmem>>
      %dma_start3A_77 = tpu.memref_squeeze %dma_start3A_76 : memref<1x128xi32, #tpu.memory_space<vmem>> -> memref<128xi32, #tpu.memory_space<vmem>>
      %dma_start3A_78 = arith.constant 0 : i32
      %dma_start3A_79 = arith.constant 0 : i32
      %dma_start3A_80 = tpu.memref_slice %arg5[%dma_start3A_78, %dma_start3A_79] : memref<10240x128xf32, #tpu.memory_space<vmem_shared>> -> memref<10240x128xf32, #tpu.memory_space<vmem_shared>>
      tpu.enqueue_indirect_dma source(%arg8 : memref<128x128xf32, #tpu.memory_space<vmem>>) target(%dma_start3A_80 : memref<10240x128xf32, #tpu.memory_space<vmem_shared>>) offsets(%dma_start3A_77 : memref<128xi32, #tpu.memory_space<vmem>>) semaphore(%arg13 : memref<!tpu.dma_semaphore, #tpu.memory_space<semaphore_mem>>) {add = true}
      %dma_wait3A_81 = arith.constant 0 : i32
      %dma_wait3A_82 = arith.constant 0 : i32
      %dma_wait3A_83 = arith.constant 0 : i32
      %dma_wait3A_84 = tpu.memref_slice %arg2[%dma_wait3A_81, %dma_wait3A_82, %dma_wait3A_83] : memref<32x80x2048xf32, #tpu.memory_space<hbm>> -> memref<1x1x2048xf32, #tpu.memory_space<hbm>>
      %dma_wait3A_85 = tpu.memref_squeeze %dma_wait3A_84 : memref<1x1x2048xf32, #tpu.memory_space<hbm>> -> memref<2048xf32, #tpu.memory_space<hbm>>
      %dma_wait3A_86 = arith.constant 0 : i32
      %dma_wait3A_87 = tpu.memref_slice %arg2[%dma_wait3A_81, %dma_wait3A_82, %dma_wait3A_86] : memref<32x80x2048xf32, #tpu.memory_space<hbm>> -> memref<1x1x2048xf32, #tpu.memory_space<hbm>>
      %dma_wait3A_88 = tpu.memref_squeeze %dma_wait3A_87 : memref<1x1x2048xf32, #tpu.memory_space<hbm>> -> memref<2048xf32, #tpu.memory_space<hbm>>
      tpu.wait_dma2 semaphore(%arg12 : memref<!tpu.dma_semaphore, #tpu.memory_space<semaphore_mem>>) src(%dma_wait3A_88 : memref<2048xf32, #tpu.memory_space<hbm>>) dst(%arg7 : memref<2048xf32, #tpu.memory_space<vmem>>)
      %lt3A = arith.constant 39 : i32
      %lt3A_89 = arith.cmpi slt, %scan3A_48, %lt3A : i32
      %convert_element_type3A_90 = arith.extui %lt3A_89 : i1 to i32
      %cond3A_91 = arith.constant 0 : i32
      %cond3A_92 = arith.cmpi ne, %convert_element_type3A_90, %cond3A_91 : i32
      scf.if %cond3A_92 {
        %add3A_112 = arith.constant 2 : i32
        %add3A_113 = arith.addi %mul3A_50, %add3A_112 : i32
        %dma_start3A_114 = arith.constant 0 : i32
        %dma_start3A_115 = tpu.memref_slice %arg2[%add3A, %add3A_113, %dma_start3A_114] : memref<32x80x2048xf32, #tpu.memory_space<hbm>> -> memref<1x1x2048xf32, #tpu.memory_space<hbm>>
        %dma_start3A_116 = tpu.memref_squeeze %dma_start3A_115 : memref<1x1x2048xf32, #tpu.memory_space<hbm>> -> memref<2048xf32, #tpu.memory_space<hbm>>
        %dma_start3A_117 = arith.constant 0 : i32
        %dma_start3A_118 = tpu.memref_slice %arg2[%add3A, %add3A_113, %dma_start3A_117] : memref<32x80x2048xf32, #tpu.memory_space<hbm>> -> memref<1x1x2048xf32, #tpu.memory_space<hbm>>
        %dma_start3A_119 = tpu.memref_squeeze %dma_start3A_118 : memref<1x1x2048xf32, #tpu.memory_space<hbm>> -> memref<2048xf32, #tpu.memory_space<hbm>>
        tpu.enqueue_dma source(%dma_start3A_119 : memref<2048xf32, #tpu.memory_space<hbm>>) target(%arg6 : memref<2048xf32, #tpu.memory_space<vmem>>) target_semaphore(%arg11 : memref<!tpu.dma_semaphore, #tpu.memory_space<semaphore_mem>>)
      } else {
      }
      %gt3A_93 = arith.constant 0 : i32
      %gt3A_94 = arith.cmpi sgt, %scan3A_48, %gt3A_93 : i32
      %convert_element_type3A_95 = arith.extui %gt3A_94 : i1 to i32
      %cond3A_96 = arith.constant 0 : i32
      %cond3A_97 = arith.cmpi ne, %convert_element_type3A_95, %cond3A_96 : i32
      scf.if %cond3A_97 {
        %dma_wait3A_112 = arith.constant 0 : i32
        %dma_wait3A_113 = arith.constant 0 : i32
        %dma_wait3A_114 = tpu.memref_slice %arg5[%dma_wait3A_112, %dma_wait3A_113] : memref<10240x128xf32, #tpu.memory_space<vmem_shared>> -> memref<128x128xf32, #tpu.memory_space<vmem_shared>>
        %dma_wait3A_115 = arith.constant 0 : i32
        %dma_wait3A_116 = arith.constant 0 : i32
        %dma_wait3A_117 = tpu.memref_slice %arg5[%dma_wait3A_115, %dma_wait3A_116] : memref<10240x128xf32, #tpu.memory_space<vmem_shared>> -> memref<128x128xf32, #tpu.memory_space<vmem_shared>>
        tpu.wait_dma2 semaphore(%arg14 : memref<!tpu.dma_semaphore, #tpu.memory_space<semaphore_mem>>) src(%arg9 : memref<128x128xf32, #tpu.memory_space<vmem>>) dst(%dma_wait3A_117 : memref<128x128xf32, #tpu.memory_space<vmem_shared>>)
      } else {
      }
      %scan3A_98 = arith.constant 0 : i32
      %scan3A_99 = arith.constant 0 : i32
      %scan3A_100 = arith.constant 32 : i32
      %scan3A_101 = arith.addi %scan3A_99, %scan3A_100 : i32
      %scan3A_102 = arith.constant 1 : i32
      scf.for %scan3A_112 = %scan3A_99 to %scan3A_101 step %scan3A_102  : i32 {
        %mul3A_113 = arith.constant 4 : i32
        %mul3A_114 = arith.muli %scan3A_112, %mul3A_113 : i32
        %add3A_115 = arith.constant 0 : i32
        %add3A_116 = arith.addi %mul3A_114, %add3A_115 : i32
        %mul3A_117 = arith.constant 16 : i32
        %mul3A_118 = arith.muli %add3A_116, %mul3A_117 : i32
        %get3A = arith.index_cast %mul3A_118 : i32 to index
        %get3A_119 = tpu.vector_load %arg7[%get3A] {strides = array<i32>} : memref<2048xf32, #tpu.memory_space<vmem>>, vector<16xf32>,
        %get3A_120 = vector.shape_cast %get3A_119 : vector<16xf32> to vector<16xf32>
        %swap3A = arith.index_cast %add3A_116 : i32 to index
        %swap3A_121 = arith.constant 0 : index
        %swap3A_122 = tpu.vector_load %arg9[%swap3A, %swap3A_121] {strides = array<i32>} : memref<128x128xf32, #tpu.memory_space<vmem>>, vector<1x16xf32>,
        %swap3A_123 = vector.shape_cast %swap3A_122 : vector<1x16xf32> to vector<16xf32>
        %swap3A_124 = vector.shape_cast %get3A_120 : vector<16xf32> to vector<1x16xf32>
        tpu.vector_store %arg9[%swap3A, %swap3A_121], %swap3A_124 {strides = array<i32>} : memref<128x128xf32, #tpu.memory_space<vmem>>, vector<1x16xf32>,
        %mul3A_125 = arith.constant 4 : i32
        %mul3A_126 = arith.muli %scan3A_112, %mul3A_125 : i32
        %add3A_127 = arith.constant 1 : i32
        %add3A_128 = arith.addi %mul3A_126, %add3A_127 : i32
        %mul3A_129 = arith.constant 16 : i32
        %mul3A_130 = arith.muli %add3A_128, %mul3A_129 : i32
        %get3A_131 = arith.index_cast %mul3A_130 : i32 to index
        %get3A_132 = tpu.vector_load %arg7[%get3A_131] {strides = array<i32>} : memref<2048xf32, #tpu.memory_space<vmem>>, vector<16xf32>,
        %get3A_133 = vector.shape_cast %get3A_132 : vector<16xf32> to vector<16xf32>
        %swap3A_134 = arith.index_cast %add3A_128 : i32 to index
        %swap3A_135 = arith.constant 0 : index
        %swap3A_136 = tpu.vector_load %arg9[%swap3A_134, %swap3A_135] {strides = array<i32>} : memref<128x128xf32, #tpu.memory_space<vmem>>, vector<1x16xf32>,
        %swap3A_137 = vector.shape_cast %swap3A_136 : vector<1x16xf32> to vector<16xf32>
        %swap3A_138 = vector.shape_cast %get3A_133 : vector<16xf32> to vector<1x16xf32>
        tpu.vector_store %arg9[%swap3A_134, %swap3A_135], %swap3A_138 {strides = array<i32>} : memref<128x128xf32, #tpu.memory_space<vmem>>, vector<1x16xf32>,
        %mul3A_139 = arith.constant 4 : i32
        %mul3A_140 = arith.muli %scan3A_112, %mul3A_139 : i32
        %add3A_141 = arith.constant 2 : i32
        %add3A_142 = arith.addi %mul3A_140, %add3A_141 : i32
        %mul3A_143 = arith.constant 16 : i32
        %mul3A_144 = arith.muli %add3A_142, %mul3A_143 : i32
        %get3A_145 = arith.index_cast %mul3A_144 : i32 to index
        %get3A_146 = tpu.vector_load %arg7[%get3A_145] {strides = array<i32>} : memref<2048xf32, #tpu.memory_space<vmem>>, vector<16xf32>,
        %get3A_147 = vector.shape_cast %get3A_146 : vector<16xf32> to vector<16xf32>
        %swap3A_148 = arith.index_cast %add3A_142 : i32 to index
        %swap3A_149 = arith.constant 0 : index
        %swap3A_150 = tpu.vector_load %arg9[%swap3A_148, %swap3A_149] {strides = array<i32>} : memref<128x128xf32, #tpu.memory_space<vmem>>, vector<1x16xf32>,
        %swap3A_151 = vector.shape_cast %swap3A_150 : vector<1x16xf32> to vector<16xf32>
        %swap3A_152 = vector.shape_cast %get3A_147 : vector<16xf32> to vector<1x16xf32>
        tpu.vector_store %arg9[%swap3A_148, %swap3A_149], %swap3A_152 {strides = array<i32>} : memref<128x128xf32, #tpu.memory_space<vmem>>, vector<1x16xf32>,
        %mul3A_153 = arith.constant 4 : i32
        %mul3A_154 = arith.muli %scan3A_112, %mul3A_153 : i32
        %add3A_155 = arith.constant 3 : i32
        %add3A_156 = arith.addi %mul3A_154, %add3A_155 : i32
        %mul3A_157 = arith.constant 16 : i32
        %mul3A_158 = arith.muli %add3A_156, %mul3A_157 : i32
        %get3A_159 = arith.index_cast %mul3A_158 : i32 to index
        %get3A_160 = tpu.vector_load %arg7[%get3A_159] {strides = array<i32>} : memref<2048xf32, #tpu.memory_space<vmem>>, vector<16xf32>,
        %get3A_161 = vector.shape_cast %get3A_160 : vector<16xf32> to vector<16xf32>
        %swap3A_162 = arith.index_cast %add3A_156 : i32 to index
        %swap3A_163 = arith.constant 0 : index
        %swap3A_164 = tpu.vector_load %arg9[%swap3A_162, %swap3A_163] {strides = array<i32>} : memref<128x128xf32, #tpu.memory_space<vmem>>, vector<1x16xf32>,
        %swap3A_165 = vector.shape_cast %swap3A_164 : vector<1x16xf32> to vector<16xf32>
        %swap3A_166 = vector.shape_cast %get3A_161 : vector<16xf32> to vector<1x16xf32>
        tpu.vector_store %arg9[%swap3A_162, %swap3A_163], %swap3A_166 {strides = array<i32>} : memref<128x128xf32, #tpu.memory_space<vmem>>, vector<1x16xf32>,
      }
      %scan3A_103 = arith.constant 32 : i32
      %add3A_104 = arith.constant 1 : i32
      %add3A_105 = arith.addi %mul3A_50, %add3A_104 : i32
      %dma_start3A_106 = arith.constant 0 : i32
      %dma_start3A_107 = tpu.memref_slice %arg10[%add3A_105, %dma_start3A_106] : memref<80x128xi32, #tpu.memory_space<vmem>> -> memref<1x128xi32, #tpu.memory_space<vmem>>
      %dma_start3A_108 = tpu.memref_squeeze %dma_start3A_107 : memref<1x128xi32, #tpu.memory_space<vmem>> -> memref<128xi32, #tpu.memory_space<vmem>>
      %dma_start3A_109 = arith.constant 0 : i32
      %dma_start3A_110 = arith.constant 0 : i32
      %dma_start3A_111 = tpu.memref_slice %arg5[%dma_start3A_109, %dma_start3A_110] : memref<10240x128xf32, #tpu.memory_space<vmem_shared>> -> memref<10240x128xf32, #tpu.memory_space<vmem_shared>>
      tpu.enqueue_indirect_dma source(%arg9 : memref<128x128xf32, #tpu.memory_space<vmem>>) target(%dma_start3A_111 : memref<10240x128xf32, #tpu.memory_space<vmem_shared>>) offsets(%dma_start3A_108 : memref<128xi32, #tpu.memory_space<vmem>>) semaphore(%arg14 : memref<!tpu.dma_semaphore, #tpu.memory_space<semaphore_mem>>) {add = true}
    }
    %scan3A_29 = arith.constant 40 : i32
    %dma_wait3A = arith.constant 0 : i32
    %dma_wait3A_30 = arith.constant 0 : i32
    %dma_wait3A_31 = tpu.memref_slice %arg5[%dma_wait3A, %dma_wait3A_30] : memref<10240x128xf32, #tpu.memory_space<vmem_shared>> -> memref<128x128xf32, #tpu.memory_space<vmem_shared>>
    %dma_wait3A_32 = arith.constant 0 : i32
    %dma_wait3A_33 = arith.constant 0 : i32
    %dma_wait3A_34 = tpu.memref_slice %arg5[%dma_wait3A_32, %dma_wait3A_33] : memref<10240x128xf32, #tpu.memory_space<vmem_shared>> -> memref<128x128xf32, #tpu.memory_space<vmem_shared>>
    tpu.wait_dma2 semaphore(%arg13 : memref<!tpu.dma_semaphore, #tpu.memory_space<semaphore_mem>>) src(%arg8 : memref<128x128xf32, #tpu.memory_space<vmem>>) dst(%dma_wait3A_34 : memref<128x128xf32, #tpu.memory_space<vmem_shared>>)
    %dma_wait3A_35 = arith.constant 0 : i32
    %dma_wait3A_36 = arith.constant 0 : i32
    %dma_wait3A_37 = tpu.memref_slice %arg5[%dma_wait3A_35, %dma_wait3A_36] : memref<10240x128xf32, #tpu.memory_space<vmem_shared>> -> memref<128x128xf32, #tpu.memory_space<vmem_shared>>
    %dma_wait3A_38 = arith.constant 0 : i32
    %dma_wait3A_39 = arith.constant 0 : i32
    %dma_wait3A_40 = tpu.memref_slice %arg5[%dma_wait3A_38, %dma_wait3A_39] : memref<10240x128xf32, #tpu.memory_space<vmem_shared>> -> memref<128x128xf32, #tpu.memory_space<vmem_shared>>
    tpu.wait_dma2 semaphore(%arg14 : memref<!tpu.dma_semaphore, #tpu.memory_space<semaphore_mem>>) src(%arg9 : memref<128x128xf32, #tpu.memory_space<vmem>>) dst(%dma_wait3A_40 : memref<128x128xf32, #tpu.memory_space<vmem_shared>>)
    %barrier3A_41 = arith.constant 0 : index
    tpu.barrier barrier_id(%barrier3A_41)
    %scan3A_42 = arith.constant 0 : i32
    %scan3A_43 = arith.constant 0 : i32
    %scan3A_44 = arith.constant 5 : i32
    %scan3A_45 = arith.addi %scan3A_43, %scan3A_44 : i32
    %scan3A_46 = arith.constant 1 : i32
    scf.for %scan3A_48 = %scan3A_43 to %scan3A_45 step %scan3A_46  : i32 {
      %mul3A_49 = arith.constant 640 : i32
      %mul3A_50 = arith.muli %arg1, %mul3A_49 : i32
      %mul3A_51 = arith.constant 128 : i32
      %mul3A_52 = arith.muli %scan3A_48, %mul3A_51 : i32
      %add3A_53 = arith.addi %mul3A_50, %mul3A_52 : i32
      "tpu.region"() ({
        %run_scoped3A = tpu.sem_alloc : memref<!tpu.dma_semaphore, #tpu.memory_space<semaphore_mem>>
        %dma_start3A_54 = arith.constant 0 : i32
        %dma_start3A_55 = tpu.memref_slice %arg5[%add3A_53, %dma_start3A_54] : memref<10240x128xf32, #tpu.memory_space<vmem_shared>> -> memref<128x128xf32, #tpu.memory_space<vmem_shared>>
        %dma_start3A_56 = arith.constant 0 : i32
        %dma_start3A_57 = tpu.memref_slice %arg5[%add3A_53, %dma_start3A_56] : memref<10240x128xf32, #tpu.memory_space<vmem_shared>> -> memref<128x128xf32, #tpu.memory_space<vmem_shared>>
        tpu.enqueue_dma source(%dma_start3A_57 : memref<128x128xf32, #tpu.memory_space<vmem_shared>>) target(%arg8 : memref<128x128xf32, #tpu.memory_space<vmem>>) target_semaphore(%run_scoped3A : memref<!tpu.dma_semaphore, #tpu.memory_space<semaphore_mem>>)
        %dma_wait3A_58 = arith.constant 0 : i32
        %dma_wait3A_59 = tpu.memref_slice %arg5[%add3A_53, %dma_wait3A_58] : memref<10240x128xf32, #tpu.memory_space<vmem_shared>> -> memref<128x128xf32, #tpu.memory_space<vmem_shared>>
        %dma_wait3A_60 = arith.constant 0 : i32
        %dma_wait3A_61 = tpu.memref_slice %arg5[%add3A_53, %dma_wait3A_60] : memref<10240x128xf32, #tpu.memory_space<vmem_shared>> -> memref<128x128xf32, #tpu.memory_space<vmem_shared>>
        tpu.wait_dma2 semaphore(%run_scoped3A : memref<!tpu.dma_semaphore, #tpu.memory_space<semaphore_mem>>) src(%dma_wait3A_61 : memref<128x128xf32, #tpu.memory_space<vmem_shared>>) dst(%arg8 : memref<128x128xf32, #tpu.memory_space<vmem>>)
        tpu.yield
      }) : () -> ()
      "tpu.region"() ({
        %run_scoped3A = tpu.sem_alloc : memref<!tpu.dma_semaphore, #tpu.memory_space<semaphore_mem>>
        %dma_start3A_54 = arith.constant 0 : i32
        %dma_start3A_55 = tpu.memref_slice %arg4[%arg0, %add3A_53, %dma_start3A_54] : memref<2x10240x128xf32, #tpu.memory_space<hbm>> -> memref<1x128x128xf32, #tpu.memory_space<hbm>>
        %dma_start3A_56 = tpu.memref_squeeze %dma_start3A_55 : memref<1x128x128xf32, #tpu.memory_space<hbm>> -> memref<128x128xf32, #tpu.memory_space<hbm>>
        %dma_start3A_57 = arith.constant 0 : i32
        %dma_start3A_58 = tpu.memref_slice %arg4[%arg0, %add3A_53, %dma_start3A_57] : memref<2x10240x128xf32, #tpu.memory_space<hbm>> -> memref<1x128x128xf32, #tpu.memory_space<hbm>>
        %dma_start3A_59 = tpu.memref_squeeze %dma_start3A_58 : memref<1x128x128xf32, #tpu.memory_space<hbm>> -> memref<128x128xf32, #tpu.memory_space<hbm>>
        tpu.enqueue_dma source(%arg8 : memref<128x128xf32, #tpu.memory_space<vmem>>) target(%dma_start3A_59 : memref<128x128xf32, #tpu.memory_space<hbm>>) target_semaphore(%run_scoped3A : memref<!tpu.dma_semaphore, #tpu.memory_space<semaphore_mem>>)
        %dma_wait3A_60 = arith.constant 0 : i32
        %dma_wait3A_61 = tpu.memref_slice %arg4[%arg0, %add3A_53, %dma_wait3A_60] : memref<2x10240x128xf32, #tpu.memory_space<hbm>> -> memref<1x128x128xf32, #tpu.memory_space<hbm>>
        %dma_wait3A_62 = tpu.memref_squeeze %dma_wait3A_61 : memref<1x128x128xf32, #tpu.memory_space<hbm>> -> memref<128x128xf32, #tpu.memory_space<hbm>>
        %dma_wait3A_63 = arith.constant 0 : i32
        %dma_wait3A_64 = tpu.memref_slice %arg4[%arg0, %add3A_53, %dma_wait3A_63] : memref<2x10240x128xf32, #tpu.memory_space<hbm>> -> memref<1x128x128xf32, #tpu.memory_space<hbm>>
        %dma_wait3A_65 = tpu.memref_squeeze %dma_wait3A_64 : memref<1x128x128xf32, #tpu.memory_space<hbm>> -> memref<128x128xf32, #tpu.memory_space<hbm>>
        tpu.wait_dma2 semaphore(%run_scoped3A : memref<!tpu.dma_semaphore, #tpu.memory_space<semaphore_mem>>) src(%arg8 : memref<128x128xf32, #tpu.memory_space<vmem>>) dst(%dma_wait3A_65 : memref<128x128xf32, #tpu.memory_space<hbm>>)
        tpu.yield
      }) : () -> ()
    }
    %scan3A_47 = arith.constant 5 : i32
    return
  }
}

#map = affine_map<(d0, d1) -> (0, 0)>
#map1 = affine_map<(d0, d1) -> (0, 0, 0)>
module attributes {stable_mosaic.version = 14 : i64} {
  func.func @_edge_scatter_body(%arg0: i32, %arg1: i32, %arg2: memref<10240x128xf32, #tpu.memory_space<hbm>>, %arg3: memref<32x80x128xi32, #tpu.memory_space<hbm>>, %arg4: memref<32x80x128xi32, #tpu.memory_space<hbm>>, %arg5: memref<2x10240x128xf32, #tpu.memory_space<hbm>>, %arg6: memref<10240x128xf32, #tpu.memory_space<vmem_shared>>, %arg7: memref<128x128xf32, #tpu.memory_space<vmem>>, %arg8: memref<128x128xf32, #tpu.memory_space<vmem>>, %arg9: memref<40x128xi32, #tpu.memory_space<vmem>>, %arg10: memref<40x128xi32, #tpu.memory_space<vmem>>, %arg11: memref<!tpu.dma_semaphore, #tpu.memory_space<semaphore_mem>>, %arg12: memref<!tpu.dma_semaphore, #tpu.memory_space<semaphore_mem>>, %arg13: memref<!tpu.dma_semaphore, #tpu.memory_space<semaphore_mem>>, %arg14: memref<!tpu.dma_semaphore, #tpu.memory_space<semaphore_mem>>) attributes {dimension_semantics = [#tpu.dimension_semantics<core_parallel>, #tpu.dimension_semantics<subcore_parallel>], iteration_bounds = array<i64: 2, 16>, scalar_prefetch = 0 : i64, scratch_operands = 9 : i64, tpu.core_type = #tpu.core_type<sc_vector_subcore>, window_params = [{transform_indices = #map}, {transform_indices = #map1}, {transform_indices = #map1}, {transform_indices = #map1}]} {
    %mul3A = arith.constant 16 : i32
    %mul3A_0 = arith.muli %arg0, %mul3A : i32
    %add3A = arith.addi %mul3A_0, %arg1 : i32
    %scan3A = arith.constant 0 : i32
    %scan3A_1 = arith.constant 0 : i32
    %scan3A_2 = arith.constant 128 : i32
    %scan3A_3 = arith.addi %scan3A_1, %scan3A_2 : i32
    %scan3A_4 = arith.constant 1 : i32
    scf.for %scan3A_55 = %scan3A_1 to %scan3A_3 step %scan3A_4  : i32 {
      %broadcast_in_dim3A = arith.constant 0.000000e+00 : f32
      %broadcast_in_dim3A_56 = vector.broadcast %broadcast_in_dim3A : f32 to vector<16xf32>
      %swap3A = arith.index_cast %scan3A_55 : i32 to index
      %swap3A_57 = arith.constant 0 : index
      %swap3A_58 = tpu.vector_load %arg7[%swap3A, %swap3A_57] {strides = array<i32>} : memref<128x128xf32, #tpu.memory_space<vmem>>, vector<1x16xf32>,
      %swap3A_59 = vector.shape_cast %swap3A_58 : vector<1x16xf32> to vector<16xf32>
      %swap3A_60 = vector.shape_cast %broadcast_in_dim3A_56 : vector<16xf32> to vector<1x16xf32>
      tpu.vector_store %arg7[%swap3A, %swap3A_57], %swap3A_60 {strides = array<i32>} : memref<128x128xf32, #tpu.memory_space<vmem>>, vector<1x16xf32>,
      %broadcast_in_dim3A_61 = arith.constant 0.000000e+00 : f32
      %broadcast_in_dim3A_62 = vector.broadcast %broadcast_in_dim3A_61 : f32 to vector<16xf32>
      %swap3A_63 = arith.index_cast %scan3A_55 : i32 to index
      %swap3A_64 = arith.constant 16 : index
      %swap3A_65 = tpu.vector_load %arg7[%swap3A_63, %swap3A_64] {strides = array<i32>} : memref<128x128xf32, #tpu.memory_space<vmem>>, vector<1x16xf32>,
      %swap3A_66 = vector.shape_cast %swap3A_65 : vector<1x16xf32> to vector<16xf32>
      %swap3A_67 = vector.shape_cast %broadcast_in_dim3A_62 : vector<16xf32> to vector<1x16xf32>
      tpu.vector_store %arg7[%swap3A_63, %swap3A_64], %swap3A_67 {strides = array<i32>} : memref<128x128xf32, #tpu.memory_space<vmem>>, vector<1x16xf32>,
      %broadcast_in_dim3A_68 = arith.constant 0.000000e+00 : f32
      %broadcast_in_dim3A_69 = vector.broadcast %broadcast_in_dim3A_68 : f32 to vector<16xf32>
      %swap3A_70 = arith.index_cast %scan3A_55 : i32 to index
      %swap3A_71 = arith.constant 32 : index
      %swap3A_72 = tpu.vector_load %arg7[%swap3A_70, %swap3A_71] {strides = array<i32>} : memref<128x128xf32, #tpu.memory_space<vmem>>, vector<1x16xf32>,
      %swap3A_73 = vector.shape_cast %swap3A_72 : vector<1x16xf32> to vector<16xf32>
      %swap3A_74 = vector.shape_cast %broadcast_in_dim3A_69 : vector<16xf32> to vector<1x16xf32>
      tpu.vector_store %arg7[%swap3A_70, %swap3A_71], %swap3A_74 {strides = array<i32>} : memref<128x128xf32, #tpu.memory_space<vmem>>, vector<1x16xf32>,
      %broadcast_in_dim3A_75 = arith.constant 0.000000e+00 : f32
      %broadcast_in_dim3A_76 = vector.broadcast %broadcast_in_dim3A_75 : f32 to vector<16xf32>
      %swap3A_77 = arith.index_cast %scan3A_55 : i32 to index
      %swap3A_78 = arith.constant 48 : index
      %swap3A_79 = tpu.vector_load %arg7[%swap3A_77, %swap3A_78] {strides = array<i32>} : memref<128x128xf32, #tpu.memory_space<vmem>>, vector<1x16xf32>,
      %swap3A_80 = vector.shape_cast %swap3A_79 : vector<1x16xf32> to vector<16xf32>
      %swap3A_81 = vector.shape_cast %broadcast_in_dim3A_76 : vector<16xf32> to vector<1x16xf32>
      tpu.vector_store %arg7[%swap3A_77, %swap3A_78], %swap3A_81 {strides = array<i32>} : memref<128x128xf32, #tpu.memory_space<vmem>>, vector<1x16xf32>,
      %broadcast_in_dim3A_82 = arith.constant 0.000000e+00 : f32
      %broadcast_in_dim3A_83 = vector.broadcast %broadcast_in_dim3A_82 : f32 to vector<16xf32>
      %swap3A_84 = arith.index_cast %scan3A_55 : i32 to index
      %swap3A_85 = arith.constant 64 : index
      %swap3A_86 = tpu.vector_load %arg7[%swap3A_84, %swap3A_85] {strides = array<i32>} : memref<128x128xf32, #tpu.memory_space<vmem>>, vector<1x16xf32>,
      %swap3A_87 = vector.shape_cast %swap3A_86 : vector<1x16xf32> to vector<16xf32>
      %swap3A_88 = vector.shape_cast %broadcast_in_dim3A_83 : vector<16xf32> to vector<1x16xf32>
      tpu.vector_store %arg7[%swap3A_84, %swap3A_85], %swap3A_88 {strides = array<i32>} : memref<128x128xf32, #tpu.memory_space<vmem>>, vector<1x16xf32>,
      %broadcast_in_dim3A_89 = arith.constant 0.000000e+00 : f32
      %broadcast_in_dim3A_90 = vector.broadcast %broadcast_in_dim3A_89 : f32 to vector<16xf32>
      %swap3A_91 = arith.index_cast %scan3A_55 : i32 to index
      %swap3A_92 = arith.constant 80 : index
      %swap3A_93 = tpu.vector_load %arg7[%swap3A_91, %swap3A_92] {strides = array<i32>} : memref<128x128xf32, #tpu.memory_space<vmem>>, vector<1x16xf32>,
      %swap3A_94 = vector.shape_cast %swap3A_93 : vector<1x16xf32> to vector<16xf32>
      %swap3A_95 = vector.shape_cast %broadcast_in_dim3A_90 : vector<16xf32> to vector<1x16xf32>
      tpu.vector_store %arg7[%swap3A_91, %swap3A_92], %swap3A_95 {strides = array<i32>} : memref<128x128xf32, #tpu.memory_space<vmem>>, vector<1x16xf32>,
      %broadcast_in_dim3A_96 = arith.constant 0.000000e+00 : f32
      %broadcast_in_dim3A_97 = vector.broadcast %broadcast_in_dim3A_96 : f32 to vector<16xf32>
      %swap3A_98 = arith.index_cast %scan3A_55 : i32 to index
      %swap3A_99 = arith.constant 96 : index
      %swap3A_100 = tpu.vector_load %arg7[%swap3A_98, %swap3A_99] {strides = array<i32>} : memref<128x128xf32, #tpu.memory_space<vmem>>, vector<1x16xf32>,
      %swap3A_101 = vector.shape_cast %swap3A_100 : vector<1x16xf32> to vector<16xf32>
      %swap3A_102 = vector.shape_cast %broadcast_in_dim3A_97 : vector<16xf32> to vector<1x16xf32>
      tpu.vector_store %arg7[%swap3A_98, %swap3A_99], %swap3A_102 {strides = array<i32>} : memref<128x128xf32, #tpu.memory_space<vmem>>, vector<1x16xf32>,
      %broadcast_in_dim3A_103 = arith.constant 0.000000e+00 : f32
      %broadcast_in_dim3A_104 = vector.broadcast %broadcast_in_dim3A_103 : f32 to vector<16xf32>
      %swap3A_105 = arith.index_cast %scan3A_55 : i32 to index
      %swap3A_106 = arith.constant 112 : index
      %swap3A_107 = tpu.vector_load %arg7[%swap3A_105, %swap3A_106] {strides = array<i32>} : memref<128x128xf32, #tpu.memory_space<vmem>>, vector<1x16xf32>,
      %swap3A_108 = vector.shape_cast %swap3A_107 : vector<1x16xf32> to vector<16xf32>
      %swap3A_109 = vector.shape_cast %broadcast_in_dim3A_104 : vector<16xf32> to vector<1x16xf32>
      tpu.vector_store %arg7[%swap3A_105, %swap3A_106], %swap3A_109 {strides = array<i32>} : memref<128x128xf32, #tpu.memory_space<vmem>>, vector<1x16xf32>,
    }
    %scan3A_5 = arith.constant 128 : i32
    %scan3A_6 = arith.constant 0 : i32
    %scan3A_7 = arith.constant 0 : i32
    %scan3A_8 = arith.constant 5 : i32
    %scan3A_9 = arith.addi %scan3A_7, %scan3A_8 : i32
    %scan3A_10 = arith.constant 1 : i32
    scf.for %scan3A_55 = %scan3A_7 to %scan3A_9 step %scan3A_10  : i32 {
      %mul3A_56 = arith.constant 640 : i32
      %mul3A_57 = arith.muli %arg1, %mul3A_56 : i32
      %mul3A_58 = arith.constant 128 : i32
      %mul3A_59 = arith.muli %scan3A_55, %mul3A_58 : i32
      %add3A_60 = arith.addi %mul3A_57, %mul3A_59 : i32
      "tpu.region"() ({
        %run_scoped3A = tpu.sem_alloc : memref<!tpu.dma_semaphore, #tpu.memory_space<semaphore_mem>>
        %dma_start3A_61 = arith.constant 0 : i32
        %dma_start3A_62 = tpu.memref_slice %arg6[%add3A_60, %dma_start3A_61] : memref<10240x128xf32, #tpu.memory_space<vmem_shared>> -> memref<128x128xf32, #tpu.memory_space<vmem_shared>>
        %dma_start3A_63 = arith.constant 0 : i32
        %dma_start3A_64 = tpu.memref_slice %arg6[%add3A_60, %dma_start3A_63] : memref<10240x128xf32, #tpu.memory_space<vmem_shared>> -> memref<128x128xf32, #tpu.memory_space<vmem_shared>>
        tpu.enqueue_dma source(%arg7 : memref<128x128xf32, #tpu.memory_space<vmem>>) target(%dma_start3A_64 : memref<128x128xf32, #tpu.memory_space<vmem_shared>>) target_semaphore(%run_scoped3A : memref<!tpu.dma_semaphore, #tpu.memory_space<semaphore_mem>>)
        %dma_wait3A_65 = arith.constant 0 : i32
        %dma_wait3A_66 = tpu.memref_slice %arg6[%add3A_60, %dma_wait3A_65] : memref<10240x128xf32, #tpu.memory_space<vmem_shared>> -> memref<128x128xf32, #tpu.memory_space<vmem_shared>>
        %dma_wait3A_67 = arith.constant 0 : i32
        %dma_wait3A_68 = tpu.memref_slice %arg6[%add3A_60, %dma_wait3A_67] : memref<10240x128xf32, #tpu.memory_space<vmem_shared>> -> memref<128x128xf32, #tpu.memory_space<vmem_shared>>
        tpu.wait_dma2 semaphore(%run_scoped3A : memref<!tpu.dma_semaphore, #tpu.memory_space<semaphore_mem>>) src(%arg7 : memref<128x128xf32, #tpu.memory_space<vmem>>) dst(%dma_wait3A_68 : memref<128x128xf32, #tpu.memory_space<vmem_shared>>)
        tpu.yield
      }) : () -> ()
    }
    %scan3A_11 = arith.constant 5 : i32
    %barrier3A = arith.constant 0 : index
    tpu.barrier barrier_id(%barrier3A)
    "tpu.region"() ({
      %run_scoped3A = tpu.sem_alloc : memref<!tpu.dma_semaphore, #tpu.memory_space<semaphore_mem>>
      %dma_start3A_55 = arith.constant 0 : i32
      %dma_start3A_56 = arith.constant 0 : i32
      %dma_start3A_57 = tpu.memref_slice %arg3[%add3A, %dma_start3A_55, %dma_start3A_56] : memref<32x80x128xi32, #tpu.memory_space<hbm>> -> memref<1x40x128xi32, #tpu.memory_space<hbm>>
      %dma_start3A_58 = tpu.memref_squeeze %dma_start3A_57 : memref<1x40x128xi32, #tpu.memory_space<hbm>> -> memref<40x128xi32, #tpu.memory_space<hbm>>
      %dma_start3A_59 = arith.constant 0 : i32
      %dma_start3A_60 = arith.constant 0 : i32
      %dma_start3A_61 = tpu.memref_slice %arg3[%add3A, %dma_start3A_59, %dma_start3A_60] : memref<32x80x128xi32, #tpu.memory_space<hbm>> -> memref<1x40x128xi32, #tpu.memory_space<hbm>>
      %dma_start3A_62 = tpu.memref_squeeze %dma_start3A_61 : memref<1x40x128xi32, #tpu.memory_space<hbm>> -> memref<40x128xi32, #tpu.memory_space<hbm>>
      tpu.enqueue_dma source(%dma_start3A_62 : memref<40x128xi32, #tpu.memory_space<hbm>>) target(%arg9 : memref<40x128xi32, #tpu.memory_space<vmem>>) target_semaphore(%run_scoped3A : memref<!tpu.dma_semaphore, #tpu.memory_space<semaphore_mem>>)
      %dma_wait3A_63 = arith.constant 0 : i32
      %dma_wait3A_64 = arith.constant 0 : i32
      %dma_wait3A_65 = tpu.memref_slice %arg3[%add3A, %dma_wait3A_63, %dma_wait3A_64] : memref<32x80x128xi32, #tpu.memory_space<hbm>> -> memref<1x40x128xi32, #tpu.memory_space<hbm>>
      %dma_wait3A_66 = tpu.memref_squeeze %dma_wait3A_65 : memref<1x40x128xi32, #tpu.memory_space<hbm>> -> memref<40x128xi32, #tpu.memory_space<hbm>>
      %dma_wait3A_67 = arith.constant 0 : i32
      %dma_wait3A_68 = arith.constant 0 : i32
      %dma_wait3A_69 = tpu.memref_slice %arg3[%add3A, %dma_wait3A_67, %dma_wait3A_68] : memref<32x80x128xi32, #tpu.memory_space<hbm>> -> memref<1x40x128xi32, #tpu.memory_space<hbm>>
      %dma_wait3A_70 = tpu.memref_squeeze %dma_wait3A_69 : memref<1x40x128xi32, #tpu.memory_space<hbm>> -> memref<40x128xi32, #tpu.memory_space<hbm>>
      tpu.wait_dma2 semaphore(%run_scoped3A : memref<!tpu.dma_semaphore, #tpu.memory_space<semaphore_mem>>) src(%dma_wait3A_70 : memref<40x128xi32, #tpu.memory_space<hbm>>) dst(%arg9 : memref<40x128xi32, #tpu.memory_space<vmem>>)
      tpu.yield
    }) : () -> ()
    "tpu.region"() ({
      %run_scoped3A = tpu.sem_alloc : memref<!tpu.dma_semaphore, #tpu.memory_space<semaphore_mem>>
      %dma_start3A_55 = arith.constant 0 : i32
      %dma_start3A_56 = arith.constant 0 : i32
      %dma_start3A_57 = tpu.memref_slice %arg4[%add3A, %dma_start3A_55, %dma_start3A_56] : memref<32x80x128xi32, #tpu.memory_space<hbm>> -> memref<1x40x128xi32, #tpu.memory_space<hbm>>
      %dma_start3A_58 = tpu.memref_squeeze %dma_start3A_57 : memref<1x40x128xi32, #tpu.memory_space<hbm>> -> memref<40x128xi32, #tpu.memory_space<hbm>>
      %dma_start3A_59 = arith.constant 0 : i32
      %dma_start3A_60 = arith.constant 0 : i32
      %dma_start3A_61 = tpu.memref_slice %arg4[%add3A, %dma_start3A_59, %dma_start3A_60] : memref<32x80x128xi32, #tpu.memory_space<hbm>> -> memref<1x40x128xi32, #tpu.memory_space<hbm>>
      %dma_start3A_62 = tpu.memref_squeeze %dma_start3A_61 : memref<1x40x128xi32, #tpu.memory_space<hbm>> -> memref<40x128xi32, #tpu.memory_space<hbm>>
      tpu.enqueue_dma source(%dma_start3A_62 : memref<40x128xi32, #tpu.memory_space<hbm>>) target(%arg10 : memref<40x128xi32, #tpu.memory_space<vmem>>) target_semaphore(%run_scoped3A : memref<!tpu.dma_semaphore, #tpu.memory_space<semaphore_mem>>)
      %dma_wait3A_63 = arith.constant 0 : i32
      %dma_wait3A_64 = arith.constant 0 : i32
      %dma_wait3A_65 = tpu.memref_slice %arg4[%add3A, %dma_wait3A_63, %dma_wait3A_64] : memref<32x80x128xi32, #tpu.memory_space<hbm>> -> memref<1x40x128xi32, #tpu.memory_space<hbm>>
      %dma_wait3A_66 = tpu.memref_squeeze %dma_wait3A_65 : memref<1x40x128xi32, #tpu.memory_space<hbm>> -> memref<40x128xi32, #tpu.memory_space<hbm>>
      %dma_wait3A_67 = arith.constant 0 : i32
      %dma_wait3A_68 = arith.constant 0 : i32
      %dma_wait3A_69 = tpu.memref_slice %arg4[%add3A, %dma_wait3A_67, %dma_wait3A_68] : memref<32x80x128xi32, #tpu.memory_space<hbm>> -> memref<1x40x128xi32, #tpu.memory_space<hbm>>
      %dma_wait3A_70 = tpu.memref_squeeze %dma_wait3A_69 : memref<1x40x128xi32, #tpu.memory_space<hbm>> -> memref<40x128xi32, #tpu.memory_space<hbm>>
      tpu.wait_dma2 semaphore(%run_scoped3A : memref<!tpu.dma_semaphore, #tpu.memory_space<semaphore_mem>>) src(%dma_wait3A_70 : memref<40x128xi32, #tpu.memory_space<hbm>>) dst(%arg10 : memref<40x128xi32, #tpu.memory_space<vmem>>)
      tpu.yield
    }) : () -> ()
    %dma_start3A = arith.constant 0 : i32
    %dma_start3A_12 = arith.constant 0 : i32
    %dma_start3A_13 = tpu.memref_slice %arg9[%dma_start3A, %dma_start3A_12] : memref<40x128xi32, #tpu.memory_space<vmem>> -> memref<1x128xi32, #tpu.memory_space<vmem>>
    %dma_start3A_14 = tpu.memref_squeeze %dma_start3A_13 : memref<1x128xi32, #tpu.memory_space<vmem>> -> memref<128xi32, #tpu.memory_space<vmem>>
    %dma_start3A_15 = arith.constant 0 : i32
    %dma_start3A_16 = arith.constant 0 : i32
    %dma_start3A_17 = tpu.memref_slice %arg2[%dma_start3A_15, %dma_start3A_16] : memref<10240x128xf32, #tpu.memory_space<hbm>> -> memref<10240x128xf32, #tpu.memory_space<hbm>>
    tpu.enqueue_indirect_dma source(%dma_start3A_17 : memref<10240x128xf32, #tpu.memory_space<hbm>>) target(%arg7 : memref<128x128xf32, #tpu.memory_space<vmem>>) offsets(%dma_start3A_14 : memref<128xi32, #tpu.memory_space<vmem>>) semaphore(%arg11 : memref<!tpu.dma_semaphore, #tpu.memory_space<semaphore_mem>>)
    %scan3A_18 = arith.constant 0 : i32
    %scan3A_19 = arith.constant 0 : i32
    %scan3A_20 = arith.constant 20 : i32
    %scan3A_21 = arith.addi %scan3A_19, %scan3A_20 : i32
    %scan3A_22 = arith.constant 1 : i32
    scf.for %scan3A_55 = %scan3A_19 to %scan3A_21 step %scan3A_22  : i32 {
      %mul3A_56 = arith.constant 2 : i32
      %mul3A_57 = arith.muli %mul3A_56, %scan3A_55 : i32
      %gt3A = arith.constant 0 : i32
      %gt3A_58 = arith.cmpi sgt, %scan3A_55, %gt3A : i32
      %convert_element_type3A = arith.extui %gt3A_58 : i1 to i32
      %cond3A = arith.constant 0 : i32
      %cond3A_59 = arith.cmpi ne, %convert_element_type3A, %cond3A : i32
      scf.if %cond3A_59 {
        %dma_wait3A_104 = arith.constant 0 : i32
        %dma_wait3A_105 = arith.constant 0 : i32
        %dma_wait3A_106 = tpu.memref_slice %arg6[%dma_wait3A_104, %dma_wait3A_105] : memref<10240x128xf32, #tpu.memory_space<vmem_shared>> -> memref<128x128xf32, #tpu.memory_space<vmem_shared>>
        %dma_wait3A_107 = arith.constant 0 : i32
        %dma_wait3A_108 = arith.constant 0 : i32
        %dma_wait3A_109 = tpu.memref_slice %arg6[%dma_wait3A_107, %dma_wait3A_108] : memref<10240x128xf32, #tpu.memory_space<vmem_shared>> -> memref<128x128xf32, #tpu.memory_space<vmem_shared>>
        tpu.wait_dma2 semaphore(%arg14 : memref<!tpu.dma_semaphore, #tpu.memory_space<semaphore_mem>>) src(%arg8 : memref<128x128xf32, #tpu.memory_space<vmem>>) dst(%dma_wait3A_109 : memref<128x128xf32, #tpu.memory_space<vmem_shared>>)
      } else {
      }
      %dma_wait3A_60 = arith.constant 0 : i32
      %dma_wait3A_61 = arith.constant 0 : i32
      %dma_wait3A_62 = tpu.memref_slice %arg2[%dma_wait3A_60, %dma_wait3A_61] : memref<10240x128xf32, #tpu.memory_space<hbm>> -> memref<128x128xf32, #tpu.memory_space<hbm>>
      %dma_wait3A_63 = arith.constant 0 : i32
      %dma_wait3A_64 = arith.constant 0 : i32
      %dma_wait3A_65 = tpu.memref_slice %arg2[%dma_wait3A_63, %dma_wait3A_64] : memref<10240x128xf32, #tpu.memory_space<hbm>> -> memref<128x128xf32, #tpu.memory_space<hbm>>
      tpu.wait_dma2 semaphore(%arg11 : memref<!tpu.dma_semaphore, #tpu.memory_space<semaphore_mem>>) src(%dma_wait3A_65 : memref<128x128xf32, #tpu.memory_space<hbm>>) dst(%arg7 : memref<128x128xf32, #tpu.memory_space<vmem>>)
      %add3A_66 = arith.constant 1 : i32
      %add3A_67 = arith.addi %mul3A_57, %add3A_66 : i32
      %dma_start3A_68 = arith.constant 0 : i32
      %dma_start3A_69 = tpu.memref_slice %arg9[%add3A_67, %dma_start3A_68] : memref<40x128xi32, #tpu.memory_space<vmem>> -> memref<1x128xi32, #tpu.memory_space<vmem>>
      %dma_start3A_70 = tpu.memref_squeeze %dma_start3A_69 : memref<1x128xi32, #tpu.memory_space<vmem>> -> memref<128xi32, #tpu.memory_space<vmem>>
      %dma_start3A_71 = arith.constant 0 : i32
      %dma_start3A_72 = arith.constant 0 : i32
      %dma_start3A_73 = tpu.memref_slice %arg2[%dma_start3A_71, %dma_start3A_72] : memref<10240x128xf32, #tpu.memory_space<hbm>> -> memref<10240x128xf32, #tpu.memory_space<hbm>>
      tpu.enqueue_indirect_dma source(%dma_start3A_73 : memref<10240x128xf32, #tpu.memory_space<hbm>>) target(%arg8 : memref<128x128xf32, #tpu.memory_space<vmem>>) offsets(%dma_start3A_70 : memref<128xi32, #tpu.memory_space<vmem>>) semaphore(%arg12 : memref<!tpu.dma_semaphore, #tpu.memory_space<semaphore_mem>>)
      %dma_start3A_74 = arith.constant 0 : i32
      %dma_start3A_75 = tpu.memref_slice %arg10[%mul3A_57, %dma_start3A_74] : memref<40x128xi32, #tpu.memory_space<vmem>> -> memref<1x128xi32, #tpu.memory_space<vmem>>
      %dma_start3A_76 = tpu.memref_squeeze %dma_start3A_75 : memref<1x128xi32, #tpu.memory_space<vmem>> -> memref<128xi32, #tpu.memory_space<vmem>>
      %dma_start3A_77 = arith.constant 0 : i32
      %dma_start3A_78 = arith.constant 0 : i32
      %dma_start3A_79 = tpu.memref_slice %arg6[%dma_start3A_77, %dma_start3A_78] : memref<10240x128xf32, #tpu.memory_space<vmem_shared>> -> memref<10240x128xf32, #tpu.memory_space<vmem_shared>>
      tpu.enqueue_indirect_dma source(%arg7 : memref<128x128xf32, #tpu.memory_space<vmem>>) target(%dma_start3A_79 : memref<10240x128xf32, #tpu.memory_space<vmem_shared>>) offsets(%dma_start3A_76 : memref<128xi32, #tpu.memory_space<vmem>>) semaphore(%arg13 : memref<!tpu.dma_semaphore, #tpu.memory_space<semaphore_mem>>) {add = true}
      %dma_wait3A_80 = arith.constant 0 : i32
      %dma_wait3A_81 = arith.constant 0 : i32
      %dma_wait3A_82 = tpu.memref_slice %arg2[%dma_wait3A_80, %dma_wait3A_81] : memref<10240x128xf32, #tpu.memory_space<hbm>> -> memref<128x128xf32, #tpu.memory_space<hbm>>
      %dma_wait3A_83 = arith.constant 0 : i32
      %dma_wait3A_84 = arith.constant 0 : i32
      %dma_wait3A_85 = tpu.memref_slice %arg2[%dma_wait3A_83, %dma_wait3A_84] : memref<10240x128xf32, #tpu.memory_space<hbm>> -> memref<128x128xf32, #tpu.memory_space<hbm>>
      tpu.wait_dma2 semaphore(%arg12 : memref<!tpu.dma_semaphore, #tpu.memory_space<semaphore_mem>>) src(%dma_wait3A_85 : memref<128x128xf32, #tpu.memory_space<hbm>>) dst(%arg8 : memref<128x128xf32, #tpu.memory_space<vmem>>)
      %dma_wait3A_86 = arith.constant 0 : i32
      %dma_wait3A_87 = arith.constant 0 : i32
      %dma_wait3A_88 = tpu.memref_slice %arg6[%dma_wait3A_86, %dma_wait3A_87] : memref<10240x128xf32, #tpu.memory_space<vmem_shared>> -> memref<128x128xf32, #tpu.memory_space<vmem_shared>>
      %dma_wait3A_89 = arith.constant 0 : i32
      %dma_wait3A_90 = arith.constant 0 : i32
      %dma_wait3A_91 = tpu.memref_slice %arg6[%dma_wait3A_89, %dma_wait3A_90] : memref<10240x128xf32, #tpu.memory_space<vmem_shared>> -> memref<128x128xf32, #tpu.memory_space<vmem_shared>>
      tpu.wait_dma2 semaphore(%arg13 : memref<!tpu.dma_semaphore, #tpu.memory_space<semaphore_mem>>) src(%arg7 : memref<128x128xf32, #tpu.memory_space<vmem>>) dst(%dma_wait3A_91 : memref<128x128xf32, #tpu.memory_space<vmem_shared>>)
      %lt3A = arith.constant 19 : i32
      %lt3A_92 = arith.cmpi slt, %scan3A_55, %lt3A : i32
      %convert_element_type3A_93 = arith.extui %lt3A_92 : i1 to i32
      %cond3A_94 = arith.constant 0 : i32
      %cond3A_95 = arith.cmpi ne, %convert_element_type3A_93, %cond3A_94 : i32
      scf.if %cond3A_95 {
        %add3A_104 = arith.constant 2 : i32
        %add3A_105 = arith.addi %mul3A_57, %add3A_104 : i32
        %dma_start3A_106 = arith.constant 0 : i32
        %dma_start3A_107 = tpu.memref_slice %arg9[%add3A_105, %dma_start3A_106] : memref<40x128xi32, #tpu.memory_space<vmem>> -> memref<1x128xi32, #tpu.memory_space<vmem>>
        %dma_start3A_108 = tpu.memref_squeeze %dma_start3A_107 : memref<1x128xi32, #tpu.memory_space<vmem>> -> memref<128xi32, #tpu.memory_space<vmem>>
        %dma_start3A_109 = arith.constant 0 : i32
        %dma_start3A_110 = arith.constant 0 : i32
        %dma_start3A_111 = tpu.memref_slice %arg2[%dma_start3A_109, %dma_start3A_110] : memref<10240x128xf32, #tpu.memory_space<hbm>> -> memref<10240x128xf32, #tpu.memory_space<hbm>>
        tpu.enqueue_indirect_dma source(%dma_start3A_111 : memref<10240x128xf32, #tpu.memory_space<hbm>>) target(%arg7 : memref<128x128xf32, #tpu.memory_space<vmem>>) offsets(%dma_start3A_108 : memref<128xi32, #tpu.memory_space<vmem>>) semaphore(%arg11 : memref<!tpu.dma_semaphore, #tpu.memory_space<semaphore_mem>>)
      } else {
      }
      %add3A_96 = arith.constant 1 : i32
      %add3A_97 = arith.addi %mul3A_57, %add3A_96 : i32
      %dma_start3A_98 = arith.constant 0 : i32
      %dma_start3A_99 = tpu.memref_slice %arg10[%add3A_97, %dma_start3A_98] : memref<40x128xi32, #tpu.memory_space<vmem>> -> memref<1x128xi32, #tpu.memory_space<vmem>>
      %dma_start3A_100 = tpu.memref_squeeze %dma_start3A_99 : memref<1x128xi32, #tpu.memory_space<vmem>> -> memref<128xi32, #tpu.memory_space<vmem>>
      %dma_start3A_101 = arith.constant 0 : i32
      %dma_start3A_102 = arith.constant 0 : i32
      %dma_start3A_103 = tpu.memref_slice %arg6[%dma_start3A_101, %dma_start3A_102] : memref<10240x128xf32, #tpu.memory_space<vmem_shared>> -> memref<10240x128xf32, #tpu.memory_space<vmem_shared>>
      tpu.enqueue_indirect_dma source(%arg8 : memref<128x128xf32, #tpu.memory_space<vmem>>) target(%dma_start3A_103 : memref<10240x128xf32, #tpu.memory_space<vmem_shared>>) offsets(%dma_start3A_100 : memref<128xi32, #tpu.memory_space<vmem>>) semaphore(%arg14 : memref<!tpu.dma_semaphore, #tpu.memory_space<semaphore_mem>>) {add = true}
    }
    %scan3A_23 = arith.constant 20 : i32
    %dma_wait3A = arith.constant 0 : i32
    %dma_wait3A_24 = arith.constant 0 : i32
    %dma_wait3A_25 = tpu.memref_slice %arg6[%dma_wait3A, %dma_wait3A_24] : memref<10240x128xf32, #tpu.memory_space<vmem_shared>> -> memref<128x128xf32, #tpu.memory_space<vmem_shared>>
    %dma_wait3A_26 = arith.constant 0 : i32
    %dma_wait3A_27 = arith.constant 0 : i32
    %dma_wait3A_28 = tpu.memref_slice %arg6[%dma_wait3A_26, %dma_wait3A_27] : memref<10240x128xf32, #tpu.memory_space<vmem_shared>> -> memref<128x128xf32, #tpu.memory_space<vmem_shared>>
    tpu.wait_dma2 semaphore(%arg14 : memref<!tpu.dma_semaphore, #tpu.memory_space<semaphore_mem>>) src(%arg8 : memref<128x128xf32, #tpu.memory_space<vmem>>) dst(%dma_wait3A_28 : memref<128x128xf32, #tpu.memory_space<vmem_shared>>)
    "tpu.region"() ({
      %run_scoped3A = tpu.sem_alloc : memref<!tpu.dma_semaphore, #tpu.memory_space<semaphore_mem>>
      %dma_start3A_55 = arith.constant 40 : i32
      %dma_start3A_56 = arith.constant 0 : i32
      %dma_start3A_57 = tpu.memref_slice %arg3[%add3A, %dma_start3A_55, %dma_start3A_56] : memref<32x80x128xi32, #tpu.memory_space<hbm>> -> memref<1x40x128xi32, #tpu.memory_space<hbm>>
      %dma_start3A_58 = tpu.memref_squeeze %dma_start3A_57 : memref<1x40x128xi32, #tpu.memory_space<hbm>> -> memref<40x128xi32, #tpu.memory_space<hbm>>
      %dma_start3A_59 = arith.constant 40 : i32
      %dma_start3A_60 = arith.constant 0 : i32
      %dma_start3A_61 = tpu.memref_slice %arg3[%add3A, %dma_start3A_59, %dma_start3A_60] : memref<32x80x128xi32, #tpu.memory_space<hbm>> -> memref<1x40x128xi32, #tpu.memory_space<hbm>>
      %dma_start3A_62 = tpu.memref_squeeze %dma_start3A_61 : memref<1x40x128xi32, #tpu.memory_space<hbm>> -> memref<40x128xi32, #tpu.memory_space<hbm>>
      tpu.enqueue_dma source(%dma_start3A_62 : memref<40x128xi32, #tpu.memory_space<hbm>>) target(%arg9 : memref<40x128xi32, #tpu.memory_space<vmem>>) target_semaphore(%run_scoped3A : memref<!tpu.dma_semaphore, #tpu.memory_space<semaphore_mem>>)
      %dma_wait3A_63 = arith.constant 40 : i32
      %dma_wait3A_64 = arith.constant 0 : i32
      %dma_wait3A_65 = tpu.memref_slice %arg3[%add3A, %dma_wait3A_63, %dma_wait3A_64] : memref<32x80x128xi32, #tpu.memory_space<hbm>> -> memref<1x40x128xi32, #tpu.memory_space<hbm>>
      %dma_wait3A_66 = tpu.memref_squeeze %dma_wait3A_65 : memref<1x40x128xi32, #tpu.memory_space<hbm>> -> memref<40x128xi32, #tpu.memory_space<hbm>>
      %dma_wait3A_67 = arith.constant 40 : i32
      %dma_wait3A_68 = arith.constant 0 : i32
      %dma_wait3A_69 = tpu.memref_slice %arg3[%add3A, %dma_wait3A_67, %dma_wait3A_68] : memref<32x80x128xi32, #tpu.memory_space<hbm>> -> memref<1x40x128xi32, #tpu.memory_space<hbm>>
      %dma_wait3A_70 = tpu.memref_squeeze %dma_wait3A_69 : memref<1x40x128xi32, #tpu.memory_space<hbm>> -> memref<40x128xi32, #tpu.memory_space<hbm>>
      tpu.wait_dma2 semaphore(%run_scoped3A : memref<!tpu.dma_semaphore, #tpu.memory_space<semaphore_mem>>) src(%dma_wait3A_70 : memref<40x128xi32, #tpu.memory_space<hbm>>) dst(%arg9 : memref<40x128xi32, #tpu.memory_space<vmem>>)
      tpu.yield
    }) : () -> ()
    "tpu.region"() ({
      %run_scoped3A = tpu.sem_alloc : memref<!tpu.dma_semaphore, #tpu.memory_space<semaphore_mem>>
      %dma_start3A_55 = arith.constant 40 : i32
      %dma_start3A_56 = arith.constant 0 : i32
      %dma_start3A_57 = tpu.memref_slice %arg4[%add3A, %dma_start3A_55, %dma_start3A_56] : memref<32x80x128xi32, #tpu.memory_space<hbm>> -> memref<1x40x128xi32, #tpu.memory_space<hbm>>
      %dma_start3A_58 = tpu.memref_squeeze %dma_start3A_57 : memref<1x40x128xi32, #tpu.memory_space<hbm>> -> memref<40x128xi32, #tpu.memory_space<hbm>>
      %dma_start3A_59 = arith.constant 40 : i32
      %dma_start3A_60 = arith.constant 0 : i32
      %dma_start3A_61 = tpu.memref_slice %arg4[%add3A, %dma_start3A_59, %dma_start3A_60] : memref<32x80x128xi32, #tpu.memory_space<hbm>> -> memref<1x40x128xi32, #tpu.memory_space<hbm>>
      %dma_start3A_62 = tpu.memref_squeeze %dma_start3A_61 : memref<1x40x128xi32, #tpu.memory_space<hbm>> -> memref<40x128xi32, #tpu.memory_space<hbm>>
      tpu.enqueue_dma source(%dma_start3A_62 : memref<40x128xi32, #tpu.memory_space<hbm>>) target(%arg10 : memref<40x128xi32, #tpu.memory_space<vmem>>) target_semaphore(%run_scoped3A : memref<!tpu.dma_semaphore, #tpu.memory_space<semaphore_mem>>)
      %dma_wait3A_63 = arith.constant 40 : i32
      %dma_wait3A_64 = arith.constant 0 : i32
      %dma_wait3A_65 = tpu.memref_slice %arg4[%add3A, %dma_wait3A_63, %dma_wait3A_64] : memref<32x80x128xi32, #tpu.memory_space<hbm>> -> memref<1x40x128xi32, #tpu.memory_space<hbm>>
      %dma_wait3A_66 = tpu.memref_squeeze %dma_wait3A_65 : memref<1x40x128xi32, #tpu.memory_space<hbm>> -> memref<40x128xi32, #tpu.memory_space<hbm>>
      %dma_wait3A_67 = arith.constant 40 : i32
      %dma_wait3A_68 = arith.constant 0 : i32
      %dma_wait3A_69 = tpu.memref_slice %arg4[%add3A, %dma_wait3A_67, %dma_wait3A_68] : memref<32x80x128xi32, #tpu.memory_space<hbm>> -> memref<1x40x128xi32, #tpu.memory_space<hbm>>
      %dma_wait3A_70 = tpu.memref_squeeze %dma_wait3A_69 : memref<1x40x128xi32, #tpu.memory_space<hbm>> -> memref<40x128xi32, #tpu.memory_space<hbm>>
      tpu.wait_dma2 semaphore(%run_scoped3A : memref<!tpu.dma_semaphore, #tpu.memory_space<semaphore_mem>>) src(%dma_wait3A_70 : memref<40x128xi32, #tpu.memory_space<hbm>>) dst(%arg10 : memref<40x128xi32, #tpu.memory_space<vmem>>)
      tpu.yield
    }) : () -> ()
    %dma_start3A_29 = arith.constant 0 : i32
    %dma_start3A_30 = arith.constant 0 : i32
    %dma_start3A_31 = tpu.memref_slice %arg9[%dma_start3A_29, %dma_start3A_30] : memref<40x128xi32, #tpu.memory_space<vmem>> -> memref<1x128xi32, #tpu.memory_space<vmem>>
    %dma_start3A_32 = tpu.memref_squeeze %dma_start3A_31 : memref<1x128xi32, #tpu.memory_space<vmem>> -> memref<128xi32, #tpu.memory_space<vmem>>
    %dma_start3A_33 = arith.constant 0 : i32
    %dma_start3A_34 = arith.constant 0 : i32
    %dma_start3A_35 = tpu.memref_slice %arg2[%dma_start3A_33, %dma_start3A_34] : memref<10240x128xf32, #tpu.memory_space<hbm>> -> memref<10240x128xf32, #tpu.memory_space<hbm>>
    tpu.enqueue_indirect_dma source(%dma_start3A_35 : memref<10240x128xf32, #tpu.memory_space<hbm>>) target(%arg7 : memref<128x128xf32, #tpu.memory_space<vmem>>) offsets(%dma_start3A_32 : memref<128xi32, #tpu.memory_space<vmem>>) semaphore(%arg11 : memref<!tpu.dma_semaphore, #tpu.memory_space<semaphore_mem>>)
    %scan3A_36 = arith.constant 0 : i32
    %scan3A_37 = arith.constant 0 : i32
    %scan3A_38 = arith.constant 20 : i32
    %scan3A_39 = arith.addi %scan3A_37, %scan3A_38 : i32
    %scan3A_40 = arith.constant 1 : i32
    scf.for %scan3A_55 = %scan3A_37 to %scan3A_39 step %scan3A_40  : i32 {
      %mul3A_56 = arith.constant 2 : i32
      %mul3A_57 = arith.muli %mul3A_56, %scan3A_55 : i32
      %gt3A = arith.constant 0 : i32
      %gt3A_58 = arith.cmpi sgt, %scan3A_55, %gt3A : i32
      %convert_element_type3A = arith.extui %gt3A_58 : i1 to i32
      %cond3A = arith.constant 0 : i32
      %cond3A_59 = arith.cmpi ne, %convert_element_type3A, %cond3A : i32
      scf.if %cond3A_59 {
        %dma_wait3A_104 = arith.constant 0 : i32
        %dma_wait3A_105 = arith.constant 0 : i32
        %dma_wait3A_106 = tpu.memref_slice %arg6[%dma_wait3A_104, %dma_wait3A_105] : memref<10240x128xf32, #tpu.memory_space<vmem_shared>> -> memref<128x128xf32, #tpu.memory_space<vmem_shared>>
        %dma_wait3A_107 = arith.constant 0 : i32
        %dma_wait3A_108 = arith.constant 0 : i32
        %dma_wait3A_109 = tpu.memref_slice %arg6[%dma_wait3A_107, %dma_wait3A_108] : memref<10240x128xf32, #tpu.memory_space<vmem_shared>> -> memref<128x128xf32, #tpu.memory_space<vmem_shared>>
        tpu.wait_dma2 semaphore(%arg14 : memref<!tpu.dma_semaphore, #tpu.memory_space<semaphore_mem>>) src(%arg8 : memref<128x128xf32, #tpu.memory_space<vmem>>) dst(%dma_wait3A_109 : memref<128x128xf32, #tpu.memory_space<vmem_shared>>)
      } else {
      }
      %dma_wait3A_60 = arith.constant 0 : i32
      %dma_wait3A_61 = arith.constant 0 : i32
      %dma_wait3A_62 = tpu.memref_slice %arg2[%dma_wait3A_60, %dma_wait3A_61] : memref<10240x128xf32, #tpu.memory_space<hbm>> -> memref<128x128xf32, #tpu.memory_space<hbm>>
      %dma_wait3A_63 = arith.constant 0 : i32
      %dma_wait3A_64 = arith.constant 0 : i32
      %dma_wait3A_65 = tpu.memref_slice %arg2[%dma_wait3A_63, %dma_wait3A_64] : memref<10240x128xf32, #tpu.memory_space<hbm>> -> memref<128x128xf32, #tpu.memory_space<hbm>>
      tpu.wait_dma2 semaphore(%arg11 : memref<!tpu.dma_semaphore, #tpu.memory_space<semaphore_mem>>) src(%dma_wait3A_65 : memref<128x128xf32, #tpu.memory_space<hbm>>) dst(%arg7 : memref<128x128xf32, #tpu.memory_space<vmem>>)
      %add3A_66 = arith.constant 1 : i32
      %add3A_67 = arith.addi %mul3A_57, %add3A_66 : i32
      %dma_start3A_68 = arith.constant 0 : i32
      %dma_start3A_69 = tpu.memref_slice %arg9[%add3A_67, %dma_start3A_68] : memref<40x128xi32, #tpu.memory_space<vmem>> -> memref<1x128xi32, #tpu.memory_space<vmem>>
      %dma_start3A_70 = tpu.memref_squeeze %dma_start3A_69 : memref<1x128xi32, #tpu.memory_space<vmem>> -> memref<128xi32, #tpu.memory_space<vmem>>
      %dma_start3A_71 = arith.constant 0 : i32
      %dma_start3A_72 = arith.constant 0 : i32
      %dma_start3A_73 = tpu.memref_slice %arg2[%dma_start3A_71, %dma_start3A_72] : memref<10240x128xf32, #tpu.memory_space<hbm>> -> memref<10240x128xf32, #tpu.memory_space<hbm>>
      tpu.enqueue_indirect_dma source(%dma_start3A_73 : memref<10240x128xf32, #tpu.memory_space<hbm>>) target(%arg8 : memref<128x128xf32, #tpu.memory_space<vmem>>) offsets(%dma_start3A_70 : memref<128xi32, #tpu.memory_space<vmem>>) semaphore(%arg12 : memref<!tpu.dma_semaphore, #tpu.memory_space<semaphore_mem>>)
      %dma_start3A_74 = arith.constant 0 : i32
      %dma_start3A_75 = tpu.memref_slice %arg10[%mul3A_57, %dma_start3A_74] : memref<40x128xi32, #tpu.memory_space<vmem>> -> memref<1x128xi32, #tpu.memory_space<vmem>>
      %dma_start3A_76 = tpu.memref_squeeze %dma_start3A_75 : memref<1x128xi32, #tpu.memory_space<vmem>> -> memref<128xi32, #tpu.memory_space<vmem>>
      %dma_start3A_77 = arith.constant 0 : i32
      %dma_start3A_78 = arith.constant 0 : i32
      %dma_start3A_79 = tpu.memref_slice %arg6[%dma_start3A_77, %dma_start3A_78] : memref<10240x128xf32, #tpu.memory_space<vmem_shared>> -> memref<10240x128xf32, #tpu.memory_space<vmem_shared>>
      tpu.enqueue_indirect_dma source(%arg7 : memref<128x128xf32, #tpu.memory_space<vmem>>) target(%dma_start3A_79 : memref<10240x128xf32, #tpu.memory_space<vmem_shared>>) offsets(%dma_start3A_76 : memref<128xi32, #tpu.memory_space<vmem>>) semaphore(%arg13 : memref<!tpu.dma_semaphore, #tpu.memory_space<semaphore_mem>>) {add = true}
      %dma_wait3A_80 = arith.constant 0 : i32
      %dma_wait3A_81 = arith.constant 0 : i32
      %dma_wait3A_82 = tpu.memref_slice %arg2[%dma_wait3A_80, %dma_wait3A_81] : memref<10240x128xf32, #tpu.memory_space<hbm>> -> memref<128x128xf32, #tpu.memory_space<hbm>>
      %dma_wait3A_83 = arith.constant 0 : i32
      %dma_wait3A_84 = arith.constant 0 : i32
      %dma_wait3A_85 = tpu.memref_slice %arg2[%dma_wait3A_83, %dma_wait3A_84] : memref<10240x128xf32, #tpu.memory_space<hbm>> -> memref<128x128xf32, #tpu.memory_space<hbm>>
      tpu.wait_dma2 semaphore(%arg12 : memref<!tpu.dma_semaphore, #tpu.memory_space<semaphore_mem>>) src(%dma_wait3A_85 : memref<128x128xf32, #tpu.memory_space<hbm>>) dst(%arg8 : memref<128x128xf32, #tpu.memory_space<vmem>>)
      %dma_wait3A_86 = arith.constant 0 : i32
      %dma_wait3A_87 = arith.constant 0 : i32
      %dma_wait3A_88 = tpu.memref_slice %arg6[%dma_wait3A_86, %dma_wait3A_87] : memref<10240x128xf32, #tpu.memory_space<vmem_shared>> -> memref<128x128xf32, #tpu.memory_space<vmem_shared>>
      %dma_wait3A_89 = arith.constant 0 : i32
      %dma_wait3A_90 = arith.constant 0 : i32
      %dma_wait3A_91 = tpu.memref_slice %arg6[%dma_wait3A_89, %dma_wait3A_90] : memref<10240x128xf32, #tpu.memory_space<vmem_shared>> -> memref<128x128xf32, #tpu.memory_space<vmem_shared>>
      tpu.wait_dma2 semaphore(%arg13 : memref<!tpu.dma_semaphore, #tpu.memory_space<semaphore_mem>>) src(%arg7 : memref<128x128xf32, #tpu.memory_space<vmem>>) dst(%dma_wait3A_91 : memref<128x128xf32, #tpu.memory_space<vmem_shared>>)
      %lt3A = arith.constant 19 : i32
      %lt3A_92 = arith.cmpi slt, %scan3A_55, %lt3A : i32
      %convert_element_type3A_93 = arith.extui %lt3A_92 : i1 to i32
      %cond3A_94 = arith.constant 0 : i32
      %cond3A_95 = arith.cmpi ne, %convert_element_type3A_93, %cond3A_94 : i32
      scf.if %cond3A_95 {
        %add3A_104 = arith.constant 2 : i32
        %add3A_105 = arith.addi %mul3A_57, %add3A_104 : i32
        %dma_start3A_106 = arith.constant 0 : i32
        %dma_start3A_107 = tpu.memref_slice %arg9[%add3A_105, %dma_start3A_106] : memref<40x128xi32, #tpu.memory_space<vmem>> -> memref<1x128xi32, #tpu.memory_space<vmem>>
        %dma_start3A_108 = tpu.memref_squeeze %dma_start3A_107 : memref<1x128xi32, #tpu.memory_space<vmem>> -> memref<128xi32, #tpu.memory_space<vmem>>
        %dma_start3A_109 = arith.constant 0 : i32
        %dma_start3A_110 = arith.constant 0 : i32
        %dma_start3A_111 = tpu.memref_slice %arg2[%dma_start3A_109, %dma_start3A_110] : memref<10240x128xf32, #tpu.memory_space<hbm>> -> memref<10240x128xf32, #tpu.memory_space<hbm>>
        tpu.enqueue_indirect_dma source(%dma_start3A_111 : memref<10240x128xf32, #tpu.memory_space<hbm>>) target(%arg7 : memref<128x128xf32, #tpu.memory_space<vmem>>) offsets(%dma_start3A_108 : memref<128xi32, #tpu.memory_space<vmem>>) semaphore(%arg11 : memref<!tpu.dma_semaphore, #tpu.memory_space<semaphore_mem>>)
      } else {
      }
      %add3A_96 = arith.constant 1 : i32
      %add3A_97 = arith.addi %mul3A_57, %add3A_96 : i32
      %dma_start3A_98 = arith.constant 0 : i32
      %dma_start3A_99 = tpu.memref_slice %arg10[%add3A_97, %dma_start3A_98] : memref<40x128xi32, #tpu.memory_space<vmem>> -> memref<1x128xi32, #tpu.memory_space<vmem>>
      %dma_start3A_100 = tpu.memref_squeeze %dma_start3A_99 : memref<1x128xi32, #tpu.memory_space<vmem>> -> memref<128xi32, #tpu.memory_space<vmem>>
      %dma_start3A_101 = arith.constant 0 : i32
      %dma_start3A_102 = arith.constant 0 : i32
      %dma_start3A_103 = tpu.memref_slice %arg6[%dma_start3A_101, %dma_start3A_102] : memref<10240x128xf32, #tpu.memory_space<vmem_shared>> -> memref<10240x128xf32, #tpu.memory_space<vmem_shared>>
      tpu.enqueue_indirect_dma source(%arg8 : memref<128x128xf32, #tpu.memory_space<vmem>>) target(%dma_start3A_103 : memref<10240x128xf32, #tpu.memory_space<vmem_shared>>) offsets(%dma_start3A_100 : memref<128xi32, #tpu.memory_space<vmem>>) semaphore(%arg14 : memref<!tpu.dma_semaphore, #tpu.memory_space<semaphore_mem>>) {add = true}
    }
    %scan3A_41 = arith.constant 20 : i32
    %dma_wait3A_42 = arith.constant 0 : i32
    %dma_wait3A_43 = arith.constant 0 : i32
    %dma_wait3A_44 = tpu.memref_slice %arg6[%dma_wait3A_42, %dma_wait3A_43] : memref<10240x128xf32, #tpu.memory_space<vmem_shared>> -> memref<128x128xf32, #tpu.memory_space<vmem_shared>>
    %dma_wait3A_45 = arith.constant 0 : i32
    %dma_wait3A_46 = arith.constant 0 : i32
    %dma_wait3A_47 = tpu.memref_slice %arg6[%dma_wait3A_45, %dma_wait3A_46] : memref<10240x128xf32, #tpu.memory_space<vmem_shared>> -> memref<128x128xf32, #tpu.memory_space<vmem_shared>>
    tpu.wait_dma2 semaphore(%arg14 : memref<!tpu.dma_semaphore, #tpu.memory_space<semaphore_mem>>) src(%arg8 : memref<128x128xf32, #tpu.memory_space<vmem>>) dst(%dma_wait3A_47 : memref<128x128xf32, #tpu.memory_space<vmem_shared>>)
    %barrier3A_48 = arith.constant 0 : index
    tpu.barrier barrier_id(%barrier3A_48)
    %scan3A_49 = arith.constant 0 : i32
    %scan3A_50 = arith.constant 0 : i32
    %scan3A_51 = arith.constant 5 : i32
    %scan3A_52 = arith.addi %scan3A_50, %scan3A_51 : i32
    %scan3A_53 = arith.constant 1 : i32
    scf.for %scan3A_55 = %scan3A_50 to %scan3A_52 step %scan3A_53  : i32 {
      %mul3A_56 = arith.constant 640 : i32
      %mul3A_57 = arith.muli %arg1, %mul3A_56 : i32
      %mul3A_58 = arith.constant 128 : i32
      %mul3A_59 = arith.muli %scan3A_55, %mul3A_58 : i32
      %add3A_60 = arith.addi %mul3A_57, %mul3A_59 : i32
      "tpu.region"() ({
        %run_scoped3A = tpu.sem_alloc : memref<!tpu.dma_semaphore, #tpu.memory_space<semaphore_mem>>
        %dma_start3A_61 = arith.constant 0 : i32
        %dma_start3A_62 = tpu.memref_slice %arg6[%add3A_60, %dma_start3A_61] : memref<10240x128xf32, #tpu.memory_space<vmem_shared>> -> memref<128x128xf32, #tpu.memory_space<vmem_shared>>
        %dma_start3A_63 = arith.constant 0 : i32
        %dma_start3A_64 = tpu.memref_slice %arg6[%add3A_60, %dma_start3A_63] : memref<10240x128xf32, #tpu.memory_space<vmem_shared>> -> memref<128x128xf32, #tpu.memory_space<vmem_shared>>
        tpu.enqueue_dma source(%dma_start3A_64 : memref<128x128xf32, #tpu.memory_space<vmem_shared>>) target(%arg7 : memref<128x128xf32, #tpu.memory_space<vmem>>) target_semaphore(%run_scoped3A : memref<!tpu.dma_semaphore, #tpu.memory_space<semaphore_mem>>)
        %dma_wait3A_65 = arith.constant 0 : i32
        %dma_wait3A_66 = tpu.memref_slice %arg6[%add3A_60, %dma_wait3A_65] : memref<10240x128xf32, #tpu.memory_space<vmem_shared>> -> memref<128x128xf32, #tpu.memory_space<vmem_shared>>
        %dma_wait3A_67 = arith.constant 0 : i32
        %dma_wait3A_68 = tpu.memref_slice %arg6[%add3A_60, %dma_wait3A_67] : memref<10240x128xf32, #tpu.memory_space<vmem_shared>> -> memref<128x128xf32, #tpu.memory_space<vmem_shared>>
        tpu.wait_dma2 semaphore(%run_scoped3A : memref<!tpu.dma_semaphore, #tpu.memory_space<semaphore_mem>>) src(%dma_wait3A_68 : memref<128x128xf32, #tpu.memory_space<vmem_shared>>) dst(%arg7 : memref<128x128xf32, #tpu.memory_space<vmem>>)
        tpu.yield
      }) : () -> ()
      "tpu.region"() ({
        %run_scoped3A = tpu.sem_alloc : memref<!tpu.dma_semaphore, #tpu.memory_space<semaphore_mem>>
        %dma_start3A_61 = arith.constant 0 : i32
        %dma_start3A_62 = tpu.memref_slice %arg5[%arg0, %add3A_60, %dma_start3A_61] : memref<2x10240x128xf32, #tpu.memory_space<hbm>> -> memref<1x128x128xf32, #tpu.memory_space<hbm>>
        %dma_start3A_63 = tpu.memref_squeeze %dma_start3A_62 : memref<1x128x128xf32, #tpu.memory_space<hbm>> -> memref<128x128xf32, #tpu.memory_space<hbm>>
        %dma_start3A_64 = arith.constant 0 : i32
        %dma_start3A_65 = tpu.memref_slice %arg5[%arg0, %add3A_60, %dma_start3A_64] : memref<2x10240x128xf32, #tpu.memory_space<hbm>> -> memref<1x128x128xf32, #tpu.memory_space<hbm>>
        %dma_start3A_66 = tpu.memref_squeeze %dma_start3A_65 : memref<1x128x128xf32, #tpu.memory_space<hbm>> -> memref<128x128xf32, #tpu.memory_space<hbm>>
        tpu.enqueue_dma source(%arg7 : memref<128x128xf32, #tpu.memory_space<vmem>>) target(%dma_start3A_66 : memref<128x128xf32, #tpu.memory_space<hbm>>) target_semaphore(%run_scoped3A : memref<!tpu.dma_semaphore, #tpu.memory_space<semaphore_mem>>)
        %dma_wait3A_67 = arith.constant 0 : i32
        %dma_wait3A_68 = tpu.memref_slice %arg5[%arg0, %add3A_60, %dma_wait3A_67] : memref<2x10240x128xf32, #tpu.memory_space<hbm>> -> memref<1x128x128xf32, #tpu.memory_space<hbm>>
        %dma_wait3A_69 = tpu.memref_squeeze %dma_wait3A_68 : memref<1x128x128xf32, #tpu.memory_space<hbm>> -> memref<128x128xf32, #tpu.memory_space<hbm>>
        %dma_wait3A_70 = arith.constant 0 : i32
        %dma_wait3A_71 = tpu.memref_slice %arg5[%arg0, %add3A_60, %dma_wait3A_70] : memref<2x10240x128xf32, #tpu.memory_space<hbm>> -> memref<1x128x128xf32, #tpu.memory_space<hbm>>
        %dma_wait3A_72 = tpu.memref_squeeze %dma_wait3A_71 : memref<1x128x128xf32, #tpu.memory_space<hbm>> -> memref<128x128xf32, #tpu.memory_space<hbm>>
        tpu.wait_dma2 semaphore(%run_scoped3A : memref<!tpu.dma_semaphore, #tpu.memory_space<semaphore_mem>>) src(%arg7 : memref<128x128xf32, #tpu.memory_space<vmem>>) dst(%dma_wait3A_72 : memref<128x128xf32, #tpu.memory_space<hbm>>)
        tpu.yield
      }) : () -> ()
    }
    %scan3A_54 = arith.constant 5 : i32
    return
  }
}

#map = affine_map<(d0, d1) -> (0, 0)>
#map1 = affine_map<(d0, d1) -> (0, 0, 0)>
module attributes {stable_mosaic.version = 14 : i64} {
  func.func @_edge_scatter_body(%arg0: i32, %arg1: i32, %arg2: memref<10240x128xf32, #tpu.memory_space<hbm>>, %arg3: memref<32x80x128xi32, #tpu.memory_space<hbm>>, %arg4: memref<32x80x128xi32, #tpu.memory_space<hbm>>, %arg5: memref<2x10240x128xf32, #tpu.memory_space<hbm>>, %arg6: memref<10240x128xf32, #tpu.memory_space<vmem_shared>>, %arg7: memref<128x128xf32, #tpu.memory_space<vmem>>, %arg8: memref<128x128xf32, #tpu.memory_space<vmem>>, %arg9: memref<40x128xi32, #tpu.memory_space<vmem>>, %arg10: memref<40x128xi32, #tpu.memory_space<vmem>>, %arg11: memref<!tpu.dma_semaphore, #tpu.memory_space<semaphore_mem>>, %arg12: memref<!tpu.dma_semaphore, #tpu.memory_space<semaphore_mem>>, %arg13: memref<!tpu.dma_semaphore, #tpu.memory_space<semaphore_mem>>, %arg14: memref<!tpu.dma_semaphore, #tpu.memory_space<semaphore_mem>>) attributes {dimension_semantics = [#tpu.dimension_semantics<core_parallel>, #tpu.dimension_semantics<subcore_parallel>], iteration_bounds = array<i64: 2, 16>, scalar_prefetch = 0 : i64, scratch_operands = 9 : i64, tpu.core_type = #tpu.core_type<sc_vector_subcore>, window_params = [{transform_indices = #map}, {transform_indices = #map1}, {transform_indices = #map1}, {transform_indices = #map1}]} {
    %mul3A = arith.constant 16 : i32
    %mul3A_0 = arith.muli %arg0, %mul3A : i32
    %add3A = arith.addi %mul3A_0, %arg1 : i32
    %scan3A = arith.constant 0 : i32
    %scan3A_1 = arith.constant 0 : i32
    %scan3A_2 = arith.constant 128 : i32
    %scan3A_3 = arith.addi %scan3A_1, %scan3A_2 : i32
    %scan3A_4 = arith.constant 1 : i32
    scf.for %scan3A_55 = %scan3A_1 to %scan3A_3 step %scan3A_4  : i32 {
      %broadcast_in_dim3A = arith.constant 0.000000e+00 : f32
      %broadcast_in_dim3A_56 = vector.broadcast %broadcast_in_dim3A : f32 to vector<16xf32>
      %swap3A = arith.index_cast %scan3A_55 : i32 to index
      %swap3A_57 = arith.constant 0 : index
      %swap3A_58 = tpu.vector_load %arg7[%swap3A, %swap3A_57] {strides = array<i32>} : memref<128x128xf32, #tpu.memory_space<vmem>>, vector<1x16xf32>,
      %swap3A_59 = vector.shape_cast %swap3A_58 : vector<1x16xf32> to vector<16xf32>
      %swap3A_60 = vector.shape_cast %broadcast_in_dim3A_56 : vector<16xf32> to vector<1x16xf32>
      tpu.vector_store %arg7[%swap3A, %swap3A_57], %swap3A_60 {strides = array<i32>} : memref<128x128xf32, #tpu.memory_space<vmem>>, vector<1x16xf32>,
      %broadcast_in_dim3A_61 = arith.constant 0.000000e+00 : f32
      %broadcast_in_dim3A_62 = vector.broadcast %broadcast_in_dim3A_61 : f32 to vector<16xf32>
      %swap3A_63 = arith.index_cast %scan3A_55 : i32 to index
      %swap3A_64 = arith.constant 16 : index
      %swap3A_65 = tpu.vector_load %arg7[%swap3A_63, %swap3A_64] {strides = array<i32>} : memref<128x128xf32, #tpu.memory_space<vmem>>, vector<1x16xf32>,
      %swap3A_66 = vector.shape_cast %swap3A_65 : vector<1x16xf32> to vector<16xf32>
      %swap3A_67 = vector.shape_cast %broadcast_in_dim3A_62 : vector<16xf32> to vector<1x16xf32>
      tpu.vector_store %arg7[%swap3A_63, %swap3A_64], %swap3A_67 {strides = array<i32>} : memref<128x128xf32, #tpu.memory_space<vmem>>, vector<1x16xf32>,
      %broadcast_in_dim3A_68 = arith.constant 0.000000e+00 : f32
      %broadcast_in_dim3A_69 = vector.broadcast %broadcast_in_dim3A_68 : f32 to vector<16xf32>
      %swap3A_70 = arith.index_cast %scan3A_55 : i32 to index
      %swap3A_71 = arith.constant 32 : index
      %swap3A_72 = tpu.vector_load %arg7[%swap3A_70, %swap3A_71] {strides = array<i32>} : memref<128x128xf32, #tpu.memory_space<vmem>>, vector<1x16xf32>,
      %swap3A_73 = vector.shape_cast %swap3A_72 : vector<1x16xf32> to vector<16xf32>
      %swap3A_74 = vector.shape_cast %broadcast_in_dim3A_69 : vector<16xf32> to vector<1x16xf32>
      tpu.vector_store %arg7[%swap3A_70, %swap3A_71], %swap3A_74 {strides = array<i32>} : memref<128x128xf32, #tpu.memory_space<vmem>>, vector<1x16xf32>,
      %broadcast_in_dim3A_75 = arith.constant 0.000000e+00 : f32
      %broadcast_in_dim3A_76 = vector.broadcast %broadcast_in_dim3A_75 : f32 to vector<16xf32>
      %swap3A_77 = arith.index_cast %scan3A_55 : i32 to index
      %swap3A_78 = arith.constant 48 : index
      %swap3A_79 = tpu.vector_load %arg7[%swap3A_77, %swap3A_78] {strides = array<i32>} : memref<128x128xf32, #tpu.memory_space<vmem>>, vector<1x16xf32>,
      %swap3A_80 = vector.shape_cast %swap3A_79 : vector<1x16xf32> to vector<16xf32>
      %swap3A_81 = vector.shape_cast %broadcast_in_dim3A_76 : vector<16xf32> to vector<1x16xf32>
      tpu.vector_store %arg7[%swap3A_77, %swap3A_78], %swap3A_81 {strides = array<i32>} : memref<128x128xf32, #tpu.memory_space<vmem>>, vector<1x16xf32>,
      %broadcast_in_dim3A_82 = arith.constant 0.000000e+00 : f32
      %broadcast_in_dim3A_83 = vector.broadcast %broadcast_in_dim3A_82 : f32 to vector<16xf32>
      %swap3A_84 = arith.index_cast %scan3A_55 : i32 to index
      %swap3A_85 = arith.constant 64 : index
      %swap3A_86 = tpu.vector_load %arg7[%swap3A_84, %swap3A_85] {strides = array<i32>} : memref<128x128xf32, #tpu.memory_space<vmem>>, vector<1x16xf32>,
      %swap3A_87 = vector.shape_cast %swap3A_86 : vector<1x16xf32> to vector<16xf32>
      %swap3A_88 = vector.shape_cast %broadcast_in_dim3A_83 : vector<16xf32> to vector<1x16xf32>
      tpu.vector_store %arg7[%swap3A_84, %swap3A_85], %swap3A_88 {strides = array<i32>} : memref<128x128xf32, #tpu.memory_space<vmem>>, vector<1x16xf32>,
      %broadcast_in_dim3A_89 = arith.constant 0.000000e+00 : f32
      %broadcast_in_dim3A_90 = vector.broadcast %broadcast_in_dim3A_89 : f32 to vector<16xf32>
      %swap3A_91 = arith.index_cast %scan3A_55 : i32 to index
      %swap3A_92 = arith.constant 80 : index
      %swap3A_93 = tpu.vector_load %arg7[%swap3A_91, %swap3A_92] {strides = array<i32>} : memref<128x128xf32, #tpu.memory_space<vmem>>, vector<1x16xf32>,
      %swap3A_94 = vector.shape_cast %swap3A_93 : vector<1x16xf32> to vector<16xf32>
      %swap3A_95 = vector.shape_cast %broadcast_in_dim3A_90 : vector<16xf32> to vector<1x16xf32>
      tpu.vector_store %arg7[%swap3A_91, %swap3A_92], %swap3A_95 {strides = array<i32>} : memref<128x128xf32, #tpu.memory_space<vmem>>, vector<1x16xf32>,
      %broadcast_in_dim3A_96 = arith.constant 0.000000e+00 : f32
      %broadcast_in_dim3A_97 = vector.broadcast %broadcast_in_dim3A_96 : f32 to vector<16xf32>
      %swap3A_98 = arith.index_cast %scan3A_55 : i32 to index
      %swap3A_99 = arith.constant 96 : index
      %swap3A_100 = tpu.vector_load %arg7[%swap3A_98, %swap3A_99] {strides = array<i32>} : memref<128x128xf32, #tpu.memory_space<vmem>>, vector<1x16xf32>,
      %swap3A_101 = vector.shape_cast %swap3A_100 : vector<1x16xf32> to vector<16xf32>
      %swap3A_102 = vector.shape_cast %broadcast_in_dim3A_97 : vector<16xf32> to vector<1x16xf32>
      tpu.vector_store %arg7[%swap3A_98, %swap3A_99], %swap3A_102 {strides = array<i32>} : memref<128x128xf32, #tpu.memory_space<vmem>>, vector<1x16xf32>,
      %broadcast_in_dim3A_103 = arith.constant 0.000000e+00 : f32
      %broadcast_in_dim3A_104 = vector.broadcast %broadcast_in_dim3A_103 : f32 to vector<16xf32>
      %swap3A_105 = arith.index_cast %scan3A_55 : i32 to index
      %swap3A_106 = arith.constant 112 : index
      %swap3A_107 = tpu.vector_load %arg7[%swap3A_105, %swap3A_106] {strides = array<i32>} : memref<128x128xf32, #tpu.memory_space<vmem>>, vector<1x16xf32>,
      %swap3A_108 = vector.shape_cast %swap3A_107 : vector<1x16xf32> to vector<16xf32>
      %swap3A_109 = vector.shape_cast %broadcast_in_dim3A_104 : vector<16xf32> to vector<1x16xf32>
      tpu.vector_store %arg7[%swap3A_105, %swap3A_106], %swap3A_109 {strides = array<i32>} : memref<128x128xf32, #tpu.memory_space<vmem>>, vector<1x16xf32>,
    }
    %scan3A_5 = arith.constant 128 : i32
    %scan3A_6 = arith.constant 0 : i32
    %scan3A_7 = arith.constant 0 : i32
    %scan3A_8 = arith.constant 5 : i32
    %scan3A_9 = arith.addi %scan3A_7, %scan3A_8 : i32
    %scan3A_10 = arith.constant 1 : i32
    scf.for %scan3A_55 = %scan3A_7 to %scan3A_9 step %scan3A_10  : i32 {
      %mul3A_56 = arith.constant 640 : i32
      %mul3A_57 = arith.muli %arg1, %mul3A_56 : i32
      %mul3A_58 = arith.constant 128 : i32
      %mul3A_59 = arith.muli %scan3A_55, %mul3A_58 : i32
      %add3A_60 = arith.addi %mul3A_57, %mul3A_59 : i32
      "tpu.region"() ({
        %run_scoped3A = tpu.sem_alloc : memref<!tpu.dma_semaphore, #tpu.memory_space<semaphore_mem>>
        %dma_start3A_61 = arith.constant 0 : i32
        %dma_start3A_62 = tpu.memref_slice %arg6[%add3A_60, %dma_start3A_61] : memref<10240x128xf32, #tpu.memory_space<vmem_shared>> -> memref<128x128xf32, #tpu.memory_space<vmem_shared>>
        %dma_start3A_63 = arith.constant 0 : i32
        %dma_start3A_64 = tpu.memref_slice %arg6[%add3A_60, %dma_start3A_63] : memref<10240x128xf32, #tpu.memory_space<vmem_shared>> -> memref<128x128xf32, #tpu.memory_space<vmem_shared>>
        tpu.enqueue_dma source(%arg7 : memref<128x128xf32, #tpu.memory_space<vmem>>) target(%dma_start3A_64 : memref<128x128xf32, #tpu.memory_space<vmem_shared>>) target_semaphore(%run_scoped3A : memref<!tpu.dma_semaphore, #tpu.memory_space<semaphore_mem>>)
        %dma_wait3A_65 = arith.constant 0 : i32
        %dma_wait3A_66 = tpu.memref_slice %arg6[%add3A_60, %dma_wait3A_65] : memref<10240x128xf32, #tpu.memory_space<vmem_shared>> -> memref<128x128xf32, #tpu.memory_space<vmem_shared>>
        %dma_wait3A_67 = arith.constant 0 : i32
        %dma_wait3A_68 = tpu.memref_slice %arg6[%add3A_60, %dma_wait3A_67] : memref<10240x128xf32, #tpu.memory_space<vmem_shared>> -> memref<128x128xf32, #tpu.memory_space<vmem_shared>>
        tpu.wait_dma2 semaphore(%run_scoped3A : memref<!tpu.dma_semaphore, #tpu.memory_space<semaphore_mem>>) src(%arg7 : memref<128x128xf32, #tpu.memory_space<vmem>>) dst(%dma_wait3A_68 : memref<128x128xf32, #tpu.memory_space<vmem_shared>>)
        tpu.yield
      }) : () -> ()
    }
    %scan3A_11 = arith.constant 5 : i32
    %barrier3A = arith.constant 0 : index
    tpu.barrier barrier_id(%barrier3A)
    "tpu.region"() ({
      %run_scoped3A = tpu.sem_alloc : memref<!tpu.dma_semaphore, #tpu.memory_space<semaphore_mem>>
      %dma_start3A_55 = arith.constant 0 : i32
      %dma_start3A_56 = arith.constant 0 : i32
      %dma_start3A_57 = tpu.memref_slice %arg3[%add3A, %dma_start3A_55, %dma_start3A_56] : memref<32x80x128xi32, #tpu.memory_space<hbm>> -> memref<1x40x128xi32, #tpu.memory_space<hbm>>
      %dma_start3A_58 = tpu.memref_squeeze %dma_start3A_57 : memref<1x40x128xi32, #tpu.memory_space<hbm>> -> memref<40x128xi32, #tpu.memory_space<hbm>>
      %dma_start3A_59 = arith.constant 0 : i32
      %dma_start3A_60 = arith.constant 0 : i32
      %dma_start3A_61 = tpu.memref_slice %arg3[%add3A, %dma_start3A_59, %dma_start3A_60] : memref<32x80x128xi32, #tpu.memory_space<hbm>> -> memref<1x40x128xi32, #tpu.memory_space<hbm>>
      %dma_start3A_62 = tpu.memref_squeeze %dma_start3A_61 : memref<1x40x128xi32, #tpu.memory_space<hbm>> -> memref<40x128xi32, #tpu.memory_space<hbm>>
      tpu.enqueue_dma source(%dma_start3A_62 : memref<40x128xi32, #tpu.memory_space<hbm>>) target(%arg9 : memref<40x128xi32, #tpu.memory_space<vmem>>) target_semaphore(%run_scoped3A : memref<!tpu.dma_semaphore, #tpu.memory_space<semaphore_mem>>)
      %dma_wait3A_63 = arith.constant 0 : i32
      %dma_wait3A_64 = arith.constant 0 : i32
      %dma_wait3A_65 = tpu.memref_slice %arg3[%add3A, %dma_wait3A_63, %dma_wait3A_64] : memref<32x80x128xi32, #tpu.memory_space<hbm>> -> memref<1x40x128xi32, #tpu.memory_space<hbm>>
      %dma_wait3A_66 = tpu.memref_squeeze %dma_wait3A_65 : memref<1x40x128xi32, #tpu.memory_space<hbm>> -> memref<40x128xi32, #tpu.memory_space<hbm>>
      %dma_wait3A_67 = arith.constant 0 : i32
      %dma_wait3A_68 = arith.constant 0 : i32
      %dma_wait3A_69 = tpu.memref_slice %arg3[%add3A, %dma_wait3A_67, %dma_wait3A_68] : memref<32x80x128xi32, #tpu.memory_space<hbm>> -> memref<1x40x128xi32, #tpu.memory_space<hbm>>
      %dma_wait3A_70 = tpu.memref_squeeze %dma_wait3A_69 : memref<1x40x128xi32, #tpu.memory_space<hbm>> -> memref<40x128xi32, #tpu.memory_space<hbm>>
      tpu.wait_dma2 semaphore(%run_scoped3A : memref<!tpu.dma_semaphore, #tpu.memory_space<semaphore_mem>>) src(%dma_wait3A_70 : memref<40x128xi32, #tpu.memory_space<hbm>>) dst(%arg9 : memref<40x128xi32, #tpu.memory_space<vmem>>)
      tpu.yield
    }) : () -> ()
    "tpu.region"() ({
      %run_scoped3A = tpu.sem_alloc : memref<!tpu.dma_semaphore, #tpu.memory_space<semaphore_mem>>
      %dma_start3A_55 = arith.constant 0 : i32
      %dma_start3A_56 = arith.constant 0 : i32
      %dma_start3A_57 = tpu.memref_slice %arg4[%add3A, %dma_start3A_55, %dma_start3A_56] : memref<32x80x128xi32, #tpu.memory_space<hbm>> -> memref<1x40x128xi32, #tpu.memory_space<hbm>>
      %dma_start3A_58 = tpu.memref_squeeze %dma_start3A_57 : memref<1x40x128xi32, #tpu.memory_space<hbm>> -> memref<40x128xi32, #tpu.memory_space<hbm>>
      %dma_start3A_59 = arith.constant 0 : i32
      %dma_start3A_60 = arith.constant 0 : i32
      %dma_start3A_61 = tpu.memref_slice %arg4[%add3A, %dma_start3A_59, %dma_start3A_60] : memref<32x80x128xi32, #tpu.memory_space<hbm>> -> memref<1x40x128xi32, #tpu.memory_space<hbm>>
      %dma_start3A_62 = tpu.memref_squeeze %dma_start3A_61 : memref<1x40x128xi32, #tpu.memory_space<hbm>> -> memref<40x128xi32, #tpu.memory_space<hbm>>
      tpu.enqueue_dma source(%dma_start3A_62 : memref<40x128xi32, #tpu.memory_space<hbm>>) target(%arg10 : memref<40x128xi32, #tpu.memory_space<vmem>>) target_semaphore(%run_scoped3A : memref<!tpu.dma_semaphore, #tpu.memory_space<semaphore_mem>>)
      %dma_wait3A_63 = arith.constant 0 : i32
      %dma_wait3A_64 = arith.constant 0 : i32
      %dma_wait3A_65 = tpu.memref_slice %arg4[%add3A, %dma_wait3A_63, %dma_wait3A_64] : memref<32x80x128xi32, #tpu.memory_space<hbm>> -> memref<1x40x128xi32, #tpu.memory_space<hbm>>
      %dma_wait3A_66 = tpu.memref_squeeze %dma_wait3A_65 : memref<1x40x128xi32, #tpu.memory_space<hbm>> -> memref<40x128xi32, #tpu.memory_space<hbm>>
      %dma_wait3A_67 = arith.constant 0 : i32
      %dma_wait3A_68 = arith.constant 0 : i32
      %dma_wait3A_69 = tpu.memref_slice %arg4[%add3A, %dma_wait3A_67, %dma_wait3A_68] : memref<32x80x128xi32, #tpu.memory_space<hbm>> -> memref<1x40x128xi32, #tpu.memory_space<hbm>>
      %dma_wait3A_70 = tpu.memref_squeeze %dma_wait3A_69 : memref<1x40x128xi32, #tpu.memory_space<hbm>> -> memref<40x128xi32, #tpu.memory_space<hbm>>
      tpu.wait_dma2 semaphore(%run_scoped3A : memref<!tpu.dma_semaphore, #tpu.memory_space<semaphore_mem>>) src(%dma_wait3A_70 : memref<40x128xi32, #tpu.memory_space<hbm>>) dst(%arg10 : memref<40x128xi32, #tpu.memory_space<vmem>>)
      tpu.yield
    }) : () -> ()
    %dma_start3A = arith.constant 0 : i32
    %dma_start3A_12 = arith.constant 0 : i32
    %dma_start3A_13 = tpu.memref_slice %arg9[%dma_start3A, %dma_start3A_12] : memref<40x128xi32, #tpu.memory_space<vmem>> -> memref<1x128xi32, #tpu.memory_space<vmem>>
    %dma_start3A_14 = tpu.memref_squeeze %dma_start3A_13 : memref<1x128xi32, #tpu.memory_space<vmem>> -> memref<128xi32, #tpu.memory_space<vmem>>
    %dma_start3A_15 = arith.constant 0 : i32
    %dma_start3A_16 = arith.constant 0 : i32
    %dma_start3A_17 = tpu.memref_slice %arg2[%dma_start3A_15, %dma_start3A_16] : memref<10240x128xf32, #tpu.memory_space<hbm>> -> memref<10240x128xf32, #tpu.memory_space<hbm>>
    tpu.enqueue_indirect_dma source(%dma_start3A_17 : memref<10240x128xf32, #tpu.memory_space<hbm>>) target(%arg7 : memref<128x128xf32, #tpu.memory_space<vmem>>) offsets(%dma_start3A_14 : memref<128xi32, #tpu.memory_space<vmem>>) semaphore(%arg11 : memref<!tpu.dma_semaphore, #tpu.memory_space<semaphore_mem>>)
    %scan3A_18 = arith.constant 0 : i32
    %scan3A_19 = arith.constant 0 : i32
    %scan3A_20 = arith.constant 20 : i32
    %scan3A_21 = arith.addi %scan3A_19, %scan3A_20 : i32
    %scan3A_22 = arith.constant 1 : i32
    scf.for %scan3A_55 = %scan3A_19 to %scan3A_21 step %scan3A_22  : i32 {
      %mul3A_56 = arith.constant 2 : i32
      %mul3A_57 = arith.muli %mul3A_56, %scan3A_55 : i32
      %gt3A = arith.constant 0 : i32
      %gt3A_58 = arith.cmpi sgt, %scan3A_55, %gt3A : i32
      %convert_element_type3A = arith.extui %gt3A_58 : i1 to i32
      %cond3A = arith.constant 0 : i32
      %cond3A_59 = arith.cmpi ne, %convert_element_type3A, %cond3A : i32
      scf.if %cond3A_59 {
        %dma_wait3A_104 = arith.constant 0 : i32
        %dma_wait3A_105 = arith.constant 0 : i32
        %dma_wait3A_106 = tpu.memref_slice %arg6[%dma_wait3A_104, %dma_wait3A_105] : memref<10240x128xf32, #tpu.memory_space<vmem_shared>> -> memref<128x128xf32, #tpu.memory_space<vmem_shared>>
        %dma_wait3A_107 = arith.constant 0 : i32
        %dma_wait3A_108 = arith.constant 0 : i32
        %dma_wait3A_109 = tpu.memref_slice %arg6[%dma_wait3A_107, %dma_wait3A_108] : memref<10240x128xf32, #tpu.memory_space<vmem_shared>> -> memref<128x128xf32, #tpu.memory_space<vmem_shared>>
        tpu.wait_dma2 semaphore(%arg14 : memref<!tpu.dma_semaphore, #tpu.memory_space<semaphore_mem>>) src(%arg8 : memref<128x128xf32, #tpu.memory_space<vmem>>) dst(%dma_wait3A_109 : memref<128x128xf32, #tpu.memory_space<vmem_shared>>)
      } else {
      }
      %dma_wait3A_60 = arith.constant 0 : i32
      %dma_wait3A_61 = arith.constant 0 : i32
      %dma_wait3A_62 = tpu.memref_slice %arg2[%dma_wait3A_60, %dma_wait3A_61] : memref<10240x128xf32, #tpu.memory_space<hbm>> -> memref<128x128xf32, #tpu.memory_space<hbm>>
      %dma_wait3A_63 = arith.constant 0 : i32
      %dma_wait3A_64 = arith.constant 0 : i32
      %dma_wait3A_65 = tpu.memref_slice %arg2[%dma_wait3A_63, %dma_wait3A_64] : memref<10240x128xf32, #tpu.memory_space<hbm>> -> memref<128x128xf32, #tpu.memory_space<hbm>>
      tpu.wait_dma2 semaphore(%arg11 : memref<!tpu.dma_semaphore, #tpu.memory_space<semaphore_mem>>) src(%dma_wait3A_65 : memref<128x128xf32, #tpu.memory_space<hbm>>) dst(%arg7 : memref<128x128xf32, #tpu.memory_space<vmem>>)
      %add3A_66 = arith.constant 1 : i32
      %add3A_67 = arith.addi %mul3A_57, %add3A_66 : i32
      %dma_start3A_68 = arith.constant 0 : i32
      %dma_start3A_69 = tpu.memref_slice %arg9[%add3A_67, %dma_start3A_68] : memref<40x128xi32, #tpu.memory_space<vmem>> -> memref<1x128xi32, #tpu.memory_space<vmem>>
      %dma_start3A_70 = tpu.memref_squeeze %dma_start3A_69 : memref<1x128xi32, #tpu.memory_space<vmem>> -> memref<128xi32, #tpu.memory_space<vmem>>
      %dma_start3A_71 = arith.constant 0 : i32
      %dma_start3A_72 = arith.constant 0 : i32
      %dma_start3A_73 = tpu.memref_slice %arg2[%dma_start3A_71, %dma_start3A_72] : memref<10240x128xf32, #tpu.memory_space<hbm>> -> memref<10240x128xf32, #tpu.memory_space<hbm>>
      tpu.enqueue_indirect_dma source(%dma_start3A_73 : memref<10240x128xf32, #tpu.memory_space<hbm>>) target(%arg8 : memref<128x128xf32, #tpu.memory_space<vmem>>) offsets(%dma_start3A_70 : memref<128xi32, #tpu.memory_space<vmem>>) semaphore(%arg12 : memref<!tpu.dma_semaphore, #tpu.memory_space<semaphore_mem>>)
      %dma_start3A_74 = arith.constant 0 : i32
      %dma_start3A_75 = tpu.memref_slice %arg10[%mul3A_57, %dma_start3A_74] : memref<40x128xi32, #tpu.memory_space<vmem>> -> memref<1x128xi32, #tpu.memory_space<vmem>>
      %dma_start3A_76 = tpu.memref_squeeze %dma_start3A_75 : memref<1x128xi32, #tpu.memory_space<vmem>> -> memref<128xi32, #tpu.memory_space<vmem>>
      %dma_start3A_77 = arith.constant 0 : i32
      %dma_start3A_78 = arith.constant 0 : i32
      %dma_start3A_79 = tpu.memref_slice %arg6[%dma_start3A_77, %dma_start3A_78] : memref<10240x128xf32, #tpu.memory_space<vmem_shared>> -> memref<10240x128xf32, #tpu.memory_space<vmem_shared>>
      tpu.enqueue_indirect_dma source(%arg7 : memref<128x128xf32, #tpu.memory_space<vmem>>) target(%dma_start3A_79 : memref<10240x128xf32, #tpu.memory_space<vmem_shared>>) offsets(%dma_start3A_76 : memref<128xi32, #tpu.memory_space<vmem>>) semaphore(%arg13 : memref<!tpu.dma_semaphore, #tpu.memory_space<semaphore_mem>>) {add = true}
      %dma_wait3A_80 = arith.constant 0 : i32
      %dma_wait3A_81 = arith.constant 0 : i32
      %dma_wait3A_82 = tpu.memref_slice %arg2[%dma_wait3A_80, %dma_wait3A_81] : memref<10240x128xf32, #tpu.memory_space<hbm>> -> memref<128x128xf32, #tpu.memory_space<hbm>>
      %dma_wait3A_83 = arith.constant 0 : i32
      %dma_wait3A_84 = arith.constant 0 : i32
      %dma_wait3A_85 = tpu.memref_slice %arg2[%dma_wait3A_83, %dma_wait3A_84] : memref<10240x128xf32, #tpu.memory_space<hbm>> -> memref<128x128xf32, #tpu.memory_space<hbm>>
      tpu.wait_dma2 semaphore(%arg12 : memref<!tpu.dma_semaphore, #tpu.memory_space<semaphore_mem>>) src(%dma_wait3A_85 : memref<128x128xf32, #tpu.memory_space<hbm>>) dst(%arg8 : memref<128x128xf32, #tpu.memory_space<vmem>>)
      %dma_wait3A_86 = arith.constant 0 : i32
      %dma_wait3A_87 = arith.constant 0 : i32
      %dma_wait3A_88 = tpu.memref_slice %arg6[%dma_wait3A_86, %dma_wait3A_87] : memref<10240x128xf32, #tpu.memory_space<vmem_shared>> -> memref<128x128xf32, #tpu.memory_space<vmem_shared>>
      %dma_wait3A_89 = arith.constant 0 : i32
      %dma_wait3A_90 = arith.constant 0 : i32
      %dma_wait3A_91 = tpu.memref_slice %arg6[%dma_wait3A_89, %dma_wait3A_90] : memref<10240x128xf32, #tpu.memory_space<vmem_shared>> -> memref<128x128xf32, #tpu.memory_space<vmem_shared>>
      tpu.wait_dma2 semaphore(%arg13 : memref<!tpu.dma_semaphore, #tpu.memory_space<semaphore_mem>>) src(%arg7 : memref<128x128xf32, #tpu.memory_space<vmem>>) dst(%dma_wait3A_91 : memref<128x128xf32, #tpu.memory_space<vmem_shared>>)
      %lt3A = arith.constant 19 : i32
      %lt3A_92 = arith.cmpi slt, %scan3A_55, %lt3A : i32
      %convert_element_type3A_93 = arith.extui %lt3A_92 : i1 to i32
      %cond3A_94 = arith.constant 0 : i32
      %cond3A_95 = arith.cmpi ne, %convert_element_type3A_93, %cond3A_94 : i32
      scf.if %cond3A_95 {
        %add3A_104 = arith.constant 2 : i32
        %add3A_105 = arith.addi %mul3A_57, %add3A_104 : i32
        %dma_start3A_106 = arith.constant 0 : i32
        %dma_start3A_107 = tpu.memref_slice %arg9[%add3A_105, %dma_start3A_106] : memref<40x128xi32, #tpu.memory_space<vmem>> -> memref<1x128xi32, #tpu.memory_space<vmem>>
        %dma_start3A_108 = tpu.memref_squeeze %dma_start3A_107 : memref<1x128xi32, #tpu.memory_space<vmem>> -> memref<128xi32, #tpu.memory_space<vmem>>
        %dma_start3A_109 = arith.constant 0 : i32
        %dma_start3A_110 = arith.constant 0 : i32
        %dma_start3A_111 = tpu.memref_slice %arg2[%dma_start3A_109, %dma_start3A_110] : memref<10240x128xf32, #tpu.memory_space<hbm>> -> memref<10240x128xf32, #tpu.memory_space<hbm>>
        tpu.enqueue_indirect_dma source(%dma_start3A_111 : memref<10240x128xf32, #tpu.memory_space<hbm>>) target(%arg7 : memref<128x128xf32, #tpu.memory_space<vmem>>) offsets(%dma_start3A_108 : memref<128xi32, #tpu.memory_space<vmem>>) semaphore(%arg11 : memref<!tpu.dma_semaphore, #tpu.memory_space<semaphore_mem>>)
      } else {
      }
      %add3A_96 = arith.constant 1 : i32
      %add3A_97 = arith.addi %mul3A_57, %add3A_96 : i32
      %dma_start3A_98 = arith.constant 0 : i32
      %dma_start3A_99 = tpu.memref_slice %arg10[%add3A_97, %dma_start3A_98] : memref<40x128xi32, #tpu.memory_space<vmem>> -> memref<1x128xi32, #tpu.memory_space<vmem>>
      %dma_start3A_100 = tpu.memref_squeeze %dma_start3A_99 : memref<1x128xi32, #tpu.memory_space<vmem>> -> memref<128xi32, #tpu.memory_space<vmem>>
      %dma_start3A_101 = arith.constant 0 : i32
      %dma_start3A_102 = arith.constant 0 : i32
      %dma_start3A_103 = tpu.memref_slice %arg6[%dma_start3A_101, %dma_start3A_102] : memref<10240x128xf32, #tpu.memory_space<vmem_shared>> -> memref<10240x128xf32, #tpu.memory_space<vmem_shared>>
      tpu.enqueue_indirect_dma source(%arg8 : memref<128x128xf32, #tpu.memory_space<vmem>>) target(%dma_start3A_103 : memref<10240x128xf32, #tpu.memory_space<vmem_shared>>) offsets(%dma_start3A_100 : memref<128xi32, #tpu.memory_space<vmem>>) semaphore(%arg14 : memref<!tpu.dma_semaphore, #tpu.memory_space<semaphore_mem>>) {add = true}
    }
    %scan3A_23 = arith.constant 20 : i32
    %dma_wait3A = arith.constant 0 : i32
    %dma_wait3A_24 = arith.constant 0 : i32
    %dma_wait3A_25 = tpu.memref_slice %arg6[%dma_wait3A, %dma_wait3A_24] : memref<10240x128xf32, #tpu.memory_space<vmem_shared>> -> memref<128x128xf32, #tpu.memory_space<vmem_shared>>
    %dma_wait3A_26 = arith.constant 0 : i32
    %dma_wait3A_27 = arith.constant 0 : i32
    %dma_wait3A_28 = tpu.memref_slice %arg6[%dma_wait3A_26, %dma_wait3A_27] : memref<10240x128xf32, #tpu.memory_space<vmem_shared>> -> memref<128x128xf32, #tpu.memory_space<vmem_shared>>
    tpu.wait_dma2 semaphore(%arg14 : memref<!tpu.dma_semaphore, #tpu.memory_space<semaphore_mem>>) src(%arg8 : memref<128x128xf32, #tpu.memory_space<vmem>>) dst(%dma_wait3A_28 : memref<128x128xf32, #tpu.memory_space<vmem_shared>>)
    "tpu.region"() ({
      %run_scoped3A = tpu.sem_alloc : memref<!tpu.dma_semaphore, #tpu.memory_space<semaphore_mem>>
      %dma_start3A_55 = arith.constant 40 : i32
      %dma_start3A_56 = arith.constant 0 : i32
      %dma_start3A_57 = tpu.memref_slice %arg3[%add3A, %dma_start3A_55, %dma_start3A_56] : memref<32x80x128xi32, #tpu.memory_space<hbm>> -> memref<1x40x128xi32, #tpu.memory_space<hbm>>
      %dma_start3A_58 = tpu.memref_squeeze %dma_start3A_57 : memref<1x40x128xi32, #tpu.memory_space<hbm>> -> memref<40x128xi32, #tpu.memory_space<hbm>>
      %dma_start3A_59 = arith.constant 40 : i32
      %dma_start3A_60 = arith.constant 0 : i32
      %dma_start3A_61 = tpu.memref_slice %arg3[%add3A, %dma_start3A_59, %dma_start3A_60] : memref<32x80x128xi32, #tpu.memory_space<hbm>> -> memref<1x40x128xi32, #tpu.memory_space<hbm>>
      %dma_start3A_62 = tpu.memref_squeeze %dma_start3A_61 : memref<1x40x128xi32, #tpu.memory_space<hbm>> -> memref<40x128xi32, #tpu.memory_space<hbm>>
      tpu.enqueue_dma source(%dma_start3A_62 : memref<40x128xi32, #tpu.memory_space<hbm>>) target(%arg9 : memref<40x128xi32, #tpu.memory_space<vmem>>) target_semaphore(%run_scoped3A : memref<!tpu.dma_semaphore, #tpu.memory_space<semaphore_mem>>)
      %dma_wait3A_63 = arith.constant 40 : i32
      %dma_wait3A_64 = arith.constant 0 : i32
      %dma_wait3A_65 = tpu.memref_slice %arg3[%add3A, %dma_wait3A_63, %dma_wait3A_64] : memref<32x80x128xi32, #tpu.memory_space<hbm>> -> memref<1x40x128xi32, #tpu.memory_space<hbm>>
      %dma_wait3A_66 = tpu.memref_squeeze %dma_wait3A_65 : memref<1x40x128xi32, #tpu.memory_space<hbm>> -> memref<40x128xi32, #tpu.memory_space<hbm>>
      %dma_wait3A_67 = arith.constant 40 : i32
      %dma_wait3A_68 = arith.constant 0 : i32
      %dma_wait3A_69 = tpu.memref_slice %arg3[%add3A, %dma_wait3A_67, %dma_wait3A_68] : memref<32x80x128xi32, #tpu.memory_space<hbm>> -> memref<1x40x128xi32, #tpu.memory_space<hbm>>
      %dma_wait3A_70 = tpu.memref_squeeze %dma_wait3A_69 : memref<1x40x128xi32, #tpu.memory_space<hbm>> -> memref<40x128xi32, #tpu.memory_space<hbm>>
      tpu.wait_dma2 semaphore(%run_scoped3A : memref<!tpu.dma_semaphore, #tpu.memory_space<semaphore_mem>>) src(%dma_wait3A_70 : memref<40x128xi32, #tpu.memory_space<hbm>>) dst(%arg9 : memref<40x128xi32, #tpu.memory_space<vmem>>)
      tpu.yield
    }) : () -> ()
    "tpu.region"() ({
      %run_scoped3A = tpu.sem_alloc : memref<!tpu.dma_semaphore, #tpu.memory_space<semaphore_mem>>
      %dma_start3A_55 = arith.constant 40 : i32
      %dma_start3A_56 = arith.constant 0 : i32
      %dma_start3A_57 = tpu.memref_slice %arg4[%add3A, %dma_start3A_55, %dma_start3A_56] : memref<32x80x128xi32, #tpu.memory_space<hbm>> -> memref<1x40x128xi32, #tpu.memory_space<hbm>>
      %dma_start3A_58 = tpu.memref_squeeze %dma_start3A_57 : memref<1x40x128xi32, #tpu.memory_space<hbm>> -> memref<40x128xi32, #tpu.memory_space<hbm>>
      %dma_start3A_59 = arith.constant 40 : i32
      %dma_start3A_60 = arith.constant 0 : i32
      %dma_start3A_61 = tpu.memref_slice %arg4[%add3A, %dma_start3A_59, %dma_start3A_60] : memref<32x80x128xi32, #tpu.memory_space<hbm>> -> memref<1x40x128xi32, #tpu.memory_space<hbm>>
      %dma_start3A_62 = tpu.memref_squeeze %dma_start3A_61 : memref<1x40x128xi32, #tpu.memory_space<hbm>> -> memref<40x128xi32, #tpu.memory_space<hbm>>
      tpu.enqueue_dma source(%dma_start3A_62 : memref<40x128xi32, #tpu.memory_space<hbm>>) target(%arg10 : memref<40x128xi32, #tpu.memory_space<vmem>>) target_semaphore(%run_scoped3A : memref<!tpu.dma_semaphore, #tpu.memory_space<semaphore_mem>>)
      %dma_wait3A_63 = arith.constant 40 : i32
      %dma_wait3A_64 = arith.constant 0 : i32
      %dma_wait3A_65 = tpu.memref_slice %arg4[%add3A, %dma_wait3A_63, %dma_wait3A_64] : memref<32x80x128xi32, #tpu.memory_space<hbm>> -> memref<1x40x128xi32, #tpu.memory_space<hbm>>
      %dma_wait3A_66 = tpu.memref_squeeze %dma_wait3A_65 : memref<1x40x128xi32, #tpu.memory_space<hbm>> -> memref<40x128xi32, #tpu.memory_space<hbm>>
      %dma_wait3A_67 = arith.constant 40 : i32
      %dma_wait3A_68 = arith.constant 0 : i32
      %dma_wait3A_69 = tpu.memref_slice %arg4[%add3A, %dma_wait3A_67, %dma_wait3A_68] : memref<32x80x128xi32, #tpu.memory_space<hbm>> -> memref<1x40x128xi32, #tpu.memory_space<hbm>>
      %dma_wait3A_70 = tpu.memref_squeeze %dma_wait3A_69 : memref<1x40x128xi32, #tpu.memory_space<hbm>> -> memref<40x128xi32, #tpu.memory_space<hbm>>
      tpu.wait_dma2 semaphore(%run_scoped3A : memref<!tpu.dma_semaphore, #tpu.memory_space<semaphore_mem>>) src(%dma_wait3A_70 : memref<40x128xi32, #tpu.memory_space<hbm>>) dst(%arg10 : memref<40x128xi32, #tpu.memory_space<vmem>>)
      tpu.yield
    }) : () -> ()
    %dma_start3A_29 = arith.constant 0 : i32
    %dma_start3A_30 = arith.constant 0 : i32
    %dma_start3A_31 = tpu.memref_slice %arg9[%dma_start3A_29, %dma_start3A_30] : memref<40x128xi32, #tpu.memory_space<vmem>> -> memref<1x128xi32, #tpu.memory_space<vmem>>
    %dma_start3A_32 = tpu.memref_squeeze %dma_start3A_31 : memref<1x128xi32, #tpu.memory_space<vmem>> -> memref<128xi32, #tpu.memory_space<vmem>>
    %dma_start3A_33 = arith.constant 0 : i32
    %dma_start3A_34 = arith.constant 0 : i32
    %dma_start3A_35 = tpu.memref_slice %arg2[%dma_start3A_33, %dma_start3A_34] : memref<10240x128xf32, #tpu.memory_space<hbm>> -> memref<10240x128xf32, #tpu.memory_space<hbm>>
    tpu.enqueue_indirect_dma source(%dma_start3A_35 : memref<10240x128xf32, #tpu.memory_space<hbm>>) target(%arg7 : memref<128x128xf32, #tpu.memory_space<vmem>>) offsets(%dma_start3A_32 : memref<128xi32, #tpu.memory_space<vmem>>) semaphore(%arg11 : memref<!tpu.dma_semaphore, #tpu.memory_space<semaphore_mem>>)
    %scan3A_36 = arith.constant 0 : i32
    %scan3A_37 = arith.constant 0 : i32
    %scan3A_38 = arith.constant 20 : i32
    %scan3A_39 = arith.addi %scan3A_37, %scan3A_38 : i32
    %scan3A_40 = arith.constant 1 : i32
    scf.for %scan3A_55 = %scan3A_37 to %scan3A_39 step %scan3A_40  : i32 {
      %mul3A_56 = arith.constant 2 : i32
      %mul3A_57 = arith.muli %mul3A_56, %scan3A_55 : i32
      %gt3A = arith.constant 0 : i32
      %gt3A_58 = arith.cmpi sgt, %scan3A_55, %gt3A : i32
      %convert_element_type3A = arith.extui %gt3A_58 : i1 to i32
      %cond3A = arith.constant 0 : i32
      %cond3A_59 = arith.cmpi ne, %convert_element_type3A, %cond3A : i32
      scf.if %cond3A_59 {
        %dma_wait3A_104 = arith.constant 0 : i32
        %dma_wait3A_105 = arith.constant 0 : i32
        %dma_wait3A_106 = tpu.memref_slice %arg6[%dma_wait3A_104, %dma_wait3A_105] : memref<10240x128xf32, #tpu.memory_space<vmem_shared>> -> memref<128x128xf32, #tpu.memory_space<vmem_shared>>
        %dma_wait3A_107 = arith.constant 0 : i32
        %dma_wait3A_108 = arith.constant 0 : i32
        %dma_wait3A_109 = tpu.memref_slice %arg6[%dma_wait3A_107, %dma_wait3A_108] : memref<10240x128xf32, #tpu.memory_space<vmem_shared>> -> memref<128x128xf32, #tpu.memory_space<vmem_shared>>
        tpu.wait_dma2 semaphore(%arg14 : memref<!tpu.dma_semaphore, #tpu.memory_space<semaphore_mem>>) src(%arg8 : memref<128x128xf32, #tpu.memory_space<vmem>>) dst(%dma_wait3A_109 : memref<128x128xf32, #tpu.memory_space<vmem_shared>>)
      } else {
      }
      %dma_wait3A_60 = arith.constant 0 : i32
      %dma_wait3A_61 = arith.constant 0 : i32
      %dma_wait3A_62 = tpu.memref_slice %arg2[%dma_wait3A_60, %dma_wait3A_61] : memref<10240x128xf32, #tpu.memory_space<hbm>> -> memref<128x128xf32, #tpu.memory_space<hbm>>
      %dma_wait3A_63 = arith.constant 0 : i32
      %dma_wait3A_64 = arith.constant 0 : i32
      %dma_wait3A_65 = tpu.memref_slice %arg2[%dma_wait3A_63, %dma_wait3A_64] : memref<10240x128xf32, #tpu.memory_space<hbm>> -> memref<128x128xf32, #tpu.memory_space<hbm>>
      tpu.wait_dma2 semaphore(%arg11 : memref<!tpu.dma_semaphore, #tpu.memory_space<semaphore_mem>>) src(%dma_wait3A_65 : memref<128x128xf32, #tpu.memory_space<hbm>>) dst(%arg7 : memref<128x128xf32, #tpu.memory_space<vmem>>)
      %add3A_66 = arith.constant 1 : i32
      %add3A_67 = arith.addi %mul3A_57, %add3A_66 : i32
      %dma_start3A_68 = arith.constant 0 : i32
      %dma_start3A_69 = tpu.memref_slice %arg9[%add3A_67, %dma_start3A_68] : memref<40x128xi32, #tpu.memory_space<vmem>> -> memref<1x128xi32, #tpu.memory_space<vmem>>
      %dma_start3A_70 = tpu.memref_squeeze %dma_start3A_69 : memref<1x128xi32, #tpu.memory_space<vmem>> -> memref<128xi32, #tpu.memory_space<vmem>>
      %dma_start3A_71 = arith.constant 0 : i32
      %dma_start3A_72 = arith.constant 0 : i32
      %dma_start3A_73 = tpu.memref_slice %arg2[%dma_start3A_71, %dma_start3A_72] : memref<10240x128xf32, #tpu.memory_space<hbm>> -> memref<10240x128xf32, #tpu.memory_space<hbm>>
      tpu.enqueue_indirect_dma source(%dma_start3A_73 : memref<10240x128xf32, #tpu.memory_space<hbm>>) target(%arg8 : memref<128x128xf32, #tpu.memory_space<vmem>>) offsets(%dma_start3A_70 : memref<128xi32, #tpu.memory_space<vmem>>) semaphore(%arg12 : memref<!tpu.dma_semaphore, #tpu.memory_space<semaphore_mem>>)
      %dma_start3A_74 = arith.constant 0 : i32
      %dma_start3A_75 = tpu.memref_slice %arg10[%mul3A_57, %dma_start3A_74] : memref<40x128xi32, #tpu.memory_space<vmem>> -> memref<1x128xi32, #tpu.memory_space<vmem>>
      %dma_start3A_76 = tpu.memref_squeeze %dma_start3A_75 : memref<1x128xi32, #tpu.memory_space<vmem>> -> memref<128xi32, #tpu.memory_space<vmem>>
      %dma_start3A_77 = arith.constant 0 : i32
      %dma_start3A_78 = arith.constant 0 : i32
      %dma_start3A_79 = tpu.memref_slice %arg6[%dma_start3A_77, %dma_start3A_78] : memref<10240x128xf32, #tpu.memory_space<vmem_shared>> -> memref<10240x128xf32, #tpu.memory_space<vmem_shared>>
      tpu.enqueue_indirect_dma source(%arg7 : memref<128x128xf32, #tpu.memory_space<vmem>>) target(%dma_start3A_79 : memref<10240x128xf32, #tpu.memory_space<vmem_shared>>) offsets(%dma_start3A_76 : memref<128xi32, #tpu.memory_space<vmem>>) semaphore(%arg13 : memref<!tpu.dma_semaphore, #tpu.memory_space<semaphore_mem>>) {add = true}
      %dma_wait3A_80 = arith.constant 0 : i32
      %dma_wait3A_81 = arith.constant 0 : i32
      %dma_wait3A_82 = tpu.memref_slice %arg2[%dma_wait3A_80, %dma_wait3A_81] : memref<10240x128xf32, #tpu.memory_space<hbm>> -> memref<128x128xf32, #tpu.memory_space<hbm>>
      %dma_wait3A_83 = arith.constant 0 : i32
      %dma_wait3A_84 = arith.constant 0 : i32
      %dma_wait3A_85 = tpu.memref_slice %arg2[%dma_wait3A_83, %dma_wait3A_84] : memref<10240x128xf32, #tpu.memory_space<hbm>> -> memref<128x128xf32, #tpu.memory_space<hbm>>
      tpu.wait_dma2 semaphore(%arg12 : memref<!tpu.dma_semaphore, #tpu.memory_space<semaphore_mem>>) src(%dma_wait3A_85 : memref<128x128xf32, #tpu.memory_space<hbm>>) dst(%arg8 : memref<128x128xf32, #tpu.memory_space<vmem>>)
      %dma_wait3A_86 = arith.constant 0 : i32
      %dma_wait3A_87 = arith.constant 0 : i32
      %dma_wait3A_88 = tpu.memref_slice %arg6[%dma_wait3A_86, %dma_wait3A_87] : memref<10240x128xf32, #tpu.memory_space<vmem_shared>> -> memref<128x128xf32, #tpu.memory_space<vmem_shared>>
      %dma_wait3A_89 = arith.constant 0 : i32
      %dma_wait3A_90 = arith.constant 0 : i32
      %dma_wait3A_91 = tpu.memref_slice %arg6[%dma_wait3A_89, %dma_wait3A_90] : memref<10240x128xf32, #tpu.memory_space<vmem_shared>> -> memref<128x128xf32, #tpu.memory_space<vmem_shared>>
      tpu.wait_dma2 semaphore(%arg13 : memref<!tpu.dma_semaphore, #tpu.memory_space<semaphore_mem>>) src(%arg7 : memref<128x128xf32, #tpu.memory_space<vmem>>) dst(%dma_wait3A_91 : memref<128x128xf32, #tpu.memory_space<vmem_shared>>)
      %lt3A = arith.constant 19 : i32
      %lt3A_92 = arith.cmpi slt, %scan3A_55, %lt3A : i32
      %convert_element_type3A_93 = arith.extui %lt3A_92 : i1 to i32
      %cond3A_94 = arith.constant 0 : i32
      %cond3A_95 = arith.cmpi ne, %convert_element_type3A_93, %cond3A_94 : i32
      scf.if %cond3A_95 {
        %add3A_104 = arith.constant 2 : i32
        %add3A_105 = arith.addi %mul3A_57, %add3A_104 : i32
        %dma_start3A_106 = arith.constant 0 : i32
        %dma_start3A_107 = tpu.memref_slice %arg9[%add3A_105, %dma_start3A_106] : memref<40x128xi32, #tpu.memory_space<vmem>> -> memref<1x128xi32, #tpu.memory_space<vmem>>
        %dma_start3A_108 = tpu.memref_squeeze %dma_start3A_107 : memref<1x128xi32, #tpu.memory_space<vmem>> -> memref<128xi32, #tpu.memory_space<vmem>>
        %dma_start3A_109 = arith.constant 0 : i32
        %dma_start3A_110 = arith.constant 0 : i32
        %dma_start3A_111 = tpu.memref_slice %arg2[%dma_start3A_109, %dma_start3A_110] : memref<10240x128xf32, #tpu.memory_space<hbm>> -> memref<10240x128xf32, #tpu.memory_space<hbm>>
        tpu.enqueue_indirect_dma source(%dma_start3A_111 : memref<10240x128xf32, #tpu.memory_space<hbm>>) target(%arg7 : memref<128x128xf32, #tpu.memory_space<vmem>>) offsets(%dma_start3A_108 : memref<128xi32, #tpu.memory_space<vmem>>) semaphore(%arg11 : memref<!tpu.dma_semaphore, #tpu.memory_space<semaphore_mem>>)
      } else {
      }
      %add3A_96 = arith.constant 1 : i32
      %add3A_97 = arith.addi %mul3A_57, %add3A_96 : i32
      %dma_start3A_98 = arith.constant 0 : i32
      %dma_start3A_99 = tpu.memref_slice %arg10[%add3A_97, %dma_start3A_98] : memref<40x128xi32, #tpu.memory_space<vmem>> -> memref<1x128xi32, #tpu.memory_space<vmem>>
      %dma_start3A_100 = tpu.memref_squeeze %dma_start3A_99 : memref<1x128xi32, #tpu.memory_space<vmem>> -> memref<128xi32, #tpu.memory_space<vmem>>
      %dma_start3A_101 = arith.constant 0 : i32
      %dma_start3A_102 = arith.constant 0 : i32
      %dma_start3A_103 = tpu.memref_slice %arg6[%dma_start3A_101, %dma_start3A_102] : memref<10240x128xf32, #tpu.memory_space<vmem_shared>> -> memref<10240x128xf32, #tpu.memory_space<vmem_shared>>
      tpu.enqueue_indirect_dma source(%arg8 : memref<128x128xf32, #tpu.memory_space<vmem>>) target(%dma_start3A_103 : memref<10240x128xf32, #tpu.memory_space<vmem_shared>>) offsets(%dma_start3A_100 : memref<128xi32, #tpu.memory_space<vmem>>) semaphore(%arg14 : memref<!tpu.dma_semaphore, #tpu.memory_space<semaphore_mem>>) {add = true}
    }
    %scan3A_41 = arith.constant 20 : i32
    %dma_wait3A_42 = arith.constant 0 : i32
    %dma_wait3A_43 = arith.constant 0 : i32
    %dma_wait3A_44 = tpu.memref_slice %arg6[%dma_wait3A_42, %dma_wait3A_43] : memref<10240x128xf32, #tpu.memory_space<vmem_shared>> -> memref<128x128xf32, #tpu.memory_space<vmem_shared>>
    %dma_wait3A_45 = arith.constant 0 : i32
    %dma_wait3A_46 = arith.constant 0 : i32
    %dma_wait3A_47 = tpu.memref_slice %arg6[%dma_wait3A_45, %dma_wait3A_46] : memref<10240x128xf32, #tpu.memory_space<vmem_shared>> -> memref<128x128xf32, #tpu.memory_space<vmem_shared>>
    tpu.wait_dma2 semaphore(%arg14 : memref<!tpu.dma_semaphore, #tpu.memory_space<semaphore_mem>>) src(%arg8 : memref<128x128xf32, #tpu.memory_space<vmem>>) dst(%dma_wait3A_47 : memref<128x128xf32, #tpu.memory_space<vmem_shared>>)
    %barrier3A_48 = arith.constant 0 : index
    tpu.barrier barrier_id(%barrier3A_48)
    %scan3A_49 = arith.constant 0 : i32
    %scan3A_50 = arith.constant 0 : i32
    %scan3A_51 = arith.constant 5 : i32
    %scan3A_52 = arith.addi %scan3A_50, %scan3A_51 : i32
    %scan3A_53 = arith.constant 1 : i32
    scf.for %scan3A_55 = %scan3A_50 to %scan3A_52 step %scan3A_53  : i32 {
      %mul3A_56 = arith.constant 640 : i32
      %mul3A_57 = arith.muli %arg1, %mul3A_56 : i32
      %mul3A_58 = arith.constant 128 : i32
      %mul3A_59 = arith.muli %scan3A_55, %mul3A_58 : i32
      %add3A_60 = arith.addi %mul3A_57, %mul3A_59 : i32
      "tpu.region"() ({
        %run_scoped3A = tpu.sem_alloc : memref<!tpu.dma_semaphore, #tpu.memory_space<semaphore_mem>>
        %dma_start3A_61 = arith.constant 0 : i32
        %dma_start3A_62 = tpu.memref_slice %arg6[%add3A_60, %dma_start3A_61] : memref<10240x128xf32, #tpu.memory_space<vmem_shared>> -> memref<128x128xf32, #tpu.memory_space<vmem_shared>>
        %dma_start3A_63 = arith.constant 0 : i32
        %dma_start3A_64 = tpu.memref_slice %arg6[%add3A_60, %dma_start3A_63] : memref<10240x128xf32, #tpu.memory_space<vmem_shared>> -> memref<128x128xf32, #tpu.memory_space<vmem_shared>>
        tpu.enqueue_dma source(%dma_start3A_64 : memref<128x128xf32, #tpu.memory_space<vmem_shared>>) target(%arg7 : memref<128x128xf32, #tpu.memory_space<vmem>>) target_semaphore(%run_scoped3A : memref<!tpu.dma_semaphore, #tpu.memory_space<semaphore_mem>>)
        %dma_wait3A_65 = arith.constant 0 : i32
        %dma_wait3A_66 = tpu.memref_slice %arg6[%add3A_60, %dma_wait3A_65] : memref<10240x128xf32, #tpu.memory_space<vmem_shared>> -> memref<128x128xf32, #tpu.memory_space<vmem_shared>>
        %dma_wait3A_67 = arith.constant 0 : i32
        %dma_wait3A_68 = tpu.memref_slice %arg6[%add3A_60, %dma_wait3A_67] : memref<10240x128xf32, #tpu.memory_space<vmem_shared>> -> memref<128x128xf32, #tpu.memory_space<vmem_shared>>
        tpu.wait_dma2 semaphore(%run_scoped3A : memref<!tpu.dma_semaphore, #tpu.memory_space<semaphore_mem>>) src(%dma_wait3A_68 : memref<128x128xf32, #tpu.memory_space<vmem_shared>>) dst(%arg7 : memref<128x128xf32, #tpu.memory_space<vmem>>)
        tpu.yield
      }) : () -> ()
      "tpu.region"() ({
        %run_scoped3A = tpu.sem_alloc : memref<!tpu.dma_semaphore, #tpu.memory_space<semaphore_mem>>
        %dma_start3A_61 = arith.constant 0 : i32
        %dma_start3A_62 = tpu.memref_slice %arg5[%arg0, %add3A_60, %dma_start3A_61] : memref<2x10240x128xf32, #tpu.memory_space<hbm>> -> memref<1x128x128xf32, #tpu.memory_space<hbm>>
        %dma_start3A_63 = tpu.memref_squeeze %dma_start3A_62 : memref<1x128x128xf32, #tpu.memory_space<hbm>> -> memref<128x128xf32, #tpu.memory_space<hbm>>
        %dma_start3A_64 = arith.constant 0 : i32
        %dma_start3A_65 = tpu.memref_slice %arg5[%arg0, %add3A_60, %dma_start3A_64] : memref<2x10240x128xf32, #tpu.memory_space<hbm>> -> memref<1x128x128xf32, #tpu.memory_space<hbm>>
        %dma_start3A_66 = tpu.memref_squeeze %dma_start3A_65 : memref<1x128x128xf32, #tpu.memory_space<hbm>> -> memref<128x128xf32, #tpu.memory_space<hbm>>
        tpu.enqueue_dma source(%arg7 : memref<128x128xf32, #tpu.memory_space<vmem>>) target(%dma_start3A_66 : memref<128x128xf32, #tpu.memory_space<hbm>>) target_semaphore(%run_scoped3A : memref<!tpu.dma_semaphore, #tpu.memory_space<semaphore_mem>>)
        %dma_wait3A_67 = arith.constant 0 : i32
        %dma_wait3A_68 = tpu.memref_slice %arg5[%arg0, %add3A_60, %dma_wait3A_67] : memref<2x10240x128xf32, #tpu.memory_space<hbm>> -> memref<1x128x128xf32, #tpu.memory_space<hbm>>
        %dma_wait3A_69 = tpu.memref_squeeze %dma_wait3A_68 : memref<1x128x128xf32, #tpu.memory_space<hbm>> -> memref<128x128xf32, #tpu.memory_space<hbm>>
        %dma_wait3A_70 = arith.constant 0 : i32
        %dma_wait3A_71 = tpu.memref_slice %arg5[%arg0, %add3A_60, %dma_wait3A_70] : memref<2x10240x128xf32, #tpu.memory_space<hbm>> -> memref<1x128x128xf32, #tpu.memory_space<hbm>>
        %dma_wait3A_72 = tpu.memref_squeeze %dma_wait3A_71 : memref<1x128x128xf32, #tpu.memory_space<hbm>> -> memref<128x128xf32, #tpu.memory_space<hbm>>
        tpu.wait_dma2 semaphore(%run_scoped3A : memref<!tpu.dma_semaphore, #tpu.memory_space<semaphore_mem>>) src(%arg7 : memref<128x128xf32, #tpu.memory_space<vmem>>) dst(%dma_wait3A_72 : memref<128x128xf32, #tpu.memory_space<hbm>>)
        tpu.yield
      }) : () -> ()
    }
    %scan3A_54 = arith.constant 5 : i32
    return
  }
}

module attributes {stable_mosaic.version = 14 : i64} {
  func.func @_dense1_body(%arg0: i32, %arg1: memref<1024x128xf32, #tpu.memory_space<vmem>>, %arg2: memref<1024x128xf32, #tpu.memory_space<vmem>>, %arg3: memref<1024x128xf32, #tpu.memory_space<vmem>>, %arg4: memref<3x128x64xf32, #tpu.memory_space<vmem>>, %arg5: memref<1x64xf32, #tpu.memory_space<vmem>>, %arg6: memref<3x4x64xf32, #tpu.memory_space<vmem>>, %arg7: memref<3x4x64xf32, #tpu.memory_space<vmem>>, %arg8: memref<1024x128xf32, #tpu.memory_space<vmem>>, %arg9: memref<1024x64xf32, #tpu.memory_space<vmem>>, %arg10: memref<1024x64xf32, #tpu.memory_space<vmem>>, %arg11: memref<1024x8xf32, #tpu.memory_space<vmem>>) attributes {dimension_semantics = [#tpu.dimension_semantics<arbitrary>], iteration_bounds = array<i64: 10>, scalar_prefetch = 0 : i64, scratch_operands = 0 : i64, tpu.core_type = #tpu.core_type<tc>, window_params = [{transform_indices = @transform_0, window_bounds = array<i64: 1024, 128>}, {transform_indices = @transform_1, window_bounds = array<i64: 1024, 128>}, {transform_indices = @transform_2, window_bounds = array<i64: 1024, 128>}, {pipeline_mode = #tpu.pipeline_mode<synchronous>, transform_indices = @transform_3, window_bounds = array<i64: 3, 128, 64>}, {pipeline_mode = #tpu.pipeline_mode<synchronous>, transform_indices = @transform_4, window_bounds = array<i64: 1, 64>}, {pipeline_mode = #tpu.pipeline_mode<synchronous>, transform_indices = @transform_5, window_bounds = array<i64: 3, 4, 64>}, {pipeline_mode = #tpu.pipeline_mode<synchronous>, transform_indices = @transform_6, window_bounds = array<i64: 3, 4, 64>}, {transform_indices = @transform_7, window_bounds = array<i64: 1024, 128>}, {transform_indices = @transform_8, window_bounds = array<i64: 1024, 64>}, {transform_indices = @transform_9, window_bounds = array<i64: 1024, 64>}, {transform_indices = @transform_10, window_bounds = array<i64: 1024, 8>}]} {
    %get3A = arith.constant 0 : index
    %get3A_0 = arith.constant 0 : index
    %get3A_1 = vector.load %arg1[%get3A, %get3A_0] : memref<1024x128xf32, #tpu.memory_space<vmem>>, vector<1024x128xf32>
    %get3A_2 = arith.constant 0 : index
    %get3A_3 = arith.constant 0 : index
    %get3A_4 = vector.load %arg2[%get3A_2, %get3A_3] : memref<1024x128xf32, #tpu.memory_space<vmem>>, vector<1024x128xf32>
    %get3A_5 = arith.constant 0 : index
    %get3A_6 = arith.constant 0 : index
    %get3A_7 = vector.load %arg3[%get3A_5, %get3A_6] : memref<1024x128xf32, #tpu.memory_space<vmem>>, vector<1024x128xf32>
    %add3A = arith.addf %get3A_4, %get3A_7 : vector<1024x128xf32>
    %slice3A = vector.extract_strided_slice %add3A {offsets = [0, 4], sizes = [1024, 1], strides = [1, 1]} : vector<1024x128xf32> to vector<1024x1xf32>
    %gt3A = arith.constant 0.000000e+00 : f32
    %gt3A_8 = vector.broadcast %gt3A : f32 to vector<1024x1xf32>
    %gt3A_9 = arith.cmpf ogt, %slice3A, %gt3A_8 : vector<1024x1xf32>
    %max3A = arith.constant 1.000000e-30 : f32
    %max3A_10 = vector.broadcast %max3A : f32 to vector<1024x1xf32>
    %max3A_11 = arith.maximumf %slice3A, %max3A_10 : vector<1024x1xf32>
    %rsqrt3A = math.rsqrt %max3A_11 : vector<1024x1xf32>
    %jit3A = arith.constant 0.000000e+00 : f32
    %broadcast_in_dim3A = vector.broadcast %jit3A : f32 to vector<1024x1xf32>
    %select_n3A = arith.select %gt3A_9, %rsqrt3A, %broadcast_in_dim3A : vector<1024x1xi1>, vector<1024x1xf32>
    %get3A_12 = arith.constant 0 : index
    %get3A_13 = arith.constant 0 : index
    %get3A_14 = arith.constant 0 : index
    %get3A_15 = vector.load %arg4[%get3A_12, %get3A_13, %get3A_14] : memref<3x128x64xf32, #tpu.memory_space<vmem>>, vector<3x128x64xf32>
    %slice3A_16 = vector.extract_strided_slice %get3A_15 {offsets = [2, 0, 0], sizes = [1, 128, 64], strides = [1, 1, 1]} : vector<3x128x64xf32> to vector<1x128x64xf32>
    %squeeze3A = vector.shape_cast %slice3A_16 : vector<1x128x64xf32> to vector<128x64xf32>
    %dot_general3A = arith.constant dense<0.000000e+00> : vector<1024x64xf32>
    %dot_general3A_17 = tpu.matmul %get3A_1, %squeeze3A, %dot_general3A {dimension_numbers = #tpu.dot_dimension_numbers<[1], [0], [0], [1], [0, 0, 1, 1], [], []>, transpose_lhs_hint = false} : vector<1024x128xf32>, vector<128x64xf32>, vector<1024x64xf32> -> vector<1024x64xf32>
    %mul3A = vector.broadcast %select_n3A : vector<1024x1xf32> to vector<1024x64xf32>
    %mul3A_18 = arith.mulf %mul3A, %dot_general3A_17 : vector<1024x64xf32>
    %broadcast_in_dim3A_19 = arith.constant 0.000000e+00 : f32
    %broadcast_in_dim3A_20 = vector.broadcast %broadcast_in_dim3A_19 : f32 to vector<1024x64xf32>
    %concatenate3A = tpu.concatenate %mul3A_18, %broadcast_in_dim3A_20 in 1 : vector<1024x64xf32>, vector<1024x64xf32> -> vector<1024x128xf32>
    %swap3A = arith.constant 0 : index
    %swap3A_21 = arith.constant 0 : index
    %swap3A_22 = vector.load %arg8[%swap3A, %swap3A_21] : memref<1024x128xf32, #tpu.memory_space<vmem>>, vector<1024x128xf32>
    tpu.vector_store %arg8[%swap3A, %swap3A_21], %concatenate3A {strides = array<i32>} : memref<1024x128xf32, #tpu.memory_space<vmem>>, vector<1024x128xf32>,
    %slice3A_23 = vector.extract_strided_slice %get3A_15 {offsets = [0, 0, 0], sizes = [1, 128, 64], strides = [1, 1, 1]} : vector<3x128x64xf32> to vector<1x128x64xf32>
    %squeeze3A_24 = vector.shape_cast %slice3A_23 : vector<1x128x64xf32> to vector<128x64xf32>
    %slice3A_25 = vector.extract_strided_slice %get3A_15 {offsets = [1, 0, 0], sizes = [1, 128, 64], strides = [1, 1, 1]} : vector<3x128x64xf32> to vector<1x128x64xf32>
    %squeeze3A_26 = vector.shape_cast %slice3A_25 : vector<1x128x64xf32> to vector<128x64xf32>
    %add3A_27 = arith.addf %squeeze3A_24, %squeeze3A_26 : vector<128x64xf32>
    %slice3A_28 = vector.extract_strided_slice %get3A_15 {offsets = [2, 0, 0], sizes = [1, 128, 64], strides = [1, 1, 1]} : vector<3x128x64xf32> to vector<1x128x64xf32>
    %squeeze3A_29 = vector.shape_cast %slice3A_28 : vector<1x128x64xf32> to vector<128x64xf32>
    %sub3A = arith.subf %add3A_27, %squeeze3A_29 : vector<128x64xf32>
    %get3A_30 = arith.constant 0 : index
    %get3A_31 = arith.constant 0 : index
    %get3A_32 = arith.constant 0 : index
    %get3A_33 = vector.load %arg6[%get3A_30, %get3A_31, %get3A_32] : memref<3x4x64xf32, #tpu.memory_space<vmem>>, vector<1x4x64xf32>
    %get3A_34 = vector.shape_cast %get3A_33 : vector<1x4x64xf32> to vector<4x64xf32>
    %get3A_35 = arith.constant 1 : index
    %get3A_36 = arith.constant 0 : index
    %get3A_37 = arith.constant 0 : index
    %get3A_38 = vector.load %arg6[%get3A_35, %get3A_36, %get3A_37] : memref<3x4x64xf32, #tpu.memory_space<vmem>>, vector<1x4x64xf32>
    %get3A_39 = vector.shape_cast %get3A_38 : vector<1x4x64xf32> to vector<4x64xf32>
    %add3A_40 = arith.addf %get3A_34, %get3A_39 : vector<4x64xf32>
    %get3A_41 = arith.constant 2 : index
    %get3A_42 = arith.constant 0 : index
    %get3A_43 = arith.constant 0 : index
    %get3A_44 = vector.load %arg6[%get3A_41, %get3A_42, %get3A_43] : memref<3x4x64xf32, #tpu.memory_space<vmem>>, vector<1x4x64xf32>
    %get3A_45 = vector.shape_cast %get3A_44 : vector<1x4x64xf32> to vector<4x64xf32>
    %add3A_46 = arith.addf %add3A_40, %get3A_45 : vector<4x64xf32>
    %get3A_47 = arith.constant 0 : index
    %get3A_48 = arith.constant 0 : index
    %get3A_49 = arith.constant 0 : index
    %get3A_50 = vector.load %arg7[%get3A_47, %get3A_48, %get3A_49] : memref<3x4x64xf32, #tpu.memory_space<vmem>>, vector<1x4x64xf32>
    %get3A_51 = vector.shape_cast %get3A_50 : vector<1x4x64xf32> to vector<4x64xf32>
    %get3A_52 = arith.constant 1 : index
    %get3A_53 = arith.constant 0 : index
    %get3A_54 = arith.constant 0 : index
    %get3A_55 = vector.load %arg7[%get3A_52, %get3A_53, %get3A_54] : memref<3x4x64xf32, #tpu.memory_space<vmem>>, vector<1x4x64xf32>
    %get3A_56 = vector.shape_cast %get3A_55 : vector<1x4x64xf32> to vector<4x64xf32>
    %add3A_57 = arith.addf %get3A_51, %get3A_56 : vector<4x64xf32>
    %get3A_58 = arith.constant 2 : index
    %get3A_59 = arith.constant 0 : index
    %get3A_60 = arith.constant 0 : index
    %get3A_61 = vector.load %arg7[%get3A_58, %get3A_59, %get3A_60] : memref<3x4x64xf32, #tpu.memory_space<vmem>>, vector<1x4x64xf32>
    %get3A_62 = vector.shape_cast %get3A_61 : vector<1x4x64xf32> to vector<4x64xf32>
    %add3A_63 = arith.addf %add3A_57, %get3A_62 : vector<4x64xf32>
    %slice3A_64 = vector.extract_strided_slice %add3A {offsets = [0, 0], sizes = [1024, 4], strides = [1, 1]} : vector<1024x128xf32> to vector<1024x4xf32>
    %dot_general3A_65 = arith.constant dense<0.000000e+00> : vector<1024x64xf32>
    %dot_general3A_66 = tpu.matmul %get3A_1, %sub3A, %dot_general3A_65 {dimension_numbers = #tpu.dot_dimension_numbers<[1], [0], [0], [1], [0, 0, 1, 1], [], []>, transpose_lhs_hint = false} : vector<1024x128xf32>, vector<128x64xf32>, vector<1024x64xf32> -> vector<1024x64xf32>
    %get3A_67 = arith.constant 0 : index
    %get3A_68 = arith.constant 0 : index
    %get3A_69 = vector.load %arg5[%get3A_67, %get3A_68] : memref<1x64xf32, #tpu.memory_space<vmem>>, vector<1x64xf32>
    %add3A_70 = vector.broadcast %get3A_69 : vector<1x64xf32> to vector<1024x64xf32>
    %add3A_71 = arith.addf %dot_general3A_66, %add3A_70 : vector<1024x64xf32>
    %dot_general3A_72 = arith.constant dense<0.000000e+00> : vector<1024x64xf32>
    %dot_general3A_73 = tpu.matmul %slice3A_64, %add3A_46, %dot_general3A_72 {dimension_numbers = #tpu.dot_dimension_numbers<[1], [0], [0], [1], [0, 0, 1, 1], [], []>, transpose_lhs_hint = false} : vector<1024x4xf32>, vector<4x64xf32>, vector<1024x64xf32> -> vector<1024x64xf32>
    %add3A_74 = arith.addf %add3A_71, %dot_general3A_73 : vector<1024x64xf32>
    %swap3A_75 = arith.constant 0 : index
    %swap3A_76 = arith.constant 0 : index
    %swap3A_77 = vector.load %arg9[%swap3A_75, %swap3A_76] : memref<1024x64xf32, #tpu.memory_space<vmem>>, vector<1024x64xf32>
    tpu.vector_store %arg9[%swap3A_75, %swap3A_76], %add3A_74 {strides = array<i32>} : memref<1024x64xf32, #tpu.memory_space<vmem>>, vector<1024x64xf32>,
    %dot_general3A_78 = arith.constant dense<0.000000e+00> : vector<1024x64xf32>
    %dot_general3A_79 = tpu.matmul %slice3A_64, %add3A_63, %dot_general3A_78 {dimension_numbers = #tpu.dot_dimension_numbers<[1], [0], [0], [1], [0, 0, 1, 1], [], []>, transpose_lhs_hint = false} : vector<1024x4xf32>, vector<4x64xf32>, vector<1024x64xf32> -> vector<1024x64xf32>
    %swap3A_80 = arith.constant 0 : index
    %swap3A_81 = arith.constant 0 : index
    %swap3A_82 = vector.load %arg10[%swap3A_80, %swap3A_81] : memref<1024x64xf32, #tpu.memory_space<vmem>>, vector<1024x64xf32>
    tpu.vector_store %arg10[%swap3A_80, %swap3A_81], %dot_general3A_79 {strides = array<i32>} : memref<1024x64xf32, #tpu.memory_space<vmem>>, vector<1024x64xf32>,
    %broadcast_in_dim3A_83 = vector.shape_cast %select_n3A : vector<1024x1xf32> to vector<1024x1xf32>
    %broadcast_in_dim3A_84 = vector.broadcast %broadcast_in_dim3A_83 : vector<1024x1xf32> to vector<1024x8xf32>
    %swap3A_85 = arith.constant 0 : index
    %swap3A_86 = arith.constant 0 : index
    %swap3A_87 = vector.load %arg11[%swap3A_85, %swap3A_86] : memref<1024x8xf32, #tpu.memory_space<vmem>>, vector<1024x8xf32>
    tpu.vector_store %arg11[%swap3A_85, %swap3A_86], %broadcast_in_dim3A_84 {strides = array<i32>} : memref<1024x8xf32, #tpu.memory_space<vmem>>, vector<1024x8xf32>,
    return
  }
  func.func @transform_0(%arg0: i32) -> (i32, i32) {
    %c0_i32 = arith.constant 0 : i32
    %c0_i32_0 = arith.constant 0 : i32
    return %arg0, %c0_i32 : i32, i32
  }
  func.func @transform_1(%arg0: i32) -> (i32, i32) {
    %c0_i32 = arith.constant 0 : i32
    %c0_i32_0 = arith.constant 0 : i32
    return %arg0, %c0_i32 : i32, i32
  }
  func.func @transform_2(%arg0: i32) -> (i32, i32) {
    %c0_i32 = arith.constant 0 : i32
    %c0_i32_0 = arith.constant 0 : i32
    return %arg0, %c0_i32 : i32, i32
  }
  func.func @transform_3(%arg0: i32) -> (i32, i32, i32) {
    %c0_i32 = arith.constant 0 : i32
    %c0_i32_0 = arith.constant 0 : i32
    %c0_i32_1 = arith.constant 0 : i32
    %c0_i32_2 = arith.constant 0 : i32
    return %c0_i32, %c0_i32_0, %c0_i32_1 : i32, i32, i32
  }
  func.func @transform_4(%arg0: i32) -> (i32, i32) {
    %c0_i32 = arith.constant 0 : i32
    %c0_i32_0 = arith.constant 0 : i32
    %c0_i32_1 = arith.constant 0 : i32
    return %c0_i32, %c0_i32_0 : i32, i32
  }
  func.func @transform_5(%arg0: i32) -> (i32, i32, i32) {
    %c0_i32 = arith.constant 0 : i32
    %c0_i32_0 = arith.constant 0 : i32
    %c0_i32_1 = arith.constant 0 : i32
    %c0_i32_2 = arith.constant 0 : i32
    return %c0_i32, %c0_i32_0, %c0_i32_1 : i32, i32, i32
  }
  func.func @transform_6(%arg0: i32) -> (i32, i32, i32) {
    %c0_i32 = arith.constant 0 : i32
    %c0_i32_0 = arith.constant 0 : i32
    %c0_i32_1 = arith.constant 0 : i32
    %c0_i32_2 = arith.constant 0 : i32
    return %c0_i32, %c0_i32_0, %c0_i32_1 : i32, i32, i32
  }
  func.func @transform_7(%arg0: i32) -> (i32, i32) {
    %c0_i32 = arith.constant 0 : i32
    %c0_i32_0 = arith.constant 0 : i32
    return %arg0, %c0_i32 : i32, i32
  }
  func.func @transform_8(%arg0: i32) -> (i32, i32) {
    %c0_i32 = arith.constant 0 : i32
    %c0_i32_0 = arith.constant 0 : i32
    return %arg0, %c0_i32 : i32, i32
  }
  func.func @transform_9(%arg0: i32) -> (i32, i32) {
    %c0_i32 = arith.constant 0 : i32
    %c0_i32_0 = arith.constant 0 : i32
    return %arg0, %c0_i32 : i32, i32
  }
  func.func @transform_10(%arg0: i32) -> (i32, i32) {
    %c0_i32 = arith.constant 0 : i32
    %c0_i32_0 = arith.constant 0 : i32
    return %arg0, %c0_i32 : i32, i32
  }
}

module attributes {stable_mosaic.version = 14 : i64} {
  func.func @_dense2_body(%arg0: i32, %arg1: memref<1024x64xf32, #tpu.memory_space<vmem>>, %arg2: memref<1024x128xf32, #tpu.memory_space<vmem>>, %arg3: memref<1024x128xf32, #tpu.memory_space<vmem>>, %arg4: memref<1024x8xf32, #tpu.memory_space<vmem>>, %arg5: memref<3x64x64xf32, #tpu.memory_space<vmem>>, %arg6: memref<1x64xf32, #tpu.memory_space<vmem>>, %arg7: memref<1024x64xf32, #tpu.memory_space<vmem>>, %arg8: memref<1024x128xf32, #tpu.memory_space<vmem>>, %arg9: memref<1024x64xf32, #tpu.memory_space<vmem>>) attributes {dimension_semantics = [#tpu.dimension_semantics<arbitrary>], iteration_bounds = array<i64: 10>, scalar_prefetch = 0 : i64, scratch_operands = 0 : i64, tpu.core_type = #tpu.core_type<tc>, window_params = [{transform_indices = @transform_0, window_bounds = array<i64: 1024, 64>}, {transform_indices = @transform_1, window_bounds = array<i64: 1024, 128>}, {transform_indices = @transform_2, window_bounds = array<i64: 1024, 128>}, {transform_indices = @transform_3, window_bounds = array<i64: 1024, 8>}, {pipeline_mode = #tpu.pipeline_mode<synchronous>, transform_indices = @transform_4, window_bounds = array<i64: 3, 64, 64>}, {pipeline_mode = #tpu.pipeline_mode<synchronous>, transform_indices = @transform_5, window_bounds = array<i64: 1, 64>}, {transform_indices = @transform_6, window_bounds = array<i64: 1024, 64>}, {transform_indices = @transform_7, window_bounds = array<i64: 1024, 128>}, {transform_indices = @transform_8, window_bounds = array<i64: 1024, 64>}]} {
    %get3A = arith.constant 0 : index
    %get3A_0 = arith.constant 0 : index
    %get3A_1 = vector.load %arg4[%get3A, %get3A_0] : memref<1024x8xf32, #tpu.memory_space<vmem>>, vector<1024x1xf32>
    %get3A_2 = arith.constant 0 : index
    %get3A_3 = arith.constant 0 : index
    %get3A_4 = vector.load %arg1[%get3A_2, %get3A_3] : memref<1024x64xf32, #tpu.memory_space<vmem>>, vector<1024x64xf32>
    %mul3A = arith.constant 2.000000e+00 : f32
    %mul3A_5 = vector.broadcast %mul3A : f32 to vector<1024x1xf32>
    %mul3A_6 = arith.mulf %mul3A_5, %get3A_1 : vector<1024x1xf32>
    %get3A_7 = arith.constant 0 : index
    %get3A_8 = arith.constant 0 : index
    %get3A_9 = vector.load %arg2[%get3A_7, %get3A_8] : memref<1024x128xf32, #tpu.memory_space<vmem>>, vector<1024x64xf32>
    %get3A_10 = arith.constant 0 : index
    %get3A_11 = arith.constant 0 : index
    %get3A_12 = vector.load %arg3[%get3A_10, %get3A_11] : memref<1024x128xf32, #tpu.memory_space<vmem>>, vector<1024x64xf32>
    %add3A = arith.addf %get3A_9, %get3A_12 : vector<1024x64xf32>
    %mul3A_13 = vector.broadcast %mul3A_6 : vector<1024x1xf32> to vector<1024x64xf32>
    %mul3A_14 = arith.mulf %mul3A_13, %add3A : vector<1024x64xf32>
    %add3A_15 = arith.addf %get3A_4, %mul3A_14 : vector<1024x64xf32>
    %max3A = arith.constant 0.000000e+00 : f32
    %max3A_16 = vector.broadcast %max3A : f32 to vector<1024x64xf32>
    %max3A_17 = arith.maximumf %add3A_15, %max3A_16 : vector<1024x64xf32>
    %get3A_18 = arith.constant 0 : index
    %get3A_19 = arith.constant 0 : index
    %get3A_20 = arith.constant 0 : index
    %get3A_21 = vector.load %arg5[%get3A_18, %get3A_19, %get3A_20] : memref<3x64x64xf32, #tpu.memory_space<vmem>>, vector<3x64x64xf32>
    %slice3A = vector.extract_strided_slice %get3A_21 {offsets = [2, 0, 0], sizes = [1, 64, 64], strides = [1, 1, 1]} : vector<3x64x64xf32> to vector<1x64x64xf32>
    %squeeze3A = vector.shape_cast %slice3A : vector<1x64x64xf32> to vector<64x64xf32>
    %dot_general3A = arith.constant dense<0.000000e+00> : vector<1024x64xf32>
    %dot_general3A_22 = tpu.matmul %max3A_17, %squeeze3A, %dot_general3A {dimension_numbers = #tpu.dot_dimension_numbers<[1], [0], [0], [1], [0, 0, 1, 1], [], []>, transpose_lhs_hint = false} : vector<1024x64xf32>, vector<64x64xf32>, vector<1024x64xf32> -> vector<1024x64xf32>
    %mul3A_23 = vector.broadcast %get3A_1 : vector<1024x1xf32> to vector<1024x64xf32>
    %mul3A_24 = arith.mulf %mul3A_23, %dot_general3A_22 : vector<1024x64xf32>
    %broadcast_in_dim3A = arith.constant 0.000000e+00 : f32
    %broadcast_in_dim3A_25 = vector.broadcast %broadcast_in_dim3A : f32 to vector<1024x64xf32>
    %concatenate3A = tpu.concatenate %mul3A_24, %broadcast_in_dim3A_25 in 1 : vector<1024x64xf32>, vector<1024x64xf32> -> vector<1024x128xf32>
    %swap3A = arith.constant 0 : index
    %swap3A_26 = arith.constant 0 : index
    %swap3A_27 = vector.load %arg8[%swap3A, %swap3A_26] : memref<1024x128xf32, #tpu.memory_space<vmem>>, vector<1024x128xf32>
    tpu.vector_store %arg8[%swap3A, %swap3A_26], %concatenate3A {strides = array<i32>} : memref<1024x128xf32, #tpu.memory_space<vmem>>, vector<1024x128xf32>,
    %slice3A_28 = vector.extract_strided_slice %get3A_21 {offsets = [0, 0, 0], sizes = [1, 64, 64], strides = [1, 1, 1]} : vector<3x64x64xf32> to vector<1x64x64xf32>
    %squeeze3A_29 = vector.shape_cast %slice3A_28 : vector<1x64x64xf32> to vector<64x64xf32>
    %slice3A_30 = vector.extract_strided_slice %get3A_21 {offsets = [1, 0, 0], sizes = [1, 64, 64], strides = [1, 1, 1]} : vector<3x64x64xf32> to vector<1x64x64xf32>
    %squeeze3A_31 = vector.shape_cast %slice3A_30 : vector<1x64x64xf32> to vector<64x64xf32>
    %add3A_32 = arith.addf %squeeze3A_29, %squeeze3A_31 : vector<64x64xf32>
    %slice3A_33 = vector.extract_strided_slice %get3A_21 {offsets = [2, 0, 0], sizes = [1, 64, 64], strides = [1, 1, 1]} : vector<3x64x64xf32> to vector<1x64x64xf32>
    %squeeze3A_34 = vector.shape_cast %slice3A_33 : vector<1x64x64xf32> to vector<64x64xf32>
    %sub3A = arith.subf %add3A_32, %squeeze3A_34 : vector<64x64xf32>
    %dot_general3A_35 = arith.constant dense<0.000000e+00> : vector<1024x64xf32>
    %dot_general3A_36 = tpu.matmul %max3A_17, %sub3A, %dot_general3A_35 {dimension_numbers = #tpu.dot_dimension_numbers<[1], [0], [0], [1], [0, 0, 1, 1], [], []>, transpose_lhs_hint = false} : vector<1024x64xf32>, vector<64x64xf32>, vector<1024x64xf32> -> vector<1024x64xf32>
    %get3A_37 = arith.constant 0 : index
    %get3A_38 = arith.constant 0 : index
    %get3A_39 = vector.load %arg6[%get3A_37, %get3A_38] : memref<1x64xf32, #tpu.memory_space<vmem>>, vector<1x64xf32>
    %add3A_40 = vector.broadcast %get3A_39 : vector<1x64xf32> to vector<1024x64xf32>
    %add3A_41 = arith.addf %dot_general3A_36, %add3A_40 : vector<1024x64xf32>
    %get3A_42 = arith.constant 0 : index
    %get3A_43 = arith.constant 0 : index
    %get3A_44 = vector.load %arg7[%get3A_42, %get3A_43] : memref<1024x64xf32, #tpu.memory_space<vmem>>, vector<1024x64xf32>
    %add3A_45 = arith.addf %add3A_41, %get3A_44 : vector<1024x64xf32>
    %swap3A_46 = arith.constant 0 : index
    %swap3A_47 = arith.constant 0 : index
    %swap3A_48 = vector.load %arg9[%swap3A_46, %swap3A_47] : memref<1024x64xf32, #tpu.memory_space<vmem>>, vector<1024x64xf32>
    tpu.vector_store %arg9[%swap3A_46, %swap3A_47], %add3A_45 {strides = array<i32>} : memref<1024x64xf32, #tpu.memory_space<vmem>>, vector<1024x64xf32>,
    return
  }
  func.func @transform_0(%arg0: i32) -> (i32, i32) {
    %c0_i32 = arith.constant 0 : i32
    %c0_i32_0 = arith.constant 0 : i32
    return %arg0, %c0_i32 : i32, i32
  }
  func.func @transform_1(%arg0: i32) -> (i32, i32) {
    %c0_i32 = arith.constant 0 : i32
    %c0_i32_0 = arith.constant 0 : i32
    return %arg0, %c0_i32 : i32, i32
  }
  func.func @transform_2(%arg0: i32) -> (i32, i32) {
    %c0_i32 = arith.constant 0 : i32
    %c0_i32_0 = arith.constant 0 : i32
    return %arg0, %c0_i32 : i32, i32
  }
  func.func @transform_3(%arg0: i32) -> (i32, i32) {
    %c0_i32 = arith.constant 0 : i32
    %c0_i32_0 = arith.constant 0 : i32
    return %arg0, %c0_i32 : i32, i32
  }
  func.func @transform_4(%arg0: i32) -> (i32, i32, i32) {
    %c0_i32 = arith.constant 0 : i32
    %c0_i32_0 = arith.constant 0 : i32
    %c0_i32_1 = arith.constant 0 : i32
    %c0_i32_2 = arith.constant 0 : i32
    return %c0_i32, %c0_i32_0, %c0_i32_1 : i32, i32, i32
  }
  func.func @transform_5(%arg0: i32) -> (i32, i32) {
    %c0_i32 = arith.constant 0 : i32
    %c0_i32_0 = arith.constant 0 : i32
    %c0_i32_1 = arith.constant 0 : i32
    return %c0_i32, %c0_i32_0 : i32, i32
  }
  func.func @transform_6(%arg0: i32) -> (i32, i32) {
    %c0_i32 = arith.constant 0 : i32
    %c0_i32_0 = arith.constant 0 : i32
    return %arg0, %c0_i32 : i32, i32
  }
  func.func @transform_7(%arg0: i32) -> (i32, i32) {
    %c0_i32 = arith.constant 0 : i32
    %c0_i32_0 = arith.constant 0 : i32
    return %arg0, %c0_i32 : i32, i32
  }
  func.func @transform_8(%arg0: i32) -> (i32, i32) {
    %c0_i32 = arith.constant 0 : i32
    %c0_i32_0 = arith.constant 0 : i32
    return %arg0, %c0_i32 : i32, i32
  }
}

module attributes {stable_mosaic.version = 14 : i64} {
  func.func @_final_body(%arg0: i32, %arg1: memref<1024x64xf32, #tpu.memory_space<vmem>>, %arg2: memref<1024x128xf32, #tpu.memory_space<vmem>>, %arg3: memref<1024x128xf32, #tpu.memory_space<vmem>>, %arg4: memref<1024x8xf32, #tpu.memory_space<vmem>>, %arg5: memref<1024x8xi32, #tpu.memory_space<vmem>>, %arg6: memref<64x4xf32, #tpu.memory_space<vmem>>, %arg7: memref<1x4xf32, #tpu.memory_space<vmem>>, %arg8: memref<64x4xf32, #tpu.memory_space<vmem>>, %arg9: memref<64x128xf32, #tpu.memory_space<vmem>>) attributes {dimension_semantics = [#tpu.dimension_semantics<arbitrary>], iteration_bounds = array<i64: 10>, scalar_prefetch = 0 : i64, scratch_operands = 1 : i64, tpu.core_type = #tpu.core_type<tc>, window_params = [{transform_indices = @transform_0, window_bounds = array<i64: 1024, 64>}, {transform_indices = @transform_1, window_bounds = array<i64: 1024, 128>}, {transform_indices = @transform_2, window_bounds = array<i64: 1024, 128>}, {transform_indices = @transform_3, window_bounds = array<i64: 1024, 8>}, {transform_indices = @transform_4, window_bounds = array<i64: 1024, 8>}, {pipeline_mode = #tpu.pipeline_mode<synchronous>, transform_indices = @transform_5, window_bounds = array<i64: 64, 4>}, {pipeline_mode = #tpu.pipeline_mode<synchronous>, transform_indices = @transform_6, window_bounds = array<i64: 1, 4>}, {pipeline_mode = #tpu.pipeline_mode<synchronous>, transform_indices = @transform_7, window_bounds = array<i64: 64, 4>}]} {
    %eq3A = arith.constant 0 : i32
    %eq3A_0 = arith.cmpi eq, %arg0, %eq3A : i32
    %convert_element_type3A = arith.extui %eq3A_0 : i1 to i32
    %cond3A = arith.constant 0 : i32
    %cond3A_1 = arith.cmpi ne, %convert_element_type3A, %cond3A : i32
    scf.if %cond3A_1 {
      %broadcast_in_dim3A_41 = arith.constant 0.000000e+00 : f32
      %broadcast_in_dim3A_42 = vector.broadcast %broadcast_in_dim3A_41 : f32 to vector<64x128xf32>
      %swap3A_43 = arith.constant 0 : index
      %swap3A_44 = arith.constant 0 : index
      %swap3A_45 = vector.load %arg9[%swap3A_43, %swap3A_44] : memref<64x128xf32, #tpu.memory_space<vmem>>, vector<64x128xf32>
      tpu.vector_store %arg9[%swap3A_43, %swap3A_44], %broadcast_in_dim3A_42 {strides = array<i32>} : memref<64x128xf32, #tpu.memory_space<vmem>>, vector<64x128xf32>,
    } else {
    }
    %get3A = arith.constant 0 : index
    %get3A_2 = arith.constant 0 : index
    %get3A_3 = vector.load %arg4[%get3A, %get3A_2] : memref<1024x8xf32, #tpu.memory_space<vmem>>, vector<1024x1xf32>
    %get3A_4 = arith.constant 0 : index
    %get3A_5 = arith.constant 0 : index
    %get3A_6 = vector.load %arg1[%get3A_4, %get3A_5] : memref<1024x64xf32, #tpu.memory_space<vmem>>, vector<1024x64xf32>
    %mul3A = arith.constant 2.000000e+00 : f32
    %mul3A_7 = vector.broadcast %mul3A : f32 to vector<1024x1xf32>
    %mul3A_8 = arith.mulf %mul3A_7, %get3A_3 : vector<1024x1xf32>
    %get3A_9 = arith.constant 0 : index
    %get3A_10 = arith.constant 0 : index
    %get3A_11 = vector.load %arg2[%get3A_9, %get3A_10] : memref<1024x128xf32, #tpu.memory_space<vmem>>, vector<1024x64xf32>
    %get3A_12 = arith.constant 0 : index
    %get3A_13 = arith.constant 0 : index
    %get3A_14 = vector.load %arg3[%get3A_12, %get3A_13] : memref<1024x128xf32, #tpu.memory_space<vmem>>, vector<1024x64xf32>
    %add3A = arith.addf %get3A_11, %get3A_14 : vector<1024x64xf32>
    %mul3A_15 = vector.broadcast %mul3A_8 : vector<1024x1xf32> to vector<1024x64xf32>
    %mul3A_16 = arith.mulf %mul3A_15, %add3A : vector<1024x64xf32>
    %add3A_17 = arith.addf %get3A_6, %mul3A_16 : vector<1024x64xf32>
    %max3A = arith.constant 0.000000e+00 : f32
    %max3A_18 = vector.broadcast %max3A : f32 to vector<1024x64xf32>
    %max3A_19 = arith.maximumf %add3A_17, %max3A_18 : vector<1024x64xf32>
    %broadcast_in_dim3A = arith.constant 1.000000e+00 : f32
    %broadcast_in_dim3A_20 = vector.broadcast %broadcast_in_dim3A : f32 to vector<1024x64xf32>
    %concatenate3A = tpu.concatenate %max3A_19, %broadcast_in_dim3A_20 in 1 : vector<1024x64xf32>, vector<1024x64xf32> -> vector<1024x128xf32>
    %get3A_21 = arith.constant 0 : index
    %get3A_22 = arith.constant 0 : index
    %get3A_23 = vector.load %arg5[%get3A_21, %get3A_22] : memref<1024x8xi32, #tpu.memory_space<vmem>>, vector<1024x1xi32>
    %iota3A = tpu.iota {dimensions = array<i32: 1>} : vector<1x64xi32>
    %eq3A_24 = vector.broadcast %get3A_23 : vector<1024x1xi32> to vector<1024x64xi32>
    %eq3A_25 = vector.broadcast %iota3A : vector<1x64xi32> to vector<1024x64xi32>
    %eq3A_26 = arith.cmpi eq, %eq3A_24, %eq3A_25 : vector<1024x64xi32>
    %convert_element_type3A_27 = arith.extui %eq3A_26 : vector<1024x64xi1> to vector<1024x64xi32>
    %convert_element_type3A_28 = arith.sitofp %convert_element_type3A_27 : vector<1024x64xi32> to vector<1024x64xf32>
    %get3A_29 = arith.constant 0 : index
    %get3A_30 = arith.constant 0 : index
    %get3A_31 = vector.load %arg9[%get3A_29, %get3A_30] : memref<64x128xf32, #tpu.memory_space<vmem>>, vector<64x128xf32>
    %dot_general3A = arith.constant dense<0.000000e+00> : vector<64x128xf32>
    %dot_general3A_32 = tpu.matmul %convert_element_type3A_28, %concatenate3A, %dot_general3A {dimension_numbers = #tpu.dot_dimension_numbers<[0], [0], [1], [1], [0, 1, 1, 1], [], []>, transpose_lhs_hint = false} : vector<1024x64xf32>, vector<1024x128xf32>, vector<64x128xf32> -> vector<64x128xf32>
    %add3A_33 = arith.addf %get3A_31, %dot_general3A_32 : vector<64x128xf32>
    %swap3A = arith.constant 0 : index
    %swap3A_34 = arith.constant 0 : index
    %swap3A_35 = vector.load %arg9[%swap3A, %swap3A_34] : memref<64x128xf32, #tpu.memory_space<vmem>>, vector<64x128xf32>
    tpu.vector_store %arg9[%swap3A, %swap3A_34], %add3A_33 {strides = array<i32>} : memref<64x128xf32, #tpu.memory_space<vmem>>, vector<64x128xf32>,
    %eq3A_36 = arith.constant 9 : i32
    %eq3A_37 = arith.cmpi eq, %arg0, %eq3A_36 : i32
    %convert_element_type3A_38 = arith.extui %eq3A_37 : i1 to i32
    %cond3A_39 = arith.constant 0 : i32
    %cond3A_40 = arith.cmpi ne, %convert_element_type3A_38, %cond3A_39 : i32
    scf.if %cond3A_40 {
      %get3A_41 = arith.constant 0 : index
      %get3A_42 = arith.constant 0 : index
      %get3A_43 = vector.load %arg9[%get3A_41, %get3A_42] : memref<64x128xf32, #tpu.memory_space<vmem>>, vector<64x128xf32>
      %slice3A = vector.extract_strided_slice %get3A_43 {offsets = [0, 64], sizes = [64, 1], strides = [1, 1]} : vector<64x128xf32> to vector<64x1xf32>
      %max3A_44 = arith.constant 1.000000e+00 : f32
      %max3A_45 = vector.broadcast %max3A_44 : f32 to vector<64x1xf32>
      %max3A_46 = arith.maximumf %slice3A, %max3A_45 : vector<64x1xf32>
      %slice3A_47 = vector.extract_strided_slice %get3A_43 {offsets = [0, 0], sizes = [64, 64], strides = [1, 1]} : vector<64x128xf32> to vector<64x64xf32>
      %div3A = vector.broadcast %max3A_46 : vector<64x1xf32> to vector<64x64xf32>
      %div3A_48 = arith.divf %slice3A_47, %div3A : vector<64x64xf32>
      %get3A_49 = arith.constant 0 : index
      %get3A_50 = arith.constant 0 : index
      %get3A_51 = vector.load %arg6[%get3A_49, %get3A_50] : memref<64x4xf32, #tpu.memory_space<vmem>>, vector<64x4xf32>
      %dot_general3A_52 = arith.constant dense<0.000000e+00> : vector<64x4xf32>
      %dot_general3A_53 = tpu.matmul %div3A_48, %get3A_51, %dot_general3A_52 {dimension_numbers = #tpu.dot_dimension_numbers<[1], [0], [0], [1], [0, 0, 1, 1], [], []>, transpose_lhs_hint = false} : vector<64x64xf32>, vector<64x4xf32>, vector<64x4xf32> -> vector<64x4xf32>
      %get3A_54 = arith.constant 0 : index
      %get3A_55 = arith.constant 0 : index
      %get3A_56 = vector.load %arg7[%get3A_54, %get3A_55] : memref<1x4xf32, #tpu.memory_space<vmem>>, vector<1x4xf32>
      %add3A_57 = vector.broadcast %get3A_56 : vector<1x4xf32> to vector<64x4xf32>
      %add3A_58 = arith.addf %dot_general3A_53, %add3A_57 : vector<64x4xf32>
      %reduce_max3A = arith.constant dense<0xFF800000> : vector<64xf32>
      %reduce_max3A_59 = vector.multi_reduction <maximumf>, %add3A_58, %reduce_max3A [1] : vector<64x4xf32> to vector<64xf32>
      %broadcast_in_dim3A_60 = vector.shape_cast %reduce_max3A_59 : vector<64xf32> to vector<64x1xf32>
      %sub3A = vector.broadcast %broadcast_in_dim3A_60 : vector<64x1xf32> to vector<64x4xf32>
      %sub3A_61 = arith.subf %add3A_58, %sub3A : vector<64x4xf32>
      %exp3A = math.exp %sub3A_61 : vector<64x4xf32>
      %reduce_sum3A = arith.constant dense<0.000000e+00> : vector<64xf32>
      %reduce_sum3A_62 = vector.multi_reduction <add>, %exp3A, %reduce_sum3A [1] : vector<64x4xf32> to vector<64xf32>
      %broadcast_in_dim3A_63 = vector.shape_cast %reduce_sum3A_62 : vector<64xf32> to vector<64x1xf32>
      %log3A = math.log %broadcast_in_dim3A_63 : vector<64x1xf32>
      %sub3A_64 = vector.broadcast %log3A : vector<64x1xf32> to vector<64x4xf32>
      %sub3A_65 = arith.subf %sub3A_61, %sub3A_64 : vector<64x4xf32>
      %swap3A_66 = arith.constant 0 : index
      %swap3A_67 = arith.constant 0 : index
      %swap3A_68 = vector.load %arg8[%swap3A_66, %swap3A_67] : memref<64x4xf32, #tpu.memory_space<vmem>>, vector<64x4xf32>
      tpu.vector_store %arg8[%swap3A_66, %swap3A_67], %sub3A_65 {strides = array<i32>} : memref<64x4xf32, #tpu.memory_space<vmem>>, vector<64x4xf32>,
    } else {
    }
    return
  }
  func.func @transform_0(%arg0: i32) -> (i32, i32) {
    %c0_i32 = arith.constant 0 : i32
    %c0_i32_0 = arith.constant 0 : i32
    return %arg0, %c0_i32 : i32, i32
  }
  func.func @transform_1(%arg0: i32) -> (i32, i32) {
    %c0_i32 = arith.constant 0 : i32
    %c0_i32_0 = arith.constant 0 : i32
    return %arg0, %c0_i32 : i32, i32
  }
  func.func @transform_2(%arg0: i32) -> (i32, i32) {
    %c0_i32 = arith.constant 0 : i32
    %c0_i32_0 = arith.constant 0 : i32
    return %arg0, %c0_i32 : i32, i32
  }
  func.func @transform_3(%arg0: i32) -> (i32, i32) {
    %c0_i32 = arith.constant 0 : i32
    %c0_i32_0 = arith.constant 0 : i32
    return %arg0, %c0_i32 : i32, i32
  }
  func.func @transform_4(%arg0: i32) -> (i32, i32) {
    %c0_i32 = arith.constant 0 : i32
    %c0_i32_0 = arith.constant 0 : i32
    return %arg0, %c0_i32 : i32, i32
  }
  func.func @transform_5(%arg0: i32) -> (i32, i32) {
    %c0_i32 = arith.constant 0 : i32
    %c0_i32_0 = arith.constant 0 : i32
    %c0_i32_1 = arith.constant 0 : i32
    return %c0_i32, %c0_i32_0 : i32, i32
  }
  func.func @transform_6(%arg0: i32) -> (i32, i32) {
    %c0_i32 = arith.constant 0 : i32
    %c0_i32_0 = arith.constant 0 : i32
    %c0_i32_1 = arith.constant 0 : i32
    return %c0_i32, %c0_i32_0 : i32, i32
  }
  func.func @transform_7(%arg0: i32) -> (i32, i32) {
    %c0_i32 = arith.constant 0 : i32
    %c0_i32_0 = arith.constant 0 : i32
    %c0_i32_1 = arith.constant 0 : i32
    return %c0_i32, %c0_i32_0 : i32, i32
  }
}

</mosaic_0001>

<sc_bundles>
// kernel: kernel.11.cloned.1.call-start
scs
__scs_entry_jumppad:
0x0: {  	(pc) =	sbr.rel $0x88, $3  }
0x1: {  	(tag) =	ssettag $0x0;
	lr =	simm.s32 $0x1  }
0x2: {  	[smem:$0x3F95] =	sst lr;
	_ =	strace $0xD0000000  }
0x3: {  	_ = 	snop  }
0x4: {  	_ = 	snop  }
0x5: {  	_ = 	snop  }
0x6: {  	_ = 	snop  }
0x7: {  	_ = 	snop  }
__scs_overlays_trampoline_lowered:
0x8: {  	[smem:$0x3FA4] =	sst s0  }
0x9: {  	[smem:$0x3FA5] =	sst s1  }
0xa: {  	[smem:$0x3FA6] =	sst s2  }
0xb: {  	[smem:$0x3FA7] =	sst s3  }
0xc: {  	[smem:$0x3FA8] =	sst s4  }
0xd: {  	[smem:$0x3FA9] =	sst s5  }
0xe: {  	[smem:$0x3FAA] =	sst s6  }
0xf: {  	[smem:$0x3FAB] =	sst s7  }
0x10: {  	[smem:$0x3FAC] =	sst s8  }
0x11: {  	[smem:$0x3FAD] =	sst s9;
	s0 =	simm.s32 @!p0 $0x0  }
0x12: {  	s1 =	sld [smem:$0x3F93];
	s0 =	simm.s32 @p0 $0x1  }
0x13: {  	[smem:$0x3FAE] =	sst s0;
	s0 =	simm.s32 @!p1 $0x0  }
0x14: {  	s2 =	sld [smem:$0x3F92];
	s0 =	simm.s32 @p1 $0x1  }
0x15: {  	[smem:$0x3FAF] =	sst s0;
	s0 =	simm.s32 @!p2 $0x0  }
0x16: {  	s3 =	sld [smem:$0x3FDB];
	s0 =	simm.s32 @p2 $0x1  }
0x17: {  	s4 =	simm.s32 $0x1BF5;
	[smem:$0x3FB1] =	sst s0  }
0x18: {  	s0 =	sld [smem:$0x3F94];
	_ =	swait.ge [sflag:s4], $0x0  }
0x19: {  	s7 =	sld [smem:$0x3F95]  }
0x1a: {  	s8 =	sadd.s32 $0xFFFFE003, lr  }
0x1b: {  	s9 =	sadd.s32 $0xFFFFFEF7, lr;
	s5 =	simm.s32 $0xFFFFFFFF;
	p2 =	slt.u32 s8, $0xFFFFF086  }
0x1c: {  	p1 =	slt.u32 s9, $0xF7A;
	s5 =	simm.s32 @!p2 $0x0  }
0x1d: {  	s5 =	simm.s32 @p1 $0x1;
	p0 =	seq.s32 s7, s2  }
0x1e: {  	s7 =	smul.u32 @!p0 $0xF7A, s2;
	p2 =	seq.s32 @!p0 s5, $0x0  }
0x1f: {  	s9 =	smul.u32 $0xF7A, s1;
	s8 =	simm.s32 @!p0 $0x1BF5;
	p2 =	por !p2, p0  }
0x20: {  	[sflag:s8] =	ssyncset.s32 @!p0 $0xFFFFF086;
	s6 =	sadd.s32 @!p0 s3, s7;
	s7 =	simm.s32 @!p0 $0x108  }
0x21: {  	s3 =	sadd.s32 s3, s9;
	s6 =	sadd.s32 @!p0 $0x88, s6;
	s7 =	simm.s32 @p2 $0x1082  }
0x22: {  	[simem:s7], [sflag:s8] =	dma.local @!p0 [hbm:s6], $0xF7A  }
0x23: {  	s9 =	sor.u32 $0xD0000000, s2;
	s6 =	simm.s32 $0x108;
	_ =	swait.ge @!p0 [sflag:s8], $0x0  }
0x24: {  	s3 =	sadd.s32 $0x88, s3;
	s6 =	simm.s32 @!p1 $0x1082;
	[sflag:s4] =	ssyncset.s32 $0xFFFFF086  }
0x25: {  	[simem:s6], [sflag:s4] =	dma.local [hbm:s3], $0xF7A  }
0x26: {  	[smem:$0x3F95] =	sst s1;
	(tag) =	ssettag s2;
	_ =	strace s9  }
0x27: {  	s1 =	sld [smem:$0x3FA5]  }
0x28: {  	s2 =	sld [smem:$0x3FA6]  }
0x29: {  	s4 =	sld [smem:$0x3FA8]  }
0x2a: {  	p0 =	seq.s32 s5, $0x0;
	s5 =	sld [smem:$0x3FA9]  }
0x2b: {  	s6 =	sld [smem:$0x3FAA]  }
0x2c: {  	s7 =	sld [smem:$0x3FAB]  }
0x2d: {  	s3 =	simm.s32 $0x108;
	s8 =	sld [smem:$0x3FAC]  }
0x2e: {  	s3 =	simm.s32 @!p0 $0x1082;
	s9 =	sld [smem:$0x3FAD]  }
0x2f: {  	lr =	sadd.s32 s0, s3;
	s0 =	sld [smem:$0x3FA4]  }
0x30: {  	s3 =	sld [smem:$0x3FA7]  }
0x31: {  	[smem:$0x3FB0] =	sst s10  }
0x32: {  	s10 =	sld [smem:$0x3FAE];
	_ =	sdelay $0x3  }
0x33: {  	p0 =	seq.s32 s10, $0x1;
	s10 =	sld [smem:$0x3FB0];
	_ =	sdelay $0x3  }
0x34: {  	[smem:$0x3FB0] =	sst s10  }
0x35: {  	s10 =	sld [smem:$0x3FAF];
	_ =	sdelay $0x3  }
0x36: {  	p1 =	seq.s32 s10, $0x1;
	s10 =	sld [smem:$0x3FB0];
	_ =	sdelay $0x3  }
0x37: {  	[smem:$0x3FB0] =	sst s10  }
0x38: {  	s10 =	sld [smem:$0x3FB1]  }
0x39: {  	_ = 	snop;
	(pc) =	sbr.ind lr, $3  }
0x3a: {  	_ = 	snop  }
0x3b: {  	_ = 	snop  }
0x3c: {  	p2 =	seq.s32 s10, $0x1;
	s10 =	sld [smem:$0x3FB0]  }
0x3d: {  	_ =	shalt  }
0x3e: {  	_ =	shalt  }
0x3f: {  	_ =	shalt  }
0x40: {  	_ =	shalt  }
0x41: {  	_ =	shalt  }
0x42: {  	_ =	shalt  }
0x43: {  	_ =	shalt  }
0x44: {  	_ =	shalt  }
0x45: {  	_ =	shalt  }
0x46: {  	_ =	shalt  }
0x47: {  	_ =	shalt  }
0x48: {  	_ =	shalt  }
0x49: {  	_ =	shalt  }
0x4a: {  	_ =	shalt  }
0x4b: {  	_ =	shalt  }
0x4c: {  	_ =	shalt  }
0x4d: {  	_ =	shalt  }
0x4e: {  	_ =	shalt  }
0x4f: {  	_ =	shalt  }
0x50: {  	_ =	shalt  }
0x51: {  	_ =	shalt  }
0x52: {  	_ =	shalt  }
0x53: {  	_ =	shalt  }
0x54: {  	_ =	shalt  }
0x55: {  	_ =	shalt  }
0x56: {  	_ =	shalt  }
0x57: {  	_ =	shalt  }
0x58: {  	_ =	shalt  }
0x59: {  	_ =	shalt  }
0x5a: {  	_ =	shalt  }
0x5b: {  	_ =	shalt  }
0x5c: {  	_ =	shalt  }
0x5d: {  	_ =	shalt  }
0x5e: {  	_ =	shalt  }
0x5f: {  	_ =	shalt  }
0x60: {  	_ =	shalt  }
0x61: {  	_ =	shalt  }
0x62: {  	_ =	shalt  }
0x63: {  	_ =	shalt  }
0x64: {  	_ =	shalt  }
0x65: {  	_ =	shalt  }
0x66: {  	_ =	shalt  }
0x67: {  	_ =	shalt  }
0x68: {  	_ =	shalt  }
0x69: {  	_ =	shalt  }
0x6a: {  	_ =	shalt  }
0x6b: {  	_ =	shalt  }
0x6c: {  	_ =	shalt  }
0x6d: {  	_ =	shalt  }
0x6e: {  	_ =	shalt  }
0x6f: {  	_ =	shalt  }
0x70: {  	_ =	shalt  }
0x71: {  	_ =	shalt  }
0x72: {  	_ =	shalt  }
0x73: {  	_ =	shalt  }
0x74: {  	_ =	shalt  }
0x75: {  	_ =	shalt  }
0x76: {  	_ =	shalt  }
0x77: {  	_ =	shalt  }
0x78: {  	_ =	shalt  }
0x79: {  	_ =	shalt  }
0x7a: {  	_ =	shalt  }
0x7b: {  	_ =	shalt  }
0x7c: {  	_ =	shalt  }
0x7d: {  	_ =	shalt  }
0x7e: {  	_ =	shalt  }
0x7f: {  	_ =	shalt  }
0x80: {  	_ =	shalt  }
0x81: {  	_ =	shalt  }
0x82: {  	_ =	shalt  }
0x83: {  	_ =	shalt  }
0x84: {  	_ =	shalt  }
0x85: {  	_ =	shalt  }
0x86: {  	_ =	shalt  }
0x87: {  	_ =	shalt  }
.Lfunc_end0:
.L_simem_size_0:
called_computation.1_lowered:
.L_overlay_start_0:
0x88: {  	s2 =	sld [smem:$0x3FD9]  }
0x89: {  	s3 =	sld [smem:$0x3FFE];
	_ =	sdelay $0x1  }
0x8a: {  	s1 =	srdreg.scid  }
0x8b: {  	s0 =	sand.u32 $0x1, s1  }
0x8c: {  	s16 =	sshll.u32 s0, $0xA;
	s2 =	sadd.s32 s3, s2  }
0x8d: {  	s2 =	sadd.s32 s2, s16  }
0x8e: {  	[smem:$0x3FBC] =	sst s2  }
0x8f: {  	_ = 	snop  }
0x90: {  	(tm) =	ssettm $0x1  }
0x91: {  	s17 =	sld [smem:$0x3FFB];
	_ =	sdelay $0x3  }
0x92: {  	_ =	strace s17  }
0x93: {  	s2 =	sld [smem:$0x3FFC];
	_ =	sdelay $0x3  }
0x94: {  	_ =	strace s2  }
0x95: {  	s2 =	sld [smem:$0x3FFD];
	_ =	sdelay $0x3  }
0x96: {  	_ =	strace s2  }
0x97: {  	_ =	strace $0x8FFFFFFF  }
0x98: {  	s18 =	sld [smem:$0x3FDB];
	_ =	sdelay $0x1  }
0x99: {  	s19 =	simm.s32 $_scs_section_size  }
0x9a: {  	s4 =	simm.s32 $_size__tile_overlayer_lowered;
	s5 =	simm.s32 $_tile_overlayer_lowered  }
0x9b: {  	s22 =	simm.s32 $0x1BFF;
	s21 =	sshll.u32 s5, $0x1;
	s2 =	sadd.s32 s19, s18  }
0x9c: {  	s6 =	simm.s32 $0x0;
	s20 =	sshll.u32 s4, $0x1;
	s4 =	sadd.s32 s21, s2  }
0x9d: {  	[timem:s6], [sflag:s22] =	dma.local [hbm:s4], s20  }
0x9e: {  	_ =	swait.ge [sflag:s22], s20  }
0x9f: {  	s3 =	ssub.s32 $0x0, s20;
	[sflag:s22] =	ssyncset.done $0x0  }
0xa0: {  	[sflag:s22] =	ssyncadd.s32 s3;
	_ =	sdelay $0x1  }
0xa1: {  	s23 =	simm.s32 $0x1B8B  }
0xa2: {  	_ =	swait.ge [sflag:s23], $0x1  }
0xa3: {  	[sflag:s23] =	ssyncset.done $0x0  }
0xa4: {  	s25 =	simm.s32 $0x1B8E;
	s24 =	sld [smem:$0x3FFE];
	[sflag:s23] =	ssyncadd.s32 $0xFFFFFFFF  }
0xa5: {  	s26 =	simm.s32 $execute0_lowered;
	[smem:$0x3FD2] =	sst s25  }
0xa6: {  	s4 =	sshll.u32 s26, $0x1;
	_ =	strace $0x80000049;
	[dreg:$0x1] =	wrdreg $0xFFFFFFFF  }
0xa7: {  	s28 =	simm.s32 $_size_execute0_lowered;
	s2 =	sadd.s32 s2, s4;
	[dreg:$0x0] =	wrdreg $0x0  }
0xa8: {  	s4 =	sshll.u32 s28, $0x1;
	[dreg:$0x2] =	wrdreg s2  }
0xa9: {  	[dreg:$0x3] =	wrdreg s4  }
0xaa: {  	[dreg:$0x4] =	wrdreg $0xC0  }
0xab: {  	_ =	task [dreg:s6], $0x5FFFF  }
0xac: {  	[dreg:$0x1] =	wrdreg $0xFFFFFFFF  }
0xad: {  	[dreg:$0x0] =	wrdreg $0x60  }
0xae: {  	[dreg:$0x2] =	wrdreg s24  }
0xaf: {  	[dreg:$0x3] =	wrdreg $0x0  }
0xb0: {  	[dreg:$0x4] =	wrdreg $0x9  }
0xb1: {  	_ =	task.clear_ibuf [dreg:s6], $0x5FFFF;
	_ =	strace $0x90000049  }
0xb2: {  	s29 =	simm.s32 $0x9;
	_ =	strace $0x8000004B  }
0xb3: {  	_ =	swait.ge [sflag:s29], $0x1  }
0xb4: {  	[sflag:s29] =	ssyncadd.s32 $0xFFFFFFFF  }
0xb5: {  	_ =	strace $0x9000004B  }
0xb6: {  	_ =	sfence  }
0xb7: {  	s30 =	sld [smem:$0x0];
	_ =	sdelay $0x2  }
0xb8: {  	s31 =	sshll.u32 s1, $0xD;
	s1 =	sshrl.u32 s1, $0x2  }
0xb9: {  	s3 =	sand.u32 $0x4000, s31;
	s1 =	sadd.s32 s1, s30  }
0xba: {  	s0 =	sor.u32 s3, s0;
	s1 =	sshll.u32 s1, $0x11  }
0xbb: {  	s0 =	sor.u32 s1, s0  }
0xbc: {  	s0 =	sadd.s32 $0x8F2B, s0  }
0xbd: {  	[sflag:s0] =	ssyncadd.remote.s32 $0x1  }
0xbe: {  	_ =	sfence.sel $0xFFFF  }
0xbf: {  	[dreg:$0x0] =	wrdreg $0xFFFFFFFF;
	(pc) =	sbr.abs _section_cstart, $3  }
0xc0: {  	[dreg:$0x1] =	wrdreg $0xFFFFFFFF  }
0xc1: {  	_ =	task.clear_ibuf [dreg:s6], $0x2FFFF;
	_ =	strace $0x9FFFFFFF  }
0xc2: {  	(tm) =	ssettm $0x7FFFFFFF  }
0xc3: {  	_ =	shalt  }
tec
execute0_lowered:
.L_overlay_start_1:
0x0: {  	(tag) =	ssettag $0x1  }
0x1: {  	s0 =	rddreg [dreg:$0x0]  }
0x2: {  	s1 =	rddreg [dreg:$0x1]  }
0x3: {  	s2 =	srdreg.scid;
	s3 =	simm.s32 $0x0;
	s12 =	stileid.u32  }
0x4: {  	s28 =	simm.s32 $0x1D400;
	s29 =	simm.s32 $0x80;
	s30 =	simm.s32 $0x1  }
0x5: {  	s31 =	simm.s32 $0x1C080;
	s2 =	sand.u32 $0x1, s2;
	[smem:$0x7FF] =	sst s3  }
0x6: {  	s6 =	smul.u32 $0x50000, s12;
	s7 =	sadd.s32 $0xAD000, s0;
	s8 =	sadd.s32 $0xA3000, s0  }
0x7: {  	s13 =	smul.u32 $0x14000, s12;
	s4 =	sshll.u32 s2, $0x4;
	_ =	strace $0x8000004A  }
0x8: {  	s9 =	ssub.s32 $0x2, s2;
	s2 =	smul.u32 $0x140000, s2;
	s5 =	sor.u32 s12, s4  }
0x9: {  	s4 =	sadd.s32 $0x3000, s0;
	s0 =	sadd.s32 $0xB7000, s0;
	s10 =	sshrl.u32 s9, $0x1  }
0xa: {  	s6 =	sshrl.u32 s6, $0x2;
	s20 =	sadd.s32 $0x4000, s13;
	s23 =	sadd.s32 $0x8000, s13  }
0xb: {  	s25 =	sadd.s32 $0xC000, s13;
	s5 =	smul.u32 $0x2800, s5;
	s9 =	ssub.s32 s9, s10  }
0xc: {  	s19 =	sadd.s32 s2, s13;
	s21 =	sadd.s32 s2, s20;
	s24 =	sadd.s32 s2, s23  }
0xd: {  	s15 =	smax.u32 s9, $0x1;
	s22 =	sshrl.u32 s21, $0x3;
	s11 =	sshrl.u32 s5, $0x3  }
0xe: {  	s9 =	simm.s32 $0x4;
	[dreg:$0x7] =	wrdreg s15;
	s26 =	sadd.s32 s7, s11  }
0xf: {  	s5 =	sadd.s32 s6, s1;
	s10 =	sadd.s32 s8, s11;
	[dreg:$0x3] =	wrdreg s26  }
0x10: {  	s11 =	sadd.s32 $0x280, s11;
	s16 =	sadd.s32 $0x4000, s5;
	[dreg:$0x4] =	wrdreg s10  }
0x11: {  	s17 =	sadd.s32 $0x8000, s5;
	s18 =	sadd.s32 $0xC000, s5;
	[dreg:$0x8] =	wrdreg s16  }
0x12: {  	s14 =	sadd.s32 $0x10000, s5;
	s7 =	sadd.s32 s7, s11;
	[dreg:$0x9] =	wrdreg s17  }
0x13: {  	s6 =	sadd.s32 s8, s11;
	[dreg:$0xa] =	wrdreg s18;
	s16 =	sadd.s32 s20, s1  }
0x14: {  	s17 =	sadd.s32 s0, s22;
	s18 =	sadd.s32 s23, s1;
	s26 =	sadd.s32 s2, s25  }
0x15: {  	s20 =	sadd.s32 s25, s1;
	s25 =	simm.s32 $0x5;
	s8 =	simm.s32 $0x1D480  }
0x16: {  	s10 =	simm.s32 $0x0;
	[dreg:$0x5] =	wrdreg s7;
	s7 =	sshrl.u32 s19, $0x3  }
0x17: {  	[dreg:$0x6] =	wrdreg s6;
	s6 =	sadd.s32 $0x10000, s13;
	s15 =	sadd.s32 s0, s7  }
.Ltmp0:
0x18: {  	s7 =	sshrl.u32 s24, $0x3;
	s2 =	sadd.s32 s2, s6;
	(pc) =	sbr.rel .LBB2_1-.Ltmp0, $4  }
0x19: {  	s22 =	sadd.s32 s6, s1;
	s24 =	simm.s32 $0x14000;
	s6 =	simm.s32 $0x3  }
0x1a: {  	s19 =	sadd.s32 s0, s7;
	s7 =	sshrl.u32 s26, $0x3;
	s2 =	sshrl.u32 s2, $0x3  }
0x1b: {  	s26 =	simm.s32 $0x1C000;
	s21 =	sadd.s32 s0, s7;
	s23 =	sadd.s32 s0, s2  }
0x1c: {  	v0 =	vimm.f32 $0.0e+00;
	s0 =	simm.s32 $0x18000;
	s2 =	simm.s32 $0x2;
	s7 =	simm.s32 $0x1C100  }
.LBB2_9:
0x1d: {  	[spmem:s1] =	stream.indirect.scatter.add.f32 [tilespmem:s0], [sflag:$0x4], $0x80, s13, s29, $0xb8;
	[tilespmem:$0x1E800] =	vst v63  }
0x1e: {  	_ =	swait.ge [sflag:s9], $0x4000  }
0x1f: {  	[sflag:s9] =	ssyncset.done $0x0  }
0x20: {  	[sflag:s9] =	ssyncadd.s32 $0xFFFFC000  }
0x21: {  	[bflag:$0x0] =	sbarrier.arrive $0xFFFF  }
0x22: {  	[tilespmem:s24], [sflag:$0x5] =	stream.linear.gather [spmem:s5], $0x4000, $0x38;
	[tilespmem:$0x1E800] =	vst v63  }
0x23: {  	_ =	swait.ge [sflag:s25], $0x4000  }
0x24: {  	[sflag:s25] =	ssyncset.done $0x0  }
0x25: {  	[sflag:s25] =	ssyncadd.s32 $0xFFFFC000  }
0x26: {  	[hbm4b:s15+s3] =	stream.linear.scatter [tilespmem:s24], [sflag:$0x5], $0x4000, $0x38;
	[tilespmem:$0x1E800] =	vst v63  }
0x27: {  	_ =	swait.ge [sflag:s25], $0x4000  }
0x28: {  	[sflag:s25] =	ssyncset.done $0x0  }
0x29: {  	[sflag:s25] =	ssyncadd.s32 $0xFFFFC000  }
0x2a: {  	[tilespmem:s24], [sflag:$0x5] =	stream.linear.gather [spmem:s16], $0x4000, $0x38;
	[tilespmem:$0x1E800] =	vst v63  }
0x2b: {  	_ =	swait.ge [sflag:s25], $0x4000  }
0x2c: {  	[sflag:s25] =	ssyncset.done $0x0  }
0x2d: {  	[sflag:s25] =	ssyncadd.s32 $0xFFFFC000  }
0x2e: {  	[hbm4b:s17+s3] =	stream.linear.scatter [tilespmem:s24], [sflag:$0x5], $0x4000, $0x38;
	[tilespmem:$0x1E800] =	vst v63  }
0x2f: {  	_ =	swait.ge [sflag:s25], $0x4000  }
0x30: {  	[sflag:s25] =	ssyncset.done $0x0  }
0x31: {  	[sflag:s25] =	ssyncadd.s32 $0xFFFFC000  }
0x32: {  	[tilespmem:s24], [sflag:$0x5] =	stream.linear.gather [spmem:s18], $0x4000, $0x38;
	[tilespmem:$0x1E800] =	vst v63  }
0x33: {  	_ =	swait.ge [sflag:s25], $0x4000  }
0x34: {  	[sflag:s25] =	ssyncset.done $0x0  }
0x35: {  	[sflag:s25] =	ssyncadd.s32 $0xFFFFC000  }
0x36: {  	[hbm4b:s19+s3] =	stream.linear.scatter [tilespmem:s24], [sflag:$0x5], $0x4000, $0x38;
	[tilespmem:$0x1E800] =	vst v63  }
0x37: {  	_ =	swait.ge [sflag:s25], $0x4000  }
0x38: {  	[sflag:s25] =	ssyncset.done $0x0  }
0x39: {  	[sflag:s25] =	ssyncadd.s32 $0xFFFFC000  }
0x3a: {  	[tilespmem:s24], [sflag:$0x5] =	stream.linear.gather [spmem:s20], $0x4000, $0x38;
	[tilespmem:$0x1E800] =	vst v63  }
0x3b: {  	_ =	swait.ge [sflag:s25], $0x4000  }
0x3c: {  	[sflag:s25] =	ssyncset.done $0x0  }
0x3d: {  	[sflag:s25] =	ssyncadd.s32 $0xFFFFC000  }
0x3e: {  	[hbm4b:s21+s3] =	stream.linear.scatter [tilespmem:s24], [sflag:$0x5], $0x4000, $0x38;
	[tilespmem:$0x1E800] =	vst v63  }
0x3f: {  	_ =	swait.ge [sflag:s25], $0x4000  }
0x40: {  	[sflag:s25] =	ssyncset.done $0x0  }
0x41: {  	[sflag:s25] =	ssyncadd.s32 $0xFFFFC000  }
0x42: {  	[tilespmem:s24], [sflag:$0x5] =	stream.linear.gather [spmem:s22], $0x4000, $0x38;
	[tilespmem:$0x1E800] =	vst v63  }
0x43: {  	_ =	swait.ge [sflag:s25], $0x4000  }
0x44: {  	[sflag:s25] =	ssyncset.done $0x0  }
0x45: {  	[sflag:s25] =	ssyncadd.s32 $0xFFFFC000  }
0x46: {  	[hbm4b:s23+s3] =	stream.linear.scatter [tilespmem:s24], [sflag:$0x5], $0x4000, $0x38;
	[tilespmem:$0x1E800] =	vst v63  }
0x47: {  	_ =	swait.ge [sflag:s25], $0x4000  }
0x48: {  	s10 =	sadd.s32 $0x1, s10;
	s11 =	rddreg [dreg:$0x7]  }
0x49: {  	p0 =	sne.s32 s10, s11  }
.Ltmp1:
0x4a: {  	_ = 	snop;
	(pc) =	sbr.rel @!p0 .LBB2_10-.Ltmp1, $3  }
0x4b: {  	_ =	sdelay $0x1  }
0x4c: {  	[sflag:s25] =	ssyncset.done $0x0  }
0x4d: {  	[sflag:s25] =	ssyncadd.s32 $0xFFFFC000  }
.LBB2_1:
0x4e: {  	s11 =	simm.s32 $0x0;
	s12 =	simm.s32 $0x200  }
.LBB2_2:
0x4f: {  	p0 =	sne.s32 s12, $0xFE00;
	[tilespmem:s11+$0x14070] =	vst v0  }
0x50: {  	[tilespmem:s11+$0x14000] =	vst v0  }
0x51: {  	[tilespmem:s11+$0x14010] =	vst v0  }
.Ltmp2:
0x52: {  	[tilespmem:s11+$0x14020] =	vst v0;
	(pc) =	sbr.rel @p0 .LBB2_2-.Ltmp2, $4  }
0x53: {  	[tilespmem:s11+$0x14030] =	vst v0  }
0x54: {  	[tilespmem:s11+$0x14040] =	vst v0  }
0x55: {  	[tilespmem:s11+$0x14050] =	vst v0  }
0x56: {  	[tilespmem:s11+$0x14060] =	vst v0;
	s11 =	sshra.s32 s12, $0x2;
	s12 =	sadd.s32 $0x200, s12  }
0x57: {  	[tilespmem:s11+$0x14070] =	vst v0  }
0x58: {  	[tilespmem:s11+$0x14000] =	vst v0  }
0x59: {  	[tilespmem:s11+$0x14010] =	vst v0  }
0x5a: {  	[tilespmem:s11+$0x14020] =	vst v0  }
0x5b: {  	[tilespmem:s11+$0x14030] =	vst v0  }
0x5c: {  	[tilespmem:s11+$0x14040] =	vst v0  }
0x5d: {  	[tilespmem:s11+$0x14050] =	vst v0  }
0x5e: {  	[tilespmem:s11+$0x14060] =	vst v0  }
0x5f: {  	[spmem:s5] =	stream.linear.scatter [tilespmem:s24], [sflag:$0x5], $0x4000, $0x38;
	[tilespmem:$0x1E800] =	vst v63  }
0x60: {  	_ =	swait.ge [sflag:s25], $0x4000  }
0x61: {  	[sflag:s25] =	ssyncset.done $0x0  }
0x62: {  	s13 =	rddreg [dreg:$0x8];
	[sflag:s25] =	ssyncadd.s32 $0xFFFFC000  }
0x63: {  	[spmem:s13] =	stream.linear.scatter [tilespmem:s24], [sflag:$0x5], $0x4000, $0x38;
	[tilespmem:$0x1E800] =	vst v63  }
0x64: {  	_ =	swait.ge [sflag:s25], $0x4000  }
0x65: {  	[sflag:s25] =	ssyncset.done $0x0  }
0x66: {  	s12 =	rddreg [dreg:$0x9];
	[sflag:s25] =	ssyncadd.s32 $0xFFFFC000  }
0x67: {  	[spmem:s12] =	stream.linear.scatter [tilespmem:s24], [sflag:$0x5], $0x4000, $0x38;
	[tilespmem:$0x1E800] =	vst v63  }
0x68: {  	_ =	swait.ge [sflag:s25], $0x4000  }
0x69: {  	[sflag:s25] =	ssyncset.done $0x0  }
0x6a: {  	s13 =	rddreg [dreg:$0xa];
	[sflag:s25] =	ssyncadd.s32 $0xFFFFC000  }
0x6b: {  	[spmem:s13] =	stream.linear.scatter [tilespmem:s24], [sflag:$0x5], $0x4000, $0x38;
	[tilespmem:$0x1E800] =	vst v63  }
0x6c: {  	_ =	swait.ge [sflag:s25], $0x4000  }
0x6d: {  	[sflag:s25] =	ssyncset.done $0x0  }
0x6e: {  	[sflag:s25] =	ssyncadd.s32 $0xFFFFC000  }
0x6f: {  	[spmem:s14] =	stream.linear.scatter [tilespmem:s24], [sflag:$0x5], $0x4000, $0x38;
	[tilespmem:$0x1E800] =	vst v63  }
0x70: {  	_ =	swait.ge [sflag:s25], $0x4000  }
0x71: {  	[sflag:s25] =	ssyncset.done $0x0  }
0x72: {  	[sflag:s25] =	ssyncadd.s32 $0xFFFFC000  }
0x73: {  	[bflag:$0x0] =	sbarrier.arrive $0xFFFF  }
0x74: {  	s12 =	rddreg [dreg:$0x3]  }
0x75: {  	[tilespmem:s26], [sflag:$0x5] =	stream.linear.gather [hbm4b:s12+s3], $0x1400, $0x38;
	[tilespmem:$0x1E800] =	vst v63  }
0x76: {  	_ =	swait.ge [sflag:s25], $0x1400  }
0x77: {  	[sflag:s25] =	ssyncset.done $0x0  }
0x78: {  	s13 =	rddreg [dreg:$0x4];
	[sflag:s25] =	ssyncadd.s32 $0xFFFFEC00  }
0x79: {  	[tilespmem:s28], [sflag:$0x5] =	stream.linear.gather [hbm4b:s13+s3], $0x1400, $0x38;
	[tilespmem:$0x1E800] =	vst v63  }
0x7a: {  	_ =	swait.ge [sflag:s25], $0x1400  }
0x7b: {  	[sflag:s25] =	ssyncset.done $0x0  }
0x7c: {  	[sflag:s25] =	ssyncadd.s32 $0xFFFFEC00  }
0x7d: {  	[tilespmem:s24], [sflag:$0x1] =	stream.indirect.gather [hbm4b:s4+s29], $0x80, s26, s29, $0xb8;
	[tilespmem:$0x1E800] =	vst v63  }
0x7e: {  	_ =	swait.ge [sflag:s30], $0x4000  }
0x7f: {  	[sflag:s30] =	ssyncset.done $0x0  }
0x80: {  	[sflag:s30] =	ssyncadd.s32 $0xFFFFC000  }
0x81: {  	[tilespmem:s0], [sflag:$0x2] =	stream.indirect.gather [hbm4b:s4+s29], $0x80, s31, s29, $0xb8;
	[tilespmem:$0x1E800] =	vst v63  }
0x82: {  	_ = 	snop  }
0x83: {  	[spmem:s1] =	stream.indirect.scatter.add.f32 [tilespmem:s24], [sflag:$0x3], $0x80, s28, s29, $0xb8;
	[tilespmem:$0x1E800] =	vst v63  }
0x84: {  	_ =	swait.ge [sflag:s2], $0x4000  }
0x85: {  	[sflag:s2] =	ssyncset.done $0x0  }
0x86: {  	[sflag:s2] =	ssyncadd.s32 $0xFFFFC000  }
0x87: {  	_ =	swait.ge [sflag:s6], $0x4000  }
0x88: {  	[sflag:s6] =	ssyncset.done $0x0  }
0x89: {  	[sflag:s6] =	ssyncadd.s32 $0xFFFFC000  }
0x8a: {  	[tilespmem:s24], [sflag:$0x1] =	stream.indirect.gather [hbm4b:s4+s29], $0x80, s7, s29, $0xb8;
	[tilespmem:$0x1E800] =	vst v63  }
0x8b: {  	s11 =	simm.s32 $0xFFFFB800  }
0x8c: {  	[spmem:s1] =	stream.indirect.scatter.add.f32 [tilespmem:s0], [sflag:$0x4], $0x80, s8, s29, $0xb8;
	[tilespmem:$0x1E800] =	vst v63  }
.LBB2_4:
0x8d: {  	_ =	swait.ge [sflag:s9], $0x4000  }
0x8e: {  	[sflag:s9] =	ssyncset.done $0x0  }
0x8f: {  	[sflag:s9] =	ssyncadd.s32 $0xFFFFC000  }
0x90: {  	_ =	swait.ge [sflag:s30], $0x4000  }
0x91: {  	s12 =	sshra.s32 s11, $0x2;
	[sflag:s30] =	ssyncset.done $0x0  }
0x92: {  	s13 =	sadd.s32 $0x1D380, s12;
	[sflag:s30] =	ssyncadd.s32 $0xFFFFC000  }
0x93: {  	[tilespmem:s0], [sflag:$0x2] =	stream.indirect.gather [hbm4b:s4+s29], $0x80, s13, s29, $0xb8;
	[tilespmem:$0x1E800] =	vst v63  }
0x94: {  	s13 =	sadd.s32 $0x1E700, s12  }
0x95: {  	[spmem:s1] =	stream.indirect.scatter.add.f32 [tilespmem:s24], [sflag:$0x3], $0x80, s13, s29, $0xb8;
	[tilespmem:$0x1E800] =	vst v63  }
0x96: {  	p0 =	seq.s32 s11, $0x0;
	_ =	swait.ge [sflag:s2], $0x4000  }
.Ltmp3:
0x97: {  	[sflag:s2] =	ssyncset.done $0x0;
	(pc) =	sbr.rel @p0 .LBB2_6-.Ltmp3, $4  }
0x98: {  	[sflag:s2] =	ssyncadd.s32 $0xFFFFC000  }
0x99: {  	_ =	swait.ge [sflag:s6], $0x4000  }
0x9a: {  	[sflag:s6] =	ssyncset.done $0x0  }
0x9b: {  	s13 =	sadd.s32 $0x1E780, s12;
	[sflag:s6] =	ssyncadd.s32 $0xFFFFC000  }
.Ltmp4:
0x9c: {  	(pc) =	sbr.rel .LBB2_4-.Ltmp4, $4  }
0x9d: {  	s12 =	sadd.s32 $0x1D400, s12  }
0x9e: {  	[tilespmem:s24], [sflag:$0x1] =	stream.indirect.gather [hbm4b:s4+s29], $0x80, s12, s29, $0xb8;
	[tilespmem:$0x1E800] =	vst v63  }
0x9f: {  	s11 =	sadd.s32 $0x400, s11  }
0xa0: {  	[spmem:s1] =	stream.indirect.scatter.add.f32 [tilespmem:s0], [sflag:$0x4], $0x80, s13, s29, $0xb8;
	[tilespmem:$0x1E800] =	vst v63  }
.LBB2_6:
0xa1: {  	[spmem:s1] =	stream.indirect.scatter.add.f32 [tilespmem:s0], [sflag:$0x4], $0x80, s13, s29, $0xb8;
	[tilespmem:$0x1E800] =	vst v63  }
0xa2: {  	_ =	swait.ge [sflag:s9], $0x4000  }
0xa3: {  	[sflag:s9] =	ssyncset.done $0x0  }
0xa4: {  	s11 =	rddreg [dreg:$0x5];
	[sflag:s9] =	ssyncadd.s32 $0xFFFFC000  }
0xa5: {  	[tilespmem:s26], [sflag:$0x5] =	stream.linear.gather [hbm4b:s11+s3], $0x1400, $0x38;
	[tilespmem:$0x1E800] =	vst v63  }
0xa6: {  	_ =	swait.ge [sflag:s25], $0x1400  }
0xa7: {  	[sflag:s25] =	ssyncset.done $0x0  }
0xa8: {  	s13 =	rddreg [dreg:$0x6];
	[sflag:s25] =	ssyncadd.s32 $0xFFFFEC00  }
0xa9: {  	[tilespmem:s28], [sflag:$0x5] =	stream.linear.gather [hbm4b:s13+s3], $0x1400, $0x38;
	[tilespmem:$0x1E800] =	vst v63  }
0xaa: {  	_ =	swait.ge [sflag:s25], $0x1400  }
0xab: {  	[sflag:s25] =	ssyncset.done $0x0  }
0xac: {  	[sflag:s25] =	ssyncadd.s32 $0xFFFFEC00  }
0xad: {  	[tilespmem:s24], [sflag:$0x1] =	stream.indirect.gather [hbm4b:s4+s29], $0x80, s26, s29, $0xb8;
	[tilespmem:$0x1E800] =	vst v63  }
0xae: {  	_ =	swait.ge [sflag:s30], $0x4000  }
0xaf: {  	[sflag:s30] =	ssyncset.done $0x0  }
0xb0: {  	[sflag:s30] =	ssyncadd.s32 $0xFFFFC000  }
0xb1: {  	[tilespmem:s0], [sflag:$0x2] =	stream.indirect.gather [hbm4b:s4+s29], $0x80, s31, s29, $0xb8;
	[tilespmem:$0x1E800] =	vst v63  }
0xb2: {  	_ = 	snop  }
0xb3: {  	[spmem:s1] =	stream.indirect.scatter.add.f32 [tilespmem:s24], [sflag:$0x3], $0x80, s28, s29, $0xb8;
	[tilespmem:$0x1E800] =	vst v63  }
0xb4: {  	_ =	swait.ge [sflag:s2], $0x4000  }
0xb5: {  	[sflag:s2] =	ssyncset.done $0x0  }
0xb6: {  	[sflag:s2] =	ssyncadd.s32 $0xFFFFC000  }
0xb7: {  	_ =	swait.ge [sflag:s6], $0x4000  }
0xb8: {  	[sflag:s6] =	ssyncset.done $0x0  }
0xb9: {  	[sflag:s6] =	ssyncadd.s32 $0xFFFFC000  }
0xba: {  	[tilespmem:s24], [sflag:$0x1] =	stream.indirect.gather [hbm4b:s4+s29], $0x80, s7, s29, $0xb8;
	[tilespmem:$0x1E800] =	vst v63  }
0xbb: {  	s11 =	simm.s32 $0xFFFFB800  }
0xbc: {  	[spmem:s1] =	stream.indirect.scatter.add.f32 [tilespmem:s0], [sflag:$0x4], $0x80, s8, s29, $0xb8;
	[tilespmem:$0x1E800] =	vst v63  }
.LBB2_7:
0xbd: {  	_ =	swait.ge [sflag:s9], $0x4000  }
0xbe: {  	[sflag:s9] =	ssyncset.done $0x0  }
0xbf: {  	[sflag:s9] =	ssyncadd.s32 $0xFFFFC000  }
0xc0: {  	_ =	swait.ge [sflag:s30], $0x4000  }
0xc1: {  	s12 =	sshra.s32 s11, $0x2;
	[sflag:s30] =	ssyncset.done $0x0  }
0xc2: {  	s13 =	sadd.s32 $0x1D380, s12;
	[sflag:s30] =	ssyncadd.s32 $0xFFFFC000  }
0xc3: {  	[tilespmem:s0], [sflag:$0x2] =	stream.indirect.gather [hbm4b:s4+s29], $0x80, s13, s29, $0xb8;
	[tilespmem:$0x1E800] =	vst v63  }
0xc4: {  	s13 =	sadd.s32 $0x1E700, s12  }
0xc5: {  	[spmem:s1] =	stream.indirect.scatter.add.f32 [tilespmem:s24], [sflag:$0x3], $0x80, s13, s29, $0xb8;
	[tilespmem:$0x1E800] =	vst v63  }
0xc6: {  	p0 =	seq.s32 s11, $0x0;
	_ =	swait.ge [sflag:s2], $0x4000  }
.Ltmp5:
0xc7: {  	[sflag:s2] =	ssyncset.done $0x0;
	(pc) =	sbr.rel @p0 .LBB2_9-.Ltmp5, $4  }
0xc8: {  	[sflag:s2] =	ssyncadd.s32 $0xFFFFC000  }
0xc9: {  	_ =	swait.ge [sflag:s6], $0x4000  }
0xca: {  	[sflag:s6] =	ssyncset.done $0x0  }
0xcb: {  	s13 =	sadd.s32 $0x1E780, s12;
	[sflag:s6] =	ssyncadd.s32 $0xFFFFC000  }
.Ltmp6:
0xcc: {  	(pc) =	sbr.rel .LBB2_7-.Ltmp6, $4  }
0xcd: {  	s12 =	sadd.s32 $0x1D400, s12  }
0xce: {  	[tilespmem:s24], [sflag:$0x1] =	stream.indirect.gather [hbm4b:s4+s29], $0x80, s12, s29, $0xb8;
	[tilespmem:$0x1E800] =	vst v63  }
0xcf: {  	s11 =	sadd.s32 $0x400, s11  }
0xd0: {  	[spmem:s1] =	stream.indirect.scatter.add.f32 [tilespmem:s0], [sflag:$0x4], $0x80, s13, s29, $0xb8;
	[tilespmem:$0x1E800] =	vst v63  }
.LBB2_10:
0xd1: {  	_ =	sfence.sel $0x180000  }
0xd2: {  	[bflag:$0x0] =	sbarrier.arrive $0xFFFF  }
0xd3: {  	_ =	strace $0x9000004A  }
0xd4: {  	s0 =	stileid.u32;
	[bflag:$0x2] =	sbarrier.arrive $0xFFFF  }
0xd5: {  	p0 =	sne.s32 s0, $0x0;
	s0 =	rddreg [dreg:$0x2]  }
0xd6: {  	s0 =	sadd.s32 @!p0 $0x100000, s0  }
0xd7: {  	[sflag:s0] =	ssyncadd.tile.s32 @!p0 $0x1;
	_ =	shalt  }
.Lfunc_end2:
_tile_overlayer_lowered:
.L_overlay_start_2:
0xd8: {  	(tag) =	ssettag $0x2  }
0xd9: {  	s0 =	rddreg [dreg:$0x0];
	s2 =	stileid.u32  }
0xda: {  	s1 =	rddreg [dreg:$0x1];
	p0 =	sne.s32 s2, $0x0  }
0xdb: {  	s3 =	rddreg [dreg:$0x2];
	[bflag:$0x3] =	sbarrier.arrive $0xFFFF;
	s2 =	simm.s32 @!p0 $0x1C05  }
0xdc: {  	[timem:s3], [sflag:s2] =	dma.local @!p0 [hbm:s0], s1  }
0xdd: {  	s0 =	simm.s32 @!p0 $0x5  }
0xde: {  	_ =	swait.ge @!p0 [sflag:s0], s1  }
0xdf: {  	s1 =	ssub.s32 @!p0 $0x0, s1;
	[sflag:s0] =	ssyncset.done @!p0 $0x0  }
0xe0: {  	[sflag:s0] =	ssyncadd.s32 @!p0 s1  }
0xe1: {  	[bflag:$0x3] =	sbarrier.arrive $0xFFFF  }
0xe2: {  	_ =	shalt  }

// kernel: kernel.14.cloned.1.call-start
scs
__scs_entry_jumppad:
0x0: {  	(pc) =	sbr.rel $0x88, $3  }
0x1: {  	(tag) =	ssettag $0x0;
	lr =	simm.s32 $0x1  }
0x2: {  	[smem:$0x3F95] =	sst lr;
	_ =	strace $0xD0000000  }
0x3: {  	_ = 	snop  }
0x4: {  	_ = 	snop  }
0x5: {  	_ = 	snop  }
0x6: {  	_ = 	snop  }
0x7: {  	_ = 	snop  }
__scs_overlays_trampoline_lowered:
0x8: {  	[smem:$0x3FA4] =	sst s0  }
0x9: {  	[smem:$0x3FA5] =	sst s1  }
0xa: {  	[smem:$0x3FA6] =	sst s2  }
0xb: {  	[smem:$0x3FA7] =	sst s3  }
0xc: {  	[smem:$0x3FA8] =	sst s4  }
0xd: {  	[smem:$0x3FA9] =	sst s5  }
0xe: {  	[smem:$0x3FAA] =	sst s6  }
0xf: {  	[smem:$0x3FAB] =	sst s7  }
0x10: {  	[smem:$0x3FAC] =	sst s8  }
0x11: {  	[smem:$0x3FAD] =	sst s9;
	s0 =	simm.s32 @!p0 $0x0  }
0x12: {  	s1 =	sld [smem:$0x3F93];
	s0 =	simm.s32 @p0 $0x1  }
0x13: {  	[smem:$0x3FAE] =	sst s0;
	s0 =	simm.s32 @!p1 $0x0  }
0x14: {  	s2 =	sld [smem:$0x3F92];
	s0 =	simm.s32 @p1 $0x1  }
0x15: {  	[smem:$0x3FAF] =	sst s0;
	s0 =	simm.s32 @!p2 $0x0  }
0x16: {  	s3 =	sld [smem:$0x3FDB];
	s0 =	simm.s32 @p2 $0x1  }
0x17: {  	s4 =	simm.s32 $0x1BF5;
	[smem:$0x3FB1] =	sst s0  }
0x18: {  	s0 =	sld [smem:$0x3F94];
	_ =	swait.ge [sflag:s4], $0x0  }
0x19: {  	s7 =	sld [smem:$0x3F95]  }
0x1a: {  	s8 =	sadd.s32 $0xFFFFE003, lr  }
0x1b: {  	s9 =	sadd.s32 $0xFFFFFEF7, lr;
	s5 =	simm.s32 $0xFFFFFFFF;
	p2 =	slt.u32 s8, $0xFFFFF086  }
0x1c: {  	p1 =	slt.u32 s9, $0xF7A;
	s5 =	simm.s32 @!p2 $0x0  }
0x1d: {  	s5 =	simm.s32 @p1 $0x1;
	p0 =	seq.s32 s7, s2  }
0x1e: {  	s7 =	smul.u32 @!p0 $0xF7A, s2;
	p2 =	seq.s32 @!p0 s5, $0x0  }
0x1f: {  	s9 =	smul.u32 $0xF7A, s1;
	s8 =	simm.s32 @!p0 $0x1BF5;
	p2 =	por !p2, p0  }
0x20: {  	[sflag:s8] =	ssyncset.s32 @!p0 $0xFFFFF086;
	s6 =	sadd.s32 @!p0 s3, s7;
	s7 =	simm.s32 @!p0 $0x108  }
0x21: {  	s3 =	sadd.s32 s3, s9;
	s6 =	sadd.s32 @!p0 $0x88, s6;
	s7 =	simm.s32 @p2 $0x1082  }
0x22: {  	[simem:s7], [sflag:s8] =	dma.local @!p0 [hbm:s6], $0xF7A  }
0x23: {  	s9 =	sor.u32 $0xD0000000, s2;
	s6 =	simm.s32 $0x108;
	_ =	swait.ge @!p0 [sflag:s8], $0x0  }
0x24: {  	s3 =	sadd.s32 $0x88, s3;
	s6 =	simm.s32 @!p1 $0x1082;
	[sflag:s4] =	ssyncset.s32 $0xFFFFF086  }
0x25: {  	[simem:s6], [sflag:s4] =	dma.local [hbm:s3], $0xF7A  }
0x26: {  	[smem:$0x3F95] =	sst s1;
	(tag) =	ssettag s2;
	_ =	strace s9  }
0x27: {  	s1 =	sld [smem:$0x3FA5]  }
0x28: {  	s2 =	sld [smem:$0x3FA6]  }
0x29: {  	s4 =	sld [smem:$0x3FA8]  }
0x2a: {  	p0 =	seq.s32 s5, $0x0;
	s5 =	sld [smem:$0x3FA9]  }
0x2b: {  	s6 =	sld [smem:$0x3FAA]  }
0x2c: {  	s7 =	sld [smem:$0x3FAB]  }
0x2d: {  	s3 =	simm.s32 $0x108;
	s8 =	sld [smem:$0x3FAC]  }
0x2e: {  	s3 =	simm.s32 @!p0 $0x1082;
	s9 =	sld [smem:$0x3FAD]  }
0x2f: {  	lr =	sadd.s32 s0, s3;
	s0 =	sld [smem:$0x3FA4]  }
0x30: {  	s3 =	sld [smem:$0x3FA7]  }
0x31: {  	[smem:$0x3FB0] =	sst s10  }
0x32: {  	s10 =	sld [smem:$0x3FAE];
	_ =	sdelay $0x3  }
0x33: {  	p0 =	seq.s32 s10, $0x1;
	s10 =	sld [smem:$0x3FB0];
	_ =	sdelay $0x3  }
0x34: {  	[smem:$0x3FB0] =	sst s10  }
0x35: {  	s10 =	sld [smem:$0x3FAF];
	_ =	sdelay $0x3  }
0x36: {  	p1 =	seq.s32 s10, $0x1;
	s10 =	sld [smem:$0x3FB0];
	_ =	sdelay $0x3  }
0x37: {  	[smem:$0x3FB0] =	sst s10  }
0x38: {  	s10 =	sld [smem:$0x3FB1]  }
0x39: {  	_ = 	snop;
	(pc) =	sbr.ind lr, $3  }
0x3a: {  	_ = 	snop  }
0x3b: {  	_ = 	snop  }
0x3c: {  	p2 =	seq.s32 s10, $0x1;
	s10 =	sld [smem:$0x3FB0]  }
0x3d: {  	_ =	shalt  }
0x3e: {  	_ =	shalt  }
0x3f: {  	_ =	shalt  }
0x40: {  	_ =	shalt  }
0x41: {  	_ =	shalt  }
0x42: {  	_ =	shalt  }
0x43: {  	_ =	shalt  }
0x44: {  	_ =	shalt  }
0x45: {  	_ =	shalt  }
0x46: {  	_ =	shalt  }
0x47: {  	_ =	shalt  }
0x48: {  	_ =	shalt  }
0x49: {  	_ =	shalt  }
0x4a: {  	_ =	shalt  }
0x4b: {  	_ =	shalt  }
0x4c: {  	_ =	shalt  }
0x4d: {  	_ =	shalt  }
0x4e: {  	_ =	shalt  }
0x4f: {  	_ =	shalt  }
0x50: {  	_ =	shalt  }
0x51: {  	_ =	shalt  }
0x52: {  	_ =	shalt  }
0x53: {  	_ =	shalt  }
0x54: {  	_ =	shalt  }
0x55: {  	_ =	shalt  }
0x56: {  	_ =	shalt  }
0x57: {  	_ =	shalt  }
0x58: {  	_ =	shalt  }
0x59: {  	_ =	shalt  }
0x5a: {  	_ =	shalt  }
0x5b: {  	_ =	shalt  }
0x5c: {  	_ =	shalt  }
0x5d: {  	_ =	shalt  }
0x5e: {  	_ =	shalt  }
0x5f: {  	_ =	shalt  }
0x60: {  	_ =	shalt  }
0x61: {  	_ =	shalt  }
0x62: {  	_ =	shalt  }
0x63: {  	_ =	shalt  }
0x64: {  	_ =	shalt  }
0x65: {  	_ =	shalt  }
0x66: {  	_ =	shalt  }
0x67: {  	_ =	shalt  }
0x68: {  	_ =	shalt  }
0x69: {  	_ =	shalt  }
0x6a: {  	_ =	shalt  }
0x6b: {  	_ =	shalt  }
0x6c: {  	_ =	shalt  }
0x6d: {  	_ =	shalt  }
0x6e: {  	_ =	shalt  }
0x6f: {  	_ =	shalt  }
0x70: {  	_ =	shalt  }
0x71: {  	_ =	shalt  }
0x72: {  	_ =	shalt  }
0x73: {  	_ =	shalt  }
0x74: {  	_ =	shalt  }
0x75: {  	_ =	shalt  }
0x76: {  	_ =	shalt  }
0x77: {  	_ =	shalt  }
0x78: {  	_ =	shalt  }
0x79: {  	_ =	shalt  }
0x7a: {  	_ =	shalt  }
0x7b: {  	_ =	shalt  }
0x7c: {  	_ =	shalt  }
0x7d: {  	_ =	shalt  }
0x7e: {  	_ =	shalt  }
0x7f: {  	_ =	shalt  }
0x80: {  	_ =	shalt  }
0x81: {  	_ =	shalt  }
0x82: {  	_ =	shalt  }
0x83: {  	_ =	shalt  }
0x84: {  	_ =	shalt  }
0x85: {  	_ =	shalt  }
0x86: {  	_ =	shalt  }
0x87: {  	_ =	shalt  }
.Lfunc_end0:
.L_simem_size_0:
called_computation.2_lowered:
.L_overlay_start_0:
0x88: {  	s2 =	sld [smem:$0x3FD9]  }
0x89: {  	s3 =	sld [smem:$0x3FFE];
	_ =	sdelay $0x1  }
0x8a: {  	s1 =	srdreg.scid  }
0x8b: {  	s0 =	sand.u32 $0x1, s1  }
0x8c: {  	s16 =	sshll.u32 s0, $0xA;
	s2 =	sadd.s32 s3, s2  }
0x8d: {  	s2 =	sadd.s32 s2, s16  }
0x8e: {  	[smem:$0x3FBC] =	sst s2  }
0x8f: {  	_ = 	snop  }
0x90: {  	(tm) =	ssettm $0x1  }
0x91: {  	s17 =	sld [smem:$0x3FFB];
	_ =	sdelay $0x3  }
0x92: {  	_ =	strace s17  }
0x93: {  	s2 =	sld [smem:$0x3FFC];
	_ =	sdelay $0x3  }
0x94: {  	_ =	strace s2  }
0x95: {  	s2 =	sld [smem:$0x3FFD];
	_ =	sdelay $0x3  }
0x96: {  	_ =	strace s2  }
0x97: {  	_ =	strace $0x8FFFFFFF  }
0x98: {  	s18 =	sld [smem:$0x3FDB];
	_ =	sdelay $0x1  }
0x99: {  	s19 =	simm.s32 $_scs_section_size  }
0x9a: {  	s4 =	simm.s32 $_size__tile_overlayer_lowered;
	s5 =	simm.s32 $_tile_overlayer_lowered  }
0x9b: {  	s22 =	simm.s32 $0x1BFF;
	s21 =	sshll.u32 s5, $0x1;
	s2 =	sadd.s32 s19, s18  }
0x9c: {  	s6 =	simm.s32 $0x0;
	s20 =	sshll.u32 s4, $0x1;
	s4 =	sadd.s32 s21, s2  }
0x9d: {  	[timem:s6], [sflag:s22] =	dma.local [hbm:s4], s20  }
0x9e: {  	_ =	swait.ge [sflag:s22], s20  }
0x9f: {  	s3 =	ssub.s32 $0x0, s20;
	[sflag:s22] =	ssyncset.done $0x0  }
0xa0: {  	[sflag:s22] =	ssyncadd.s32 s3;
	_ =	sdelay $0x1  }
0xa1: {  	s23 =	simm.s32 $0x1B8B  }
0xa2: {  	_ =	swait.ge [sflag:s23], $0x1  }
0xa3: {  	[sflag:s23] =	ssyncset.done $0x0  }
0xa4: {  	s25 =	simm.s32 $0x1B8E;
	s24 =	sld [smem:$0x3FFE];
	[sflag:s23] =	ssyncadd.s32 $0xFFFFFFFF  }
0xa5: {  	s26 =	simm.s32 $execute0_lowered;
	[smem:$0x3FD2] =	sst s25  }
0xa6: {  	s4 =	sshll.u32 s26, $0x1;
	_ =	strace $0x8000004C;
	[dreg:$0x1] =	wrdreg $0xFFFFFFFF  }
0xa7: {  	s28 =	simm.s32 $_size_execute0_lowered;
	s2 =	sadd.s32 s2, s4;
	[dreg:$0x0] =	wrdreg $0x0  }
0xa8: {  	s4 =	sshll.u32 s28, $0x1;
	[dreg:$0x2] =	wrdreg s2  }
0xa9: {  	[dreg:$0x3] =	wrdreg s4  }
0xaa: {  	[dreg:$0x4] =	wrdreg $0xC0  }
0xab: {  	_ =	task [dreg:s6], $0x5FFFF  }
0xac: {  	[dreg:$0x1] =	wrdreg $0xFFFFFFFF  }
0xad: {  	[dreg:$0x0] =	wrdreg $0x60  }
0xae: {  	[dreg:$0x2] =	wrdreg s24  }
0xaf: {  	[dreg:$0x3] =	wrdreg $0x0  }
0xb0: {  	[dreg:$0x4] =	wrdreg $0x9  }
0xb1: {  	_ =	task.clear_ibuf [dreg:s6], $0x5FFFF;
	_ =	strace $0x9000004C  }
0xb2: {  	s29 =	simm.s32 $0x9;
	_ =	strace $0x8000004E  }
0xb3: {  	_ =	swait.ge [sflag:s29], $0x1  }
0xb4: {  	[sflag:s29] =	ssyncadd.s32 $0xFFFFFFFF  }
0xb5: {  	_ =	strace $0x9000004E  }
0xb6: {  	_ =	sfence  }
0xb7: {  	s30 =	sld [smem:$0x0];
	_ =	sdelay $0x2  }
0xb8: {  	s31 =	sshll.u32 s1, $0xD;
	s1 =	sshrl.u32 s1, $0x2  }
0xb9: {  	s3 =	sand.u32 $0x4000, s31;
	s1 =	sadd.s32 s1, s30  }
0xba: {  	s0 =	sor.u32 s3, s0;
	s1 =	sshll.u32 s1, $0x11  }
0xbb: {  	s0 =	sor.u32 s1, s0  }
0xbc: {  	s0 =	sadd.s32 $0x8F2B, s0  }
0xbd: {  	[sflag:s0] =	ssyncadd.remote.s32 $0x1  }
0xbe: {  	_ =	sfence.sel $0xFFFF  }
0xbf: {  	[dreg:$0x0] =	wrdreg $0xFFFFFFFF;
	(pc) =	sbr.abs _section_cstart, $3  }
0xc0: {  	[dreg:$0x1] =	wrdreg $0xFFFFFFFF  }
0xc1: {  	_ =	task.clear_ibuf [dreg:s6], $0x2FFFF;
	_ =	strace $0x9FFFFFFF  }
0xc2: {  	(tm) =	ssettm $0x7FFFFFFF  }
0xc3: {  	_ =	shalt  }
tec
execute0_lowered:
.L_overlay_start_1:
0x0: {  	(tag) =	ssettag $0x1  }
0x1: {  	s0 =	rddreg [dreg:$0x0]  }
0x2: {  	s1 =	rddreg [dreg:$0x1]  }
0x3: {  	s2 =	srdreg.scid;
	s3 =	simm.s32 $0x0;
	s12 =	stileid.u32  }
0x4: {  	s28 =	simm.s32 $0x1D400;
	s29 =	simm.s32 $0x80;
	s30 =	simm.s32 $0x1  }
0x5: {  	s31 =	simm.s32 $0x1C080;
	s2 =	sand.u32 $0x1, s2;
	[smem:$0x7FF] =	sst s3  }
0x6: {  	s6 =	smul.u32 $0x50000, s12;
	s7 =	sadd.s32 $0xAD000, s0;
	s8 =	sadd.s32 $0xA3000, s0  }
0x7: {  	s13 =	smul.u32 $0x14000, s12;
	s4 =	sshll.u32 s2, $0x4;
	_ =	strace $0x8000004D  }
0x8: {  	s9 =	ssub.s32 $0x2, s2;
	s2 =	smul.u32 $0x140000, s2;
	s5 =	sor.u32 s12, s4  }
0x9: {  	s4 =	sadd.s32 $0x3000, s0;
	s0 =	sadd.s32 $0x53000, s0;
	s10 =	sshrl.u32 s9, $0x1  }
0xa: {  	s6 =	sshrl.u32 s6, $0x2;
	s20 =	sadd.s32 $0x4000, s13;
	s23 =	sadd.s32 $0x8000, s13  }
0xb: {  	s25 =	sadd.s32 $0xC000, s13;
	s5 =	smul.u32 $0x2800, s5;
	s9 =	ssub.s32 s9, s10  }
0xc: {  	s19 =	sadd.s32 s2, s13;
	s21 =	sadd.s32 s2, s20;
	s24 =	sadd.s32 s2, s23  }
0xd: {  	s15 =	smax.u32 s9, $0x1;
	s22 =	sshrl.u32 s21, $0x3;
	s11 =	sshrl.u32 s5, $0x3  }
0xe: {  	s9 =	simm.s32 $0x4;
	[dreg:$0x7] =	wrdreg s15;
	s26 =	sadd.s32 s7, s11  }
0xf: {  	s5 =	sadd.s32 s6, s1;
	s10 =	sadd.s32 s8, s11;
	[dreg:$0x3] =	wrdreg s26  }
0x10: {  	s11 =	sadd.s32 $0x280, s11;
	s16 =	sadd.s32 $0x4000, s5;
	[dreg:$0x4] =	wrdreg s10  }
0x11: {  	s17 =	sadd.s32 $0x8000, s5;
	s18 =	sadd.s32 $0xC000, s5;
	[dreg:$0x8] =	wrdreg s16  }
0x12: {  	s14 =	sadd.s32 $0x10000, s5;
	s7 =	sadd.s32 s7, s11;
	[dreg:$0x9] =	wrdreg s17  }
0x13: {  	s6 =	sadd.s32 s8, s11;
	[dreg:$0xa] =	wrdreg s18;
	s16 =	sadd.s32 s20, s1  }
0x14: {  	s17 =	sadd.s32 s0, s22;
	s18 =	sadd.s32 s23, s1;
	s26 =	sadd.s32 s2, s25  }
0x15: {  	s20 =	sadd.s32 s25, s1;
	s25 =	simm.s32 $0x5;
	s8 =	simm.s32 $0x1D480  }
0x16: {  	s10 =	simm.s32 $0x0;
	[dreg:$0x5] =	wrdreg s7;
	s7 =	sshrl.u32 s19, $0x3  }
0x17: {  	[dreg:$0x6] =	wrdreg s6;
	s6 =	sadd.s32 $0x10000, s13;
	s15 =	sadd.s32 s0, s7  }
.Ltmp0:
0x18: {  	s7 =	sshrl.u32 s24, $0x3;
	s2 =	sadd.s32 s2, s6;
	(pc) =	sbr.rel .LBB2_1-.Ltmp0, $4  }
0x19: {  	s22 =	sadd.s32 s6, s1;
	s24 =	simm.s32 $0x14000;
	s6 =	simm.s32 $0x3  }
0x1a: {  	s19 =	sadd.s32 s0, s7;
	s7 =	sshrl.u32 s26, $0x3;
	s2 =	sshrl.u32 s2, $0x3  }
0x1b: {  	s26 =	simm.s32 $0x1C000;
	s21 =	sadd.s32 s0, s7;
	s23 =	sadd.s32 s0, s2  }
0x1c: {  	v0 =	vimm.f32 $0.0e+00;
	s0 =	simm.s32 $0x18000;
	s2 =	simm.s32 $0x2;
	s7 =	simm.s32 $0x1C100  }
.LBB2_9:
0x1d: {  	[spmem:s1] =	stream.indirect.scatter.add.f32 [tilespmem:s0], [sflag:$0x4], $0x80, s13, s29, $0xb8;
	[tilespmem:$0x1E800] =	vst v63  }
0x1e: {  	_ =	swait.ge [sflag:s9], $0x4000  }
0x1f: {  	[sflag:s9] =	ssyncset.done $0x0  }
0x20: {  	[sflag:s9] =	ssyncadd.s32 $0xFFFFC000  }
0x21: {  	[bflag:$0x0] =	sbarrier.arrive $0xFFFF  }
0x22: {  	[tilespmem:s24], [sflag:$0x5] =	stream.linear.gather [spmem:s5], $0x4000, $0x38;
	[tilespmem:$0x1E800] =	vst v63  }
0x23: {  	_ =	swait.ge [sflag:s25], $0x4000  }
0x24: {  	[sflag:s25] =	ssyncset.done $0x0  }
0x25: {  	[sflag:s25] =	ssyncadd.s32 $0xFFFFC000  }
0x26: {  	[hbm4b:s15+s3] =	stream.linear.scatter [tilespmem:s24], [sflag:$0x5], $0x4000, $0x38;
	[tilespmem:$0x1E800] =	vst v63  }
0x27: {  	_ =	swait.ge [sflag:s25], $0x4000  }
0x28: {  	[sflag:s25] =	ssyncset.done $0x0  }
0x29: {  	[sflag:s25] =	ssyncadd.s32 $0xFFFFC000  }
0x2a: {  	[tilespmem:s24], [sflag:$0x5] =	stream.linear.gather [spmem:s16], $0x4000, $0x38;
	[tilespmem:$0x1E800] =	vst v63  }
0x2b: {  	_ =	swait.ge [sflag:s25], $0x4000  }
0x2c: {  	[sflag:s25] =	ssyncset.done $0x0  }
0x2d: {  	[sflag:s25] =	ssyncadd.s32 $0xFFFFC000  }
0x2e: {  	[hbm4b:s17+s3] =	stream.linear.scatter [tilespmem:s24], [sflag:$0x5], $0x4000, $0x38;
	[tilespmem:$0x1E800] =	vst v63  }
0x2f: {  	_ =	swait.ge [sflag:s25], $0x4000  }
0x30: {  	[sflag:s25] =	ssyncset.done $0x0  }
0x31: {  	[sflag:s25] =	ssyncadd.s32 $0xFFFFC000  }
0x32: {  	[tilespmem:s24], [sflag:$0x5] =	stream.linear.gather [spmem:s18], $0x4000, $0x38;
	[tilespmem:$0x1E800] =	vst v63  }
0x33: {  	_ =	swait.ge [sflag:s25], $0x4000  }
0x34: {  	[sflag:s25] =	ssyncset.done $0x0  }
0x35: {  	[sflag:s25] =	ssyncadd.s32 $0xFFFFC000  }
0x36: {  	[hbm4b:s19+s3] =	stream.linear.scatter [tilespmem:s24], [sflag:$0x5], $0x4000, $0x38;
	[tilespmem:$0x1E800] =	vst v63  }
0x37: {  	_ =	swait.ge [sflag:s25], $0x4000  }
0x38: {  	[sflag:s25] =	ssyncset.done $0x0  }
0x39: {  	[sflag:s25] =	ssyncadd.s32 $0xFFFFC000  }
0x3a: {  	[tilespmem:s24], [sflag:$0x5] =	stream.linear.gather [spmem:s20], $0x4000, $0x38;
	[tilespmem:$0x1E800] =	vst v63  }
0x3b: {  	_ =	swait.ge [sflag:s25], $0x4000  }
0x3c: {  	[sflag:s25] =	ssyncset.done $0x0  }
0x3d: {  	[sflag:s25] =	ssyncadd.s32 $0xFFFFC000  }
0x3e: {  	[hbm4b:s21+s3] =	stream.linear.scatter [tilespmem:s24], [sflag:$0x5], $0x4000, $0x38;
	[tilespmem:$0x1E800] =	vst v63  }
0x3f: {  	_ =	swait.ge [sflag:s25], $0x4000  }
0x40: {  	[sflag:s25] =	ssyncset.done $0x0  }
0x41: {  	[sflag:s25] =	ssyncadd.s32 $0xFFFFC000  }
0x42: {  	[tilespmem:s24], [sflag:$0x5] =	stream.linear.gather [spmem:s22], $0x4000, $0x38;
	[tilespmem:$0x1E800] =	vst v63  }
0x43: {  	_ =	swait.ge [sflag:s25], $0x4000  }
0x44: {  	[sflag:s25] =	ssyncset.done $0x0  }
0x45: {  	[sflag:s25] =	ssyncadd.s32 $0xFFFFC000  }
0x46: {  	[hbm4b:s23+s3] =	stream.linear.scatter [tilespmem:s24], [sflag:$0x5], $0x4000, $0x38;
	[tilespmem:$0x1E800] =	vst v63  }
0x47: {  	_ =	swait.ge [sflag:s25], $0x4000  }
0x48: {  	s10 =	sadd.s32 $0x1, s10;
	s11 =	rddreg [dreg:$0x7]  }
0x49: {  	p0 =	sne.s32 s10, s11  }
.Ltmp1:
0x4a: {  	_ = 	snop;
	(pc) =	sbr.rel @!p0 .LBB2_10-.Ltmp1, $3  }
0x4b: {  	_ =	sdelay $0x1  }
0x4c: {  	[sflag:s25] =	ssyncset.done $0x0  }
0x4d: {  	[sflag:s25] =	ssyncadd.s32 $0xFFFFC000  }
.LBB2_1:
0x4e: {  	s11 =	simm.s32 $0x0;
	s12 =	simm.s32 $0x200  }
.LBB2_2:
0x4f: {  	p0 =	sne.s32 s12, $0xFE00;
	[tilespmem:s11+$0x14070] =	vst v0  }
0x50: {  	[tilespmem:s11+$0x14000] =	vst v0  }
0x51: {  	[tilespmem:s11+$0x14010] =	vst v0  }
.Ltmp2:
0x52: {  	[tilespmem:s11+$0x14020] =	vst v0;
	(pc) =	sbr.rel @p0 .LBB2_2-.Ltmp2, $4  }
0x53: {  	[tilespmem:s11+$0x14030] =	vst v0  }
0x54: {  	[tilespmem:s11+$0x14040] =	vst v0  }
0x55: {  	[tilespmem:s11+$0x14050] =	vst v0  }
0x56: {  	[tilespmem:s11+$0x14060] =	vst v0;
	s11 =	sshra.s32 s12, $0x2;
	s12 =	sadd.s32 $0x200, s12  }
0x57: {  	[tilespmem:s11+$0x14070] =	vst v0  }
0x58: {  	[tilespmem:s11+$0x14000] =	vst v0  }
0x59: {  	[tilespmem:s11+$0x14010] =	vst v0  }
0x5a: {  	[tilespmem:s11+$0x14020] =	vst v0  }
0x5b: {  	[tilespmem:s11+$0x14030] =	vst v0  }
0x5c: {  	[tilespmem:s11+$0x14040] =	vst v0  }
0x5d: {  	[tilespmem:s11+$0x14050] =	vst v0  }
0x5e: {  	[tilespmem:s11+$0x14060] =	vst v0  }
0x5f: {  	[spmem:s5] =	stream.linear.scatter [tilespmem:s24], [sflag:$0x5], $0x4000, $0x38;
	[tilespmem:$0x1E800] =	vst v63  }
0x60: {  	_ =	swait.ge [sflag:s25], $0x4000  }
0x61: {  	[sflag:s25] =	ssyncset.done $0x0  }
0x62: {  	s13 =	rddreg [dreg:$0x8];
	[sflag:s25] =	ssyncadd.s32 $0xFFFFC000  }
0x63: {  	[spmem:s13] =	stream.linear.scatter [tilespmem:s24], [sflag:$0x5], $0x4000, $0x38;
	[tilespmem:$0x1E800] =	vst v63  }
0x64: {  	_ =	swait.ge [sflag:s25], $0x4000  }
0x65: {  	[sflag:s25] =	ssyncset.done $0x0  }
0x66: {  	s12 =	rddreg [dreg:$0x9];
	[sflag:s25] =	ssyncadd.s32 $0xFFFFC000  }
0x67: {  	[spmem:s12] =	stream.linear.scatter [tilespmem:s24], [sflag:$0x5], $0x4000, $0x38;
	[tilespmem:$0x1E800] =	vst v63  }
0x68: {  	_ =	swait.ge [sflag:s25], $0x4000  }
0x69: {  	[sflag:s25] =	ssyncset.done $0x0  }
0x6a: {  	s13 =	rddreg [dreg:$0xa];
	[sflag:s25] =	ssyncadd.s32 $0xFFFFC000  }
0x6b: {  	[spmem:s13] =	stream.linear.scatter [tilespmem:s24], [sflag:$0x5], $0x4000, $0x38;
	[tilespmem:$0x1E800] =	vst v63  }
0x6c: {  	_ =	swait.ge [sflag:s25], $0x4000  }
0x6d: {  	[sflag:s25] =	ssyncset.done $0x0  }
0x6e: {  	[sflag:s25] =	ssyncadd.s32 $0xFFFFC000  }
0x6f: {  	[spmem:s14] =	stream.linear.scatter [tilespmem:s24], [sflag:$0x5], $0x4000, $0x38;
	[tilespmem:$0x1E800] =	vst v63  }
0x70: {  	_ =	swait.ge [sflag:s25], $0x4000  }
0x71: {  	[sflag:s25] =	ssyncset.done $0x0  }
0x72: {  	[sflag:s25] =	ssyncadd.s32 $0xFFFFC000  }
0x73: {  	[bflag:$0x0] =	sbarrier.arrive $0xFFFF  }
0x74: {  	s12 =	rddreg [dreg:$0x3]  }
0x75: {  	[tilespmem:s26], [sflag:$0x5] =	stream.linear.gather [hbm4b:s12+s3], $0x1400, $0x38;
	[tilespmem:$0x1E800] =	vst v63  }
0x76: {  	_ =	swait.ge [sflag:s25], $0x1400  }
0x77: {  	[sflag:s25] =	ssyncset.done $0x0  }
0x78: {  	s13 =	rddreg [dreg:$0x4];
	[sflag:s25] =	ssyncadd.s32 $0xFFFFEC00  }
0x79: {  	[tilespmem:s28], [sflag:$0x5] =	stream.linear.gather [hbm4b:s13+s3], $0x1400, $0x38;
	[tilespmem:$0x1E800] =	vst v63  }
0x7a: {  	_ =	swait.ge [sflag:s25], $0x1400  }
0x7b: {  	[sflag:s25] =	ssyncset.done $0x0  }
0x7c: {  	[sflag:s25] =	ssyncadd.s32 $0xFFFFEC00  }
0x7d: {  	[tilespmem:s24], [sflag:$0x1] =	stream.indirect.gather [hbm4b:s4+s29], $0x80, s26, s29, $0xb8;
	[tilespmem:$0x1E800] =	vst v63  }
0x7e: {  	_ =	swait.ge [sflag:s30], $0x4000  }
0x7f: {  	[sflag:s30] =	ssyncset.done $0x0  }
0x80: {  	[sflag:s30] =	ssyncadd.s32 $0xFFFFC000  }
0x81: {  	[tilespmem:s0], [sflag:$0x2] =	stream.indirect.gather [hbm4b:s4+s29], $0x80, s31, s29, $0xb8;
	[tilespmem:$0x1E800] =	vst v63  }
0x82: {  	_ = 	snop  }
0x83: {  	[spmem:s1] =	stream.indirect.scatter.add.f32 [tilespmem:s24], [sflag:$0x3], $0x80, s28, s29, $0xb8;
	[tilespmem:$0x1E800] =	vst v63  }
0x84: {  	_ =	swait.ge [sflag:s2], $0x4000  }
0x85: {  	[sflag:s2] =	ssyncset.done $0x0  }
0x86: {  	[sflag:s2] =	ssyncadd.s32 $0xFFFFC000  }
0x87: {  	_ =	swait.ge [sflag:s6], $0x4000  }
0x88: {  	[sflag:s6] =	ssyncset.done $0x0  }
0x89: {  	[sflag:s6] =	ssyncadd.s32 $0xFFFFC000  }
0x8a: {  	[tilespmem:s24], [sflag:$0x1] =	stream.indirect.gather [hbm4b:s4+s29], $0x80, s7, s29, $0xb8;
	[tilespmem:$0x1E800] =	vst v63  }
0x8b: {  	s11 =	simm.s32 $0xFFFFB800  }
0x8c: {  	[spmem:s1] =	stream.indirect.scatter.add.f32 [tilespmem:s0], [sflag:$0x4], $0x80, s8, s29, $0xb8;
	[tilespmem:$0x1E800] =	vst v63  }
.LBB2_4:
0x8d: {  	_ =	swait.ge [sflag:s9], $0x4000  }
0x8e: {  	[sflag:s9] =	ssyncset.done $0x0  }
0x8f: {  	[sflag:s9] =	ssyncadd.s32 $0xFFFFC000  }
0x90: {  	_ =	swait.ge [sflag:s30], $0x4000  }
0x91: {  	s12 =	sshra.s32 s11, $0x2;
	[sflag:s30] =	ssyncset.done $0x0  }
0x92: {  	s13 =	sadd.s32 $0x1D380, s12;
	[sflag:s30] =	ssyncadd.s32 $0xFFFFC000  }
0x93: {  	[tilespmem:s0], [sflag:$0x2] =	stream.indirect.gather [hbm4b:s4+s29], $0x80, s13, s29, $0xb8;
	[tilespmem:$0x1E800] =	vst v63  }
0x94: {  	s13 =	sadd.s32 $0x1E700, s12  }
0x95: {  	[spmem:s1] =	stream.indirect.scatter.add.f32 [tilespmem:s24], [sflag:$0x3], $0x80, s13, s29, $0xb8;
	[tilespmem:$0x1E800] =	vst v63  }
0x96: {  	p0 =	seq.s32 s11, $0x0;
	_ =	swait.ge [sflag:s2], $0x4000  }
.Ltmp3:
0x97: {  	[sflag:s2] =	ssyncset.done $0x0;
	(pc) =	sbr.rel @p0 .LBB2_6-.Ltmp3, $4  }
0x98: {  	[sflag:s2] =	ssyncadd.s32 $0xFFFFC000  }
0x99: {  	_ =	swait.ge [sflag:s6], $0x4000  }
0x9a: {  	[sflag:s6] =	ssyncset.done $0x0  }
0x9b: {  	s13 =	sadd.s32 $0x1E780, s12;
	[sflag:s6] =	ssyncadd.s32 $0xFFFFC000  }
.Ltmp4:
0x9c: {  	(pc) =	sbr.rel .LBB2_4-.Ltmp4, $4  }
0x9d: {  	s12 =	sadd.s32 $0x1D400, s12  }
0x9e: {  	[tilespmem:s24], [sflag:$0x1] =	stream.indirect.gather [hbm4b:s4+s29], $0x80, s12, s29, $0xb8;
	[tilespmem:$0x1E800] =	vst v63  }
0x9f: {  	s11 =	sadd.s32 $0x400, s11  }
0xa0: {  	[spmem:s1] =	stream.indirect.scatter.add.f32 [tilespmem:s0], [sflag:$0x4], $0x80, s13, s29, $0xb8;
	[tilespmem:$0x1E800] =	vst v63  }
.LBB2_6:
0xa1: {  	[spmem:s1] =	stream.indirect.scatter.add.f32 [tilespmem:s0], [sflag:$0x4], $0x80, s13, s29, $0xb8;
	[tilespmem:$0x1E800] =	vst v63  }
0xa2: {  	_ =	swait.ge [sflag:s9], $0x4000  }
0xa3: {  	[sflag:s9] =	ssyncset.done $0x0  }
0xa4: {  	s11 =	rddreg [dreg:$0x5];
	[sflag:s9] =	ssyncadd.s32 $0xFFFFC000  }
0xa5: {  	[tilespmem:s26], [sflag:$0x5] =	stream.linear.gather [hbm4b:s11+s3], $0x1400, $0x38;
	[tilespmem:$0x1E800] =	vst v63  }
0xa6: {  	_ =	swait.ge [sflag:s25], $0x1400  }
0xa7: {  	[sflag:s25] =	ssyncset.done $0x0  }
0xa8: {  	s13 =	rddreg [dreg:$0x6];
	[sflag:s25] =	ssyncadd.s32 $0xFFFFEC00  }
0xa9: {  	[tilespmem:s28], [sflag:$0x5] =	stream.linear.gather [hbm4b:s13+s3], $0x1400, $0x38;
	[tilespmem:$0x1E800] =	vst v63  }
0xaa: {  	_ =	swait.ge [sflag:s25], $0x1400  }
0xab: {  	[sflag:s25] =	ssyncset.done $0x0  }
0xac: {  	[sflag:s25] =	ssyncadd.s32 $0xFFFFEC00  }
0xad: {  	[tilespmem:s24], [sflag:$0x1] =	stream.indirect.gather [hbm4b:s4+s29], $0x80, s26, s29, $0xb8;
	[tilespmem:$0x1E800] =	vst v63  }
0xae: {  	_ =	swait.ge [sflag:s30], $0x4000  }
0xaf: {  	[sflag:s30] =	ssyncset.done $0x0  }
0xb0: {  	[sflag:s30] =	ssyncadd.s32 $0xFFFFC000  }
0xb1: {  	[tilespmem:s0], [sflag:$0x2] =	stream.indirect.gather [hbm4b:s4+s29], $0x80, s31, s29, $0xb8;
	[tilespmem:$0x1E800] =	vst v63  }
0xb2: {  	_ = 	snop  }
0xb3: {  	[spmem:s1] =	stream.indirect.scatter.add.f32 [tilespmem:s24], [sflag:$0x3], $0x80, s28, s29, $0xb8;
	[tilespmem:$0x1E800] =	vst v63  }
0xb4: {  	_ =	swait.ge [sflag:s2], $0x4000  }
0xb5: {  	[sflag:s2] =	ssyncset.done $0x0  }
0xb6: {  	[sflag:s2] =	ssyncadd.s32 $0xFFFFC000  }
0xb7: {  	_ =	swait.ge [sflag:s6], $0x4000  }
0xb8: {  	[sflag:s6] =	ssyncset.done $0x0  }
0xb9: {  	[sflag:s6] =	ssyncadd.s32 $0xFFFFC000  }
0xba: {  	[tilespmem:s24], [sflag:$0x1] =	stream.indirect.gather [hbm4b:s4+s29], $0x80, s7, s29, $0xb8;
	[tilespmem:$0x1E800] =	vst v63  }
0xbb: {  	s11 =	simm.s32 $0xFFFFB800  }
0xbc: {  	[spmem:s1] =	stream.indirect.scatter.add.f32 [tilespmem:s0], [sflag:$0x4], $0x80, s8, s29, $0xb8;
	[tilespmem:$0x1E800] =	vst v63  }
.LBB2_7:
0xbd: {  	_ =	swait.ge [sflag:s9], $0x4000  }
0xbe: {  	[sflag:s9] =	ssyncset.done $0x0  }
0xbf: {  	[sflag:s9] =	ssyncadd.s32 $0xFFFFC000  }
0xc0: {  	_ =	swait.ge [sflag:s30], $0x4000  }
0xc1: {  	s12 =	sshra.s32 s11, $0x2;
	[sflag:s30] =	ssyncset.done $0x0  }
0xc2: {  	s13 =	sadd.s32 $0x1D380, s12;
	[sflag:s30] =	ssyncadd.s32 $0xFFFFC000  }
0xc3: {  	[tilespmem:s0], [sflag:$0x2] =	stream.indirect.gather [hbm4b:s4+s29], $0x80, s13, s29, $0xb8;
	[tilespmem:$0x1E800] =	vst v63  }
0xc4: {  	s13 =	sadd.s32 $0x1E700, s12  }
0xc5: {  	[spmem:s1] =	stream.indirect.scatter.add.f32 [tilespmem:s24], [sflag:$0x3], $0x80, s13, s29, $0xb8;
	[tilespmem:$0x1E800] =	vst v63  }
0xc6: {  	p0 =	seq.s32 s11, $0x0;
	_ =	swait.ge [sflag:s2], $0x4000  }
.Ltmp5:
0xc7: {  	[sflag:s2] =	ssyncset.done $0x0;
	(pc) =	sbr.rel @p0 .LBB2_9-.Ltmp5, $4  }
0xc8: {  	[sflag:s2] =	ssyncadd.s32 $0xFFFFC000  }
0xc9: {  	_ =	swait.ge [sflag:s6], $0x4000  }
0xca: {  	[sflag:s6] =	ssyncset.done $0x0  }
0xcb: {  	s13 =	sadd.s32 $0x1E780, s12;
	[sflag:s6] =	ssyncadd.s32 $0xFFFFC000  }
.Ltmp6:
0xcc: {  	(pc) =	sbr.rel .LBB2_7-.Ltmp6, $4  }
0xcd: {  	s12 =	sadd.s32 $0x1D400, s12  }
0xce: {  	[tilespmem:s24], [sflag:$0x1] =	stream.indirect.gather [hbm4b:s4+s29], $0x80, s12, s29, $0xb8;
	[tilespmem:$0x1E800] =	vst v63  }
0xcf: {  	s11 =	sadd.s32 $0x400, s11  }
0xd0: {  	[spmem:s1] =	stream.indirect.scatter.add.f32 [tilespmem:s0], [sflag:$0x4], $0x80, s13, s29, $0xb8;
	[tilespmem:$0x1E800] =	vst v63  }
.LBB2_10:
0xd1: {  	_ =	sfence.sel $0x180000  }
0xd2: {  	[bflag:$0x0] =	sbarrier.arrive $0xFFFF  }
0xd3: {  	_ =	strace $0x9000004D  }
0xd4: {  	s0 =	stileid.u32;
	[bflag:$0x2] =	sbarrier.arrive $0xFFFF  }
0xd5: {  	p0 =	sne.s32 s0, $0x0;
	s0 =	rddreg [dreg:$0x2]  }
0xd6: {  	s0 =	sadd.s32 @!p0 $0x100000, s0  }
0xd7: {  	[sflag:s0] =	ssyncadd.tile.s32 @!p0 $0x1;
	_ =	shalt  }
.Lfunc_end2:
_tile_overlayer_lowered:
.L_overlay_start_2:
0xd8: {  	(tag) =	ssettag $0x2  }
0xd9: {  	s0 =	rddreg [dreg:$0x0];
	s2 =	stileid.u32  }
0xda: {  	s1 =	rddreg [dreg:$0x1];
	p0 =	sne.s32 s2, $0x0  }
0xdb: {  	s3 =	rddreg [dreg:$0x2];
	[bflag:$0x3] =	sbarrier.arrive $0xFFFF;
	s2 =	simm.s32 @!p0 $0x1C05  }
0xdc: {  	[timem:s3], [sflag:s2] =	dma.local @!p0 [hbm:s0], s1  }
0xdd: {  	s0 =	simm.s32 @!p0 $0x5  }
0xde: {  	_ =	swait.ge @!p0 [sflag:s0], s1  }
0xdf: {  	s1 =	ssub.s32 @!p0 $0x0, s1;
	[sflag:s0] =	ssyncset.done @!p0 $0x0  }
0xe0: {  	[sflag:s0] =	ssyncadd.s32 @!p0 s1  }
0xe1: {  	[bflag:$0x3] =	sbarrier.arrive $0xFFFF  }
0xe2: {  	_ =	shalt  }

// kernel: kernel.8.cloned.1.call-start
scs
__scs_entry_jumppad:
0x0: {  	(pc) =	sbr.rel $0x88, $3  }
0x1: {  	(tag) =	ssettag $0x0;
	lr =	simm.s32 $0x1  }
0x2: {  	[smem:$0x3F95] =	sst lr;
	_ =	strace $0xD0000000  }
0x3: {  	_ = 	snop  }
0x4: {  	_ = 	snop  }
0x5: {  	_ = 	snop  }
0x6: {  	_ = 	snop  }
0x7: {  	_ = 	snop  }
__scs_overlays_trampoline_lowered:
0x8: {  	[smem:$0x3FA4] =	sst s0  }
0x9: {  	[smem:$0x3FA5] =	sst s1  }
0xa: {  	[smem:$0x3FA6] =	sst s2  }
0xb: {  	[smem:$0x3FA7] =	sst s3  }
0xc: {  	[smem:$0x3FA8] =	sst s4  }
0xd: {  	[smem:$0x3FA9] =	sst s5  }
0xe: {  	[smem:$0x3FAA] =	sst s6  }
0xf: {  	[smem:$0x3FAB] =	sst s7  }
0x10: {  	[smem:$0x3FAC] =	sst s8  }
0x11: {  	[smem:$0x3FAD] =	sst s9;
	s0 =	simm.s32 @!p0 $0x0  }
0x12: {  	s1 =	sld [smem:$0x3F93];
	s0 =	simm.s32 @p0 $0x1  }
0x13: {  	[smem:$0x3FAE] =	sst s0;
	s0 =	simm.s32 @!p1 $0x0  }
0x14: {  	s2 =	sld [smem:$0x3F92];
	s0 =	simm.s32 @p1 $0x1  }
0x15: {  	[smem:$0x3FAF] =	sst s0;
	s0 =	simm.s32 @!p2 $0x0  }
0x16: {  	s3 =	sld [smem:$0x3FDB];
	s0 =	simm.s32 @p2 $0x1  }
0x17: {  	s4 =	simm.s32 $0x1BF5;
	[smem:$0x3FB1] =	sst s0  }
0x18: {  	s0 =	sld [smem:$0x3F94];
	_ =	swait.ge [sflag:s4], $0x0  }
0x19: {  	s7 =	sld [smem:$0x3F95]  }
0x1a: {  	s8 =	sadd.s32 $0xFFFFE003, lr  }
0x1b: {  	s9 =	sadd.s32 $0xFFFFFEF7, lr;
	s5 =	simm.s32 $0xFFFFFFFF;
	p2 =	slt.u32 s8, $0xFFFFF086  }
0x1c: {  	p1 =	slt.u32 s9, $0xF7A;
	s5 =	simm.s32 @!p2 $0x0  }
0x1d: {  	s5 =	simm.s32 @p1 $0x1;
	p0 =	seq.s32 s7, s2  }
0x1e: {  	s7 =	smul.u32 @!p0 $0xF7A, s2;
	p2 =	seq.s32 @!p0 s5, $0x0  }
0x1f: {  	s9 =	smul.u32 $0xF7A, s1;
	s8 =	simm.s32 @!p0 $0x1BF5;
	p2 =	por !p2, p0  }
0x20: {  	[sflag:s8] =	ssyncset.s32 @!p0 $0xFFFFF086;
	s6 =	sadd.s32 @!p0 s3, s7;
	s7 =	simm.s32 @!p0 $0x108  }
0x21: {  	s3 =	sadd.s32 s3, s9;
	s6 =	sadd.s32 @!p0 $0x88, s6;
	s7 =	simm.s32 @p2 $0x1082  }
0x22: {  	[simem:s7], [sflag:s8] =	dma.local @!p0 [hbm:s6], $0xF7A  }
0x23: {  	s9 =	sor.u32 $0xD0000000, s2;
	s6 =	simm.s32 $0x108;
	_ =	swait.ge @!p0 [sflag:s8], $0x0  }
0x24: {  	s3 =	sadd.s32 $0x88, s3;
	s6 =	simm.s32 @!p1 $0x1082;
	[sflag:s4] =	ssyncset.s32 $0xFFFFF086  }
0x25: {  	[simem:s6], [sflag:s4] =	dma.local [hbm:s3], $0xF7A  }
0x26: {  	[smem:$0x3F95] =	sst s1;
	(tag) =	ssettag s2;
	_ =	strace s9  }
0x27: {  	s1 =	sld [smem:$0x3FA5]  }
0x28: {  	s2 =	sld [smem:$0x3FA6]  }
0x29: {  	s4 =	sld [smem:$0x3FA8]  }
0x2a: {  	p0 =	seq.s32 s5, $0x0;
	s5 =	sld [smem:$0x3FA9]  }
0x2b: {  	s6 =	sld [smem:$0x3FAA]  }
0x2c: {  	s7 =	sld [smem:$0x3FAB]  }
0x2d: {  	s3 =	simm.s32 $0x108;
	s8 =	sld [smem:$0x3FAC]  }
0x2e: {  	s3 =	simm.s32 @!p0 $0x1082;
	s9 =	sld [smem:$0x3FAD]  }
0x2f: {  	lr =	sadd.s32 s0, s3;
	s0 =	sld [smem:$0x3FA4]  }
0x30: {  	s3 =	sld [smem:$0x3FA7]  }
0x31: {  	[smem:$0x3FB0] =	sst s10  }
0x32: {  	s10 =	sld [smem:$0x3FAE];
	_ =	sdelay $0x3  }
0x33: {  	p0 =	seq.s32 s10, $0x1;
	s10 =	sld [smem:$0x3FB0];
	_ =	sdelay $0x3  }
0x34: {  	[smem:$0x3FB0] =	sst s10  }
0x35: {  	s10 =	sld [smem:$0x3FAF];
	_ =	sdelay $0x3  }
0x36: {  	p1 =	seq.s32 s10, $0x1;
	s10 =	sld [smem:$0x3FB0];
	_ =	sdelay $0x3  }
0x37: {  	[smem:$0x3FB0] =	sst s10  }
0x38: {  	s10 =	sld [smem:$0x3FB1]  }
0x39: {  	_ = 	snop;
	(pc) =	sbr.ind lr, $3  }
0x3a: {  	_ = 	snop  }
0x3b: {  	_ = 	snop  }
0x3c: {  	p2 =	seq.s32 s10, $0x1;
	s10 =	sld [smem:$0x3FB0]  }
0x3d: {  	_ =	shalt  }
0x3e: {  	_ =	shalt  }
0x3f: {  	_ =	shalt  }
0x40: {  	_ =	shalt  }
0x41: {  	_ =	shalt  }
0x42: {  	_ =	shalt  }
0x43: {  	_ =	shalt  }
0x44: {  	_ =	shalt  }
0x45: {  	_ =	shalt  }
0x46: {  	_ =	shalt  }
0x47: {  	_ =	shalt  }
0x48: {  	_ =	shalt  }
0x49: {  	_ =	shalt  }
0x4a: {  	_ =	shalt  }
0x4b: {  	_ =	shalt  }
0x4c: {  	_ =	shalt  }
0x4d: {  	_ =	shalt  }
0x4e: {  	_ =	shalt  }
0x4f: {  	_ =	shalt  }
0x50: {  	_ =	shalt  }
0x51: {  	_ =	shalt  }
0x52: {  	_ =	shalt  }
0x53: {  	_ =	shalt  }
0x54: {  	_ =	shalt  }
0x55: {  	_ =	shalt  }
0x56: {  	_ =	shalt  }
0x57: {  	_ =	shalt  }
0x58: {  	_ =	shalt  }
0x59: {  	_ =	shalt  }
0x5a: {  	_ =	shalt  }
0x5b: {  	_ =	shalt  }
0x5c: {  	_ =	shalt  }
0x5d: {  	_ =	shalt  }
0x5e: {  	_ =	shalt  }
0x5f: {  	_ =	shalt  }
0x60: {  	_ =	shalt  }
0x61: {  	_ =	shalt  }
0x62: {  	_ =	shalt  }
0x63: {  	_ =	shalt  }
0x64: {  	_ =	shalt  }
0x65: {  	_ =	shalt  }
0x66: {  	_ =	shalt  }
0x67: {  	_ =	shalt  }
0x68: {  	_ =	shalt  }
0x69: {  	_ =	shalt  }
0x6a: {  	_ =	shalt  }
0x6b: {  	_ =	shalt  }
0x6c: {  	_ =	shalt  }
0x6d: {  	_ =	shalt  }
0x6e: {  	_ =	shalt  }
0x6f: {  	_ =	shalt  }
0x70: {  	_ =	shalt  }
0x71: {  	_ =	shalt  }
0x72: {  	_ =	shalt  }
0x73: {  	_ =	shalt  }
0x74: {  	_ =	shalt  }
0x75: {  	_ =	shalt  }
0x76: {  	_ =	shalt  }
0x77: {  	_ =	shalt  }
0x78: {  	_ =	shalt  }
0x79: {  	_ =	shalt  }
0x7a: {  	_ =	shalt  }
0x7b: {  	_ =	shalt  }
0x7c: {  	_ =	shalt  }
0x7d: {  	_ =	shalt  }
0x7e: {  	_ =	shalt  }
0x7f: {  	_ =	shalt  }
0x80: {  	_ =	shalt  }
0x81: {  	_ =	shalt  }
0x82: {  	_ =	shalt  }
0x83: {  	_ =	shalt  }
0x84: {  	_ =	shalt  }
0x85: {  	_ =	shalt  }
0x86: {  	_ =	shalt  }
0x87: {  	_ =	shalt  }
.Lfunc_end0:
.L_simem_size_0:
called_computation_lowered:
.L_overlay_start_0:
0x88: {  	s2 =	sld [smem:$0x3FD9]  }
0x89: {  	s3 =	sld [smem:$0x3FFE];
	_ =	sdelay $0x1  }
0x8a: {  	s1 =	srdreg.scid  }
0x8b: {  	s0 =	sand.u32 $0x1, s1  }
0x8c: {  	s16 =	sshll.u32 s0, $0xA;
	s2 =	sadd.s32 s3, s2  }
0x8d: {  	s2 =	sadd.s32 s2, s16  }
0x8e: {  	[smem:$0x3FBC] =	sst s2  }
0x8f: {  	_ = 	snop  }
0x90: {  	(tm) =	ssettm $0x1  }
0x91: {  	s17 =	sld [smem:$0x3FFB];
	_ =	sdelay $0x3  }
0x92: {  	_ =	strace s17  }
0x93: {  	s2 =	sld [smem:$0x3FFC];
	_ =	sdelay $0x3  }
0x94: {  	_ =	strace s2  }
0x95: {  	s2 =	sld [smem:$0x3FFD];
	_ =	sdelay $0x3  }
0x96: {  	_ =	strace s2  }
0x97: {  	_ =	strace $0x8FFFFFFF  }
0x98: {  	s18 =	sld [smem:$0x3FDB];
	_ =	sdelay $0x1  }
0x99: {  	s19 =	simm.s32 $_scs_section_size  }
0x9a: {  	s4 =	simm.s32 $_size__tile_overlayer_lowered;
	s5 =	simm.s32 $_tile_overlayer_lowered  }
0x9b: {  	s22 =	simm.s32 $0x1BFF;
	s21 =	sshll.u32 s5, $0x1;
	s2 =	sadd.s32 s19, s18  }
0x9c: {  	s6 =	simm.s32 $0x0;
	s20 =	sshll.u32 s4, $0x1;
	s4 =	sadd.s32 s21, s2  }
0x9d: {  	[timem:s6], [sflag:s22] =	dma.local [hbm:s4], s20  }
0x9e: {  	_ =	swait.ge [sflag:s22], s20  }
0x9f: {  	s3 =	ssub.s32 $0x0, s20;
	[sflag:s22] =	ssyncset.done $0x0  }
0xa0: {  	[sflag:s22] =	ssyncadd.s32 s3;
	_ =	sdelay $0x1  }
0xa1: {  	s23 =	simm.s32 $0x1B8B  }
0xa2: {  	_ =	swait.ge [sflag:s23], $0x1  }
0xa3: {  	[sflag:s23] =	ssyncset.done $0x0  }
0xa4: {  	s25 =	simm.s32 $0x1B8E;
	s24 =	sld [smem:$0x3FFE];
	[sflag:s23] =	ssyncadd.s32 $0xFFFFFFFF  }
0xa5: {  	s26 =	simm.s32 $execute0_lowered;
	[smem:$0x3FD2] =	sst s25  }
0xa6: {  	s4 =	sshll.u32 s26, $0x1;
	_ =	strace $0x80000046;
	[dreg:$0x1] =	wrdreg $0xFFFFFFFF  }
0xa7: {  	s28 =	simm.s32 $_size_execute0_lowered;
	s2 =	sadd.s32 s2, s4;
	[dreg:$0x0] =	wrdreg $0x0  }
0xa8: {  	s4 =	sshll.u32 s28, $0x1;
	[dreg:$0x2] =	wrdreg s2  }
0xa9: {  	[dreg:$0x3] =	wrdreg s4  }
0xaa: {  	[dreg:$0x4] =	wrdreg $0xC0  }
0xab: {  	_ =	task [dreg:s6], $0x5FFFF  }
0xac: {  	[dreg:$0x1] =	wrdreg $0xFFFFFFFF  }
0xad: {  	[dreg:$0x0] =	wrdreg $0x60  }
0xae: {  	[dreg:$0x2] =	wrdreg s24  }
0xaf: {  	[dreg:$0x3] =	wrdreg $0x0  }
0xb0: {  	[dreg:$0x4] =	wrdreg $0x9  }
0xb1: {  	_ =	task.clear_ibuf [dreg:s6], $0x5FFFF;
	_ =	strace $0x90000046  }
0xb2: {  	s29 =	simm.s32 $0x9;
	_ =	strace $0x80000048  }
0xb3: {  	_ =	swait.ge [sflag:s29], $0x1  }
0xb4: {  	[sflag:s29] =	ssyncadd.s32 $0xFFFFFFFF  }
0xb5: {  	_ =	strace $0x90000048  }
0xb6: {  	_ =	sfence  }
0xb7: {  	s30 =	sld [smem:$0x0];
	_ =	sdelay $0x2  }
0xb8: {  	s31 =	sshll.u32 s1, $0xD;
	s1 =	sshrl.u32 s1, $0x2  }
0xb9: {  	s3 =	sand.u32 $0x4000, s31;
	s1 =	sadd.s32 s1, s30  }
0xba: {  	s0 =	sor.u32 s3, s0;
	s1 =	sshll.u32 s1, $0x11  }
0xbb: {  	s0 =	sor.u32 s1, s0  }
0xbc: {  	s0 =	sadd.s32 $0x8F2B, s0  }
0xbd: {  	[sflag:s0] =	ssyncadd.remote.s32 $0x1  }
0xbe: {  	_ =	sfence.sel $0xFFFF  }
0xbf: {  	[dreg:$0x0] =	wrdreg $0xFFFFFFFF;
	(pc) =	sbr.abs _section_cstart, $3  }
0xc0: {  	[dreg:$0x1] =	wrdreg $0xFFFFFFFF  }
0xc1: {  	_ =	task.clear_ibuf [dreg:s6], $0x2FFFF;
	_ =	strace $0x9FFFFFFF  }
0xc2: {  	(tm) =	ssettm $0x7FFFFFFF  }
0xc3: {  	_ =	shalt  }
tec
execute0_lowered:
.L_overlay_start_1:
0x0: {  	(tag) =	ssettag $0x1  }
0x1: {  	s1 =	rddreg [dreg:$0x0]  }
0x2: {  	s0 =	srdreg.scid;
	s2 =	rddreg [dreg:$0x1]  }
0x3: {  	s10 =	stileid.u32;
	s3 =	simm.s32 $0x0;
	s28 =	simm.s32 $0x400  }
0x4: {  	s30 =	simm.s32 $0x1;
	s31 =	simm.s32 $0x14800;
	s29 =	simm.s32 $0x4  }
0x5: {  	s0 =	sand.u32 $0x1, s0;
	[smem:$0x7FF] =	sst s3;
	s7 =	smul.u32 $0x50000, s10  }
0x6: {  	s13 =	smul.u32 $0x14000, s10;
	s4 =	sshll.u32 s0, $0x4;
	_ =	strace $0x80000047  }
0x7: {  	s26 =	ssub.s32 $0x2, s0;
	s0 =	smul.u32 $0x140000, s0;
	s5 =	sor.u32 s10, s4  }
0x8: {  	s4 =	sadd.s32 $0x3000, s1;
	s9 =	sshrl.u32 s26, $0x1;
	s7 =	sshrl.u32 s7, $0x2  }
0x9: {  	s19 =	sadd.s32 $0x4000, s13;
	s23 =	sadd.s32 $0x8000, s13;
	s6 =	smul.u32 $0x500, s5  }
0xa: {  	s24 =	sadd.s32 $0xC000, s13;
	s5 =	smul.u32 $0x28000, s5;
	s9 =	ssub.s32 s26, s9  }
0xb: {  	s18 =	sadd.s32 s0, s13;
	s21 =	sadd.s32 s0, s19;
	s25 =	sadd.s32 s0, s24  }
0xc: {  	s15 =	smax.u32 s9, $0x1;
	s22 =	sshrl.u32 s21, $0x3;
	s26 =	sshrl.u32 s25, $0x3  }
0xd: {  	s25 =	simm.s32 $0x3;
	s8 =	sadd.s32 s6, s1;
	s1 =	sadd.s32 $0xB7000, s1  }
0xe: {  	s12 =	sshrl.u32 s5, $0x3;
	[dreg:$0x5] =	wrdreg s15;
	s11 =	sadd.s32 $0xAD000, s8  }
0xf: {  	s6 =	sadd.s32 s7, s2;
	s7 =	sadd.s32 s4, s12;
	[dreg:$0x3] =	wrdreg s11  }
0x10: {  	s15 =	sadd.s32 s19, s2;
	s16 =	sadd.s32 $0x4000, s6;
	[dreg:$0x4] =	wrdreg s7  }
0x11: {  	s19 =	sadd.s32 s24, s2;
	s17 =	sadd.s32 $0x8000, s6;
	[dreg:$0x6] =	wrdreg s16  }
0x12: {  	s24 =	simm.s32 $0x5;
	s20 =	sadd.s32 $0xC000, s6;
	[dreg:$0x7] =	wrdreg s17  }
0x13: {  	s8 =	sadd.s32 $0x10000, s13;
	[dreg:$0x8] =	wrdreg s20;
	s7 =	sshrl.u32 s18, $0x3  }
0x14: {  	s11 =	sadd.s32 $0x10000, s6;
	s16 =	sadd.s32 s1, s22;
	s17 =	sadd.s32 s23, s2  }
0x15: {  	s20 =	sadd.s32 s1, s26;
	s21 =	sadd.s32 s8, s2;
	s26 =	simm.s32 $0x80  }
0x16: {  	s14 =	sadd.s32 s1, s7;
	s7 =	sadd.s32 s0, s23;
	s0 =	sadd.s32 s0, s8  }
0x17: {  	[dreg:$0x9] =	wrdreg s11;
	s7 =	sshrl.u32 s7, $0x3;
	s0 =	sshrl.u32 s0, $0x3  }
0x18: {  	s23 =	simm.s32 $0x15000;
	s18 =	sadd.s32 s1, s7;
	s22 =	sadd.s32 s1, s0  }
0x19: {  	v0 =	vimm.f32 $0.0e+00;
	s0 =	simm.s32 $0x2;
	s1 =	simm.s32 $0x19000;
	s7 =	simm.s32 $0x0  }
.LBB2_1:
0x1a: {  	s8 =	simm.s32 $0x0;
	s9 =	simm.s32 $0x200  }
.LBB2_2:
0x1b: {  	p0 =	sne.s32 s9, $0xFE00;
	[tilespmem:s8+$0x15070] =	vst v0  }
0x1c: {  	[tilespmem:s8+$0x15000] =	vst v0  }
0x1d: {  	[tilespmem:s8+$0x15010] =	vst v0  }
.Ltmp0:
0x1e: {  	[tilespmem:s8+$0x15020] =	vst v0;
	(pc) =	sbr.rel @p0 .LBB2_2-.Ltmp0, $4  }
0x1f: {  	[tilespmem:s8+$0x15030] =	vst v0  }
0x20: {  	[tilespmem:s8+$0x15040] =	vst v0  }
0x21: {  	[tilespmem:s8+$0x15050] =	vst v0  }
0x22: {  	[tilespmem:s8+$0x15060] =	vst v0;
	s8 =	sshra.s32 s9, $0x2;
	s9 =	sadd.s32 $0x200, s9  }
0x23: {  	[tilespmem:s8+$0x15070] =	vst v0  }
0x24: {  	[tilespmem:s8+$0x15000] =	vst v0  }
0x25: {  	[tilespmem:s8+$0x15010] =	vst v0  }
0x26: {  	[tilespmem:s8+$0x15020] =	vst v0  }
0x27: {  	[tilespmem:s8+$0x15030] =	vst v0  }
0x28: {  	[tilespmem:s8+$0x15040] =	vst v0  }
0x29: {  	[tilespmem:s8+$0x15050] =	vst v0  }
0x2a: {  	[tilespmem:s8+$0x15060] =	vst v0;
	s8 =	simm.s32 $0x0;
	s9 =	simm.s32 $0x200  }
.LBB2_4:
0x2b: {  	p0 =	sne.s32 s9, $0xFE00;
	[tilespmem:s8+$0x19070] =	vst v0  }
0x2c: {  	[tilespmem:s8+$0x19000] =	vst v0  }
0x2d: {  	[tilespmem:s8+$0x19010] =	vst v0  }
.Ltmp1:
0x2e: {  	[tilespmem:s8+$0x19020] =	vst v0;
	(pc) =	sbr.rel @p0 .LBB2_4-.Ltmp1, $4  }
0x2f: {  	[tilespmem:s8+$0x19030] =	vst v0  }
0x30: {  	[tilespmem:s8+$0x19040] =	vst v0  }
0x31: {  	[tilespmem:s8+$0x19050] =	vst v0  }
0x32: {  	[tilespmem:s8+$0x19060] =	vst v0;
	s8 =	sshra.s32 s9, $0x2;
	s9 =	sadd.s32 $0x200, s9  }
0x33: {  	[tilespmem:s8+$0x19070] =	vst v0  }
0x34: {  	[tilespmem:s8+$0x19000] =	vst v0  }
0x35: {  	[tilespmem:s8+$0x19010] =	vst v0  }
0x36: {  	[tilespmem:s8+$0x19020] =	vst v0  }
0x37: {  	[tilespmem:s8+$0x19030] =	vst v0  }
0x38: {  	[tilespmem:s8+$0x19040] =	vst v0  }
0x39: {  	[tilespmem:s8+$0x19050] =	vst v0  }
0x3a: {  	[tilespmem:s8+$0x19060] =	vst v0  }
0x3b: {  	[spmem:s6] =	stream.linear.scatter [tilespmem:s23], [sflag:$0x5], $0x4000, $0x38;
	[tilespmem:$0x1F800] =	vst v63  }
0x3c: {  	_ =	swait.ge [sflag:s24], $0x4000  }
0x3d: {  	[sflag:s24] =	ssyncset.done $0x0  }
0x3e: {  	s13 =	rddreg [dreg:$0x6];
	[sflag:s24] =	ssyncadd.s32 $0xFFFFC000  }
0x3f: {  	[spmem:s13] =	stream.linear.scatter [tilespmem:s23], [sflag:$0x5], $0x4000, $0x38;
	[tilespmem:$0x1F800] =	vst v63  }
0x40: {  	_ =	swait.ge [sflag:s24], $0x4000  }
0x41: {  	[sflag:s24] =	ssyncset.done $0x0  }
0x42: {  	s9 =	rddreg [dreg:$0x7];
	[sflag:s24] =	ssyncadd.s32 $0xFFFFC000  }
0x43: {  	[spmem:s9] =	stream.linear.scatter [tilespmem:s23], [sflag:$0x5], $0x4000, $0x38;
	[tilespmem:$0x1F800] =	vst v63  }
0x44: {  	_ =	swait.ge [sflag:s24], $0x4000  }
0x45: {  	[sflag:s24] =	ssyncset.done $0x0  }
0x46: {  	s10 =	rddreg [dreg:$0x8];
	[sflag:s24] =	ssyncadd.s32 $0xFFFFC000  }
0x47: {  	[spmem:s10] =	stream.linear.scatter [tilespmem:s23], [sflag:$0x5], $0x4000, $0x38;
	[tilespmem:$0x1F800] =	vst v63  }
0x48: {  	_ =	swait.ge [sflag:s24], $0x4000  }
0x49: {  	[sflag:s24] =	ssyncset.done $0x0  }
0x4a: {  	s11 =	rddreg [dreg:$0x9];
	[sflag:s24] =	ssyncadd.s32 $0xFFFFC000  }
0x4b: {  	[spmem:s11] =	stream.linear.scatter [tilespmem:s23], [sflag:$0x5], $0x4000, $0x38;
	[tilespmem:$0x1F800] =	vst v63  }
0x4c: {  	_ =	swait.ge [sflag:s24], $0x4000  }
0x4d: {  	[sflag:s24] =	ssyncset.done $0x0  }
0x4e: {  	[sflag:s24] =	ssyncadd.s32 $0xFFFFC000  }
0x4f: {  	[bflag:$0x0] =	sbarrier.arrive $0xFFFF  }
0x50: {  	s8 =	simm.s32 $0x0;
	s10 =	simm.s32 $0x1D000;
	s9 =	rddreg [dreg:$0x3]  }
0x51: {  	[tilespmem:s10], [sflag:$0x5] =	stream.linear.gather [hbm4b:s9+s8], $0x2800, $0x38;
	[tilespmem:$0x1F800] =	vst v63  }
0x52: {  	_ =	swait.ge [sflag:s24], $0x2800  }
0x53: {  	[sflag:s24] =	ssyncset.done $0x0  }
0x54: {  	s13 =	simm.s32 $0x14000;
	s12 =	rddreg [dreg:$0x4];
	[sflag:s24] =	ssyncadd.s32 $0xFFFFD800  }
0x55: {  	[tilespmem:s13], [sflag:$0x1] =	stream.strided.gather [hbm4b:s12+s26], $0x800, s28, s26, $0x38;
	[tilespmem:$0x1F800] =	vst v63  }
.LBB2_6:
0x56: {  	s9 =	sshllo.u32 s8, $0x1;
	s10 =	sshll.u32 s8, $0xC  }
0x57: {  	s10 =	sand.u32 $0x3C000, s10;
	s9 =	sshll.u32 s9, $0x7  }
0x58: {  	s10 =	sadd.s32 s5, s10;
	s11 =	sand.u32 $0x380, s9  }
0x59: {  	_ =	swait.ge [sflag:s30], $0x800;
	s10 =	sor.u32 s10, s11  }
0x5a: {  	[sflag:s30] =	ssyncset.done $0x0;
	s10 =	sshrl.u32 s10, $0x3  }
0x5b: {  	p0 =	seq.s32 s8, $0x0;
	[sflag:s30] =	ssyncadd.s32 $0xFFFFF800;
	s10 =	sadd.s32 s4, s10  }
0x5c: {  	[tilespmem:s31], [sflag:$0x2] =	stream.strided.gather [hbm4b:s10+s26], $0x800, s28, s26, $0x38;
	[tilespmem:$0x1F800] =	vst v63  }
0x5d: {  	s10 =	simm.s32 @!p0 $0x3  }
0x5e: {  	_ =	swait.ge @!p0 [sflag:s10], $0x4000  }
0x5f: {  	[sflag:s10] =	ssyncset.done @!p0 $0x0  }
0x60: {  	s13 =	simm.s32 $0x0;
	[sflag:s10] =	ssyncadd.s32 @!p0 $0xFFFFC000  }
0x61: {  	v1 =	vld [tilespmem:s13+$0x14000];
	_ =	sdelay $0x3  }
0x62: {  	s11 =	simm.s32 $0x15100  }
0x63: {  	[tilespmem:s11+$0xFFFFFF00] =	vst v1  }
0x64: {  	v1 =	vld [tilespmem:s13+$0x14010];
	_ =	sdelay $0x4  }
0x65: {  	[tilespmem:s11+$0xFFFFFF80] =	vst v1  }
0x66: {  	v1 =	vld [tilespmem:s13+$0x14020];
	_ =	sdelay $0x4  }
0x67: {  	[tilespmem:s11+$0x0] =	vst v1  }
0x68: {  	v1 =	vld [tilespmem:s13+$0x14030];
	_ =	sdelay $0x4  }
0x69: {  	s12 =	simm.s32 $0x40;
	s10 =	sshll.u32 s8, $0x1;
	s13 =	simm.s32 $0x200;
	[tilespmem:s11+$0x80] =	vst v1  }
.LBB2_7:
0x6a: {  	p0 =	sne.s32 s13, $0x1F00;
	v1 =	vld [tilespmem:s12+$0x14000];
	_ =	sdelay $0x3  }
0x6b: {  	s11 =	sadd.s32 $0x200, s11  }
0x6c: {  	[tilespmem:s11+$0xFFFFFF00] =	vst v1  }
0x6d: {  	v1 =	vld [tilespmem:s12+$0x14010];
	_ =	sdelay $0x4  }
0x6e: {  	[tilespmem:s11+$0xFFFFFF80] =	vst v1  }
0x6f: {  	v1 =	vld [tilespmem:s12+$0x14020];
	_ =	sdelay $0x4  }
0x70: {  	[tilespmem:s11+$0x0] =	vst v1  }
0x71: {  	v1 =	vld [tilespmem:s12+$0x14030]  }
.Ltmp2:
0x72: {  	(pc) =	sbr.rel @p0 .LBB2_7-.Ltmp2, $2  }
0x73: {  	_ =	sdelay $0x2  }
0x74: {  	s12 =	sshra.s32 s13, $0x2;
	s13 =	sadd.s32 $0x100, s13;
	[tilespmem:s11+$0x80] =	vst v1  }
0x75: {  	v1 =	vld [tilespmem:s12+$0x14000];
	_ =	sdelay $0x3  }
0x76: {  	s11 =	sadd.s32 $0x200, s11  }
0x77: {  	[tilespmem:s11+$0xFFFFFF00] =	vst v1  }
0x78: {  	v1 =	vld [tilespmem:s12+$0x14010];
	_ =	sdelay $0x4  }
0x79: {  	[tilespmem:s11+$0xFFFFFF80] =	vst v1  }
0x7a: {  	v1 =	vld [tilespmem:s12+$0x14020];
	_ =	sdelay $0x4  }
0x7b: {  	[tilespmem:s11+$0x0] =	vst v1  }
0x7c: {  	v1 =	vld [tilespmem:s12+$0x14030];
	_ =	sdelay $0x2  }
0x7d: {  	s13 =	sshll.u32 s8, $0x8;
	p0 =	seq.s32 s8, $0x27  }
0x7e: {  	s10 =	sadd.s32 @!p0 $0x2, s10;
	s12 =	sand.u32 $0x3FFFFF00, s13  }
0x7f: {  	s12 =	sadd.s32 $0x1D000, s12;
	[tilespmem:s11+$0x80] =	vst v1;
	s11 =	sshll.u32 @!p0 s10, $0xB  }
0x80: {  	[spmem:s2] =	stream.indirect.scatter.add.f32 [tilespmem:s23], [sflag:$0x3], $0x80, s12, s26, $0xb8;
	[tilespmem:$0x1F800] =	vst v63  }
0x81: {  	s10 =	sshll.u32 @!p0 s10, $0x7;
	s11 =	sand.u32 @!p0 $0x7C000, s11  }
0x82: {  	p1 =	seq.s32 @!p0 s8, $0x0;
	s10 =	sand.u32 @!p0 $0x300, s10;
	s11 =	sadd.s32 @!p0 s5, s11  }
0x83: {  	s13 =	simm.s32 @!p0 $0x14000;
	_ =	swait.ge [sflag:s0], $0x800;
	s10 =	sor.u32 @!p0 s10, s11  }
0x84: {  	s12 =	simm.s32 @!p0 $0x400;
	[sflag:s0] =	ssyncset.done $0x0;
	s10 =	sshrl.u32 @!p0 s10, $0x3  }
0x85: {  	s11 =	simm.s32 @!p0 $0x80;
	[sflag:s0] =	ssyncadd.s32 $0xFFFFF800;
	s10 =	sadd.s32 @!p0 s4, s10  }
0x86: {  	[tilespmem:s13], [sflag:$0x1] =	stream.strided.gather @!p0 [hbm4b:s10+s11], $0x800, s12, s11, $0x38;
	[tilespmem:$0x1F800] =	vst v63  }
0x87: {  	p0 =	por p0, !p1  }
0x88: {  	_ =	swait.ge @p0 [sflag:s29], $0x4000  }
0x89: {  	[sflag:s29] =	ssyncset.done @p0 $0x0  }
0x8a: {  	s13 =	simm.s32 $0x0;
	[sflag:s29] =	ssyncadd.s32 @p0 $0xFFFFC000  }
0x8b: {  	v1 =	vld [tilespmem:s13+$0x14800];
	_ =	sdelay $0x3  }
0x8c: {  	s10 =	simm.s32 $0x19100  }
0x8d: {  	[tilespmem:s10+$0xFFFFFF00] =	vst v1  }
0x8e: {  	v1 =	vld [tilespmem:s13+$0x14810];
	_ =	sdelay $0x4  }
0x8f: {  	[tilespmem:s10+$0xFFFFFF80] =	vst v1  }
0x90: {  	v1 =	vld [tilespmem:s13+$0x14820];
	_ =	sdelay $0x4  }
0x91: {  	[tilespmem:s10+$0x0] =	vst v1  }
0x92: {  	v1 =	vld [tilespmem:s13+$0x14830];
	_ =	sdelay $0x4  }
0x93: {  	s11 =	simm.s32 $0x40;
	s12 =	simm.s32 $0x200;
	[tilespmem:s10+$0x80] =	vst v1  }
.LBB2_9:
0x94: {  	p0 =	sne.s32 s12, $0x1F00;
	v1 =	vld [tilespmem:s11+$0x14800];
	_ =	sdelay $0x3  }
0x95: {  	s10 =	sadd.s32 $0x200, s10  }
0x96: {  	[tilespmem:s10+$0xFFFFFF00] =	vst v1  }
0x97: {  	v1 =	vld [tilespmem:s11+$0x14810];
	_ =	sdelay $0x4  }
0x98: {  	[tilespmem:s10+$0xFFFFFF80] =	vst v1  }
0x99: {  	v1 =	vld [tilespmem:s11+$0x14820];
	_ =	sdelay $0x4  }
0x9a: {  	[tilespmem:s10+$0x0] =	vst v1  }
0x9b: {  	v1 =	vld [tilespmem:s11+$0x14830]  }
.Ltmp3:
0x9c: {  	(pc) =	sbr.rel @p0 .LBB2_9-.Ltmp3, $2  }
0x9d: {  	_ =	sdelay $0x2  }
0x9e: {  	s11 =	sshra.s32 s12, $0x2;
	s12 =	sadd.s32 $0x100, s12;
	[tilespmem:s10+$0x80] =	vst v1  }
0x9f: {  	v1 =	vld [tilespmem:s11+$0x14800];
	_ =	sdelay $0x3  }
0xa0: {  	s10 =	sadd.s32 $0x200, s10  }
0xa1: {  	[tilespmem:s10+$0xFFFFFF00] =	vst v1  }
0xa2: {  	v1 =	vld [tilespmem:s11+$0x14810];
	_ =	sdelay $0x4  }
0xa3: {  	[tilespmem:s10+$0xFFFFFF80] =	vst v1  }
0xa4: {  	v1 =	vld [tilespmem:s11+$0x14820];
	_ =	sdelay $0x4  }
0xa5: {  	[tilespmem:s10+$0x0] =	vst v1  }
0xa6: {  	s8 =	sadd.s32 $0x1, s8;
	v1 =	vld [tilespmem:s11+$0x14830]  }
0xa7: {  	p0 =	sne.s32 s8, $0x28  }
.Ltmp4:
0xa8: {  	_ = 	snop;
	(pc) =	sbr.rel @p0 .LBB2_6-.Ltmp4, $4  }
0xa9: {  	_ = 	snop  }
0xaa: {  	s9 =	sand.u32 $0x3FFFFF80, s9  }
0xab: {  	s9 =	sadd.s32 $0x1D000, s9;
	[tilespmem:s10+$0x80] =	vst v1  }
0xac: {  	[spmem:s2] =	stream.indirect.scatter.add.f32 [tilespmem:s1], [sflag:$0x4], $0x80, s9, s26, $0xb8;
	[tilespmem:$0x1F800] =	vst v63  }
0xad: {  	_ =	swait.ge [sflag:s25], $0x4000  }
0xae: {  	[sflag:s25] =	ssyncset.done $0x0  }
0xaf: {  	[sflag:s25] =	ssyncadd.s32 $0xFFFFC000  }
0xb0: {  	_ =	swait.ge [sflag:s29], $0x4000  }
0xb1: {  	[sflag:s29] =	ssyncset.done $0x0  }
0xb2: {  	[sflag:s29] =	ssyncadd.s32 $0xFFFFC000  }
0xb3: {  	[bflag:$0x0] =	sbarrier.arrive $0xFFFF  }
0xb4: {  	[tilespmem:s23], [sflag:$0x5] =	stream.linear.gather [spmem:s6], $0x4000, $0x38;
	[tilespmem:$0x1F800] =	vst v63  }
0xb5: {  	_ =	swait.ge [sflag:s24], $0x4000  }
0xb6: {  	[sflag:s24] =	ssyncset.done $0x0  }
0xb7: {  	[sflag:s24] =	ssyncadd.s32 $0xFFFFC000  }
0xb8: {  	[hbm4b:s14+s3] =	stream.linear.scatter [tilespmem:s23], [sflag:$0x5], $0x4000, $0x38;
	[tilespmem:$0x1F800] =	vst v63  }
0xb9: {  	_ =	swait.ge [sflag:s24], $0x4000  }
0xba: {  	[sflag:s24] =	ssyncset.done $0x0  }
0xbb: {  	[sflag:s24] =	ssyncadd.s32 $0xFFFFC000  }
0xbc: {  	[tilespmem:s23], [sflag:$0x5] =	stream.linear.gather [spmem:s15], $0x4000, $0x38;
	[tilespmem:$0x1F800] =	vst v63  }
0xbd: {  	_ =	swait.ge [sflag:s24], $0x4000  }
0xbe: {  	[sflag:s24] =	ssyncset.done $0x0  }
0xbf: {  	[sflag:s24] =	ssyncadd.s32 $0xFFFFC000  }
0xc0: {  	[hbm4b:s16+s3] =	stream.linear.scatter [tilespmem:s23], [sflag:$0x5], $0x4000, $0x38;
	[tilespmem:$0x1F800] =	vst v63  }
0xc1: {  	_ =	swait.ge [sflag:s24], $0x4000  }
0xc2: {  	[sflag:s24] =	ssyncset.done $0x0  }
0xc3: {  	[sflag:s24] =	ssyncadd.s32 $0xFFFFC000  }
0xc4: {  	[tilespmem:s23], [sflag:$0x5] =	stream.linear.gather [spmem:s17], $0x4000, $0x38;
	[tilespmem:$0x1F800] =	vst v63  }
0xc5: {  	_ =	swait.ge [sflag:s24], $0x4000  }
0xc6: {  	[sflag:s24] =	ssyncset.done $0x0  }
0xc7: {  	[sflag:s24] =	ssyncadd.s32 $0xFFFFC000  }
0xc8: {  	[hbm4b:s18+s3] =	stream.linear.scatter [tilespmem:s23], [sflag:$0x5], $0x4000, $0x38;
	[tilespmem:$0x1F800] =	vst v63  }
0xc9: {  	_ =	swait.ge [sflag:s24], $0x4000  }
0xca: {  	[sflag:s24] =	ssyncset.done $0x0  }
0xcb: {  	[sflag:s24] =	ssyncadd.s32 $0xFFFFC000  }
0xcc: {  	[tilespmem:s23], [sflag:$0x5] =	stream.linear.gather [spmem:s19], $0x4000, $0x38;
	[tilespmem:$0x1F800] =	vst v63  }
0xcd: {  	_ =	swait.ge [sflag:s24], $0x4000  }
0xce: {  	[sflag:s24] =	ssyncset.done $0x0  }
0xcf: {  	[sflag:s24] =	ssyncadd.s32 $0xFFFFC000  }
0xd0: {  	[hbm4b:s20+s3] =	stream.linear.scatter [tilespmem:s23], [sflag:$0x5], $0x4000, $0x38;
	[tilespmem:$0x1F800] =	vst v63  }
0xd1: {  	_ =	swait.ge [sflag:s24], $0x4000  }
0xd2: {  	[sflag:s24] =	ssyncset.done $0x0  }
0xd3: {  	[sflag:s24] =	ssyncadd.s32 $0xFFFFC000  }
0xd4: {  	[tilespmem:s23], [sflag:$0x5] =	stream.linear.gather [spmem:s21], $0x4000, $0x38;
	[tilespmem:$0x1F800] =	vst v63  }
0xd5: {  	_ =	swait.ge [sflag:s24], $0x4000  }
0xd6: {  	[sflag:s24] =	ssyncset.done $0x0  }
0xd7: {  	[sflag:s24] =	ssyncadd.s32 $0xFFFFC000  }
0xd8: {  	[hbm4b:s22+s3] =	stream.linear.scatter [tilespmem:s23], [sflag:$0x5], $0x4000, $0x38;
	[tilespmem:$0x1F800] =	vst v63  }
0xd9: {  	_ =	swait.ge [sflag:s24], $0x4000  }
0xda: {  	s7 =	sadd.s32 $0x1, s7;
	s8 =	rddreg [dreg:$0x5]  }
0xdb: {  	p0 =	sne.s32 s7, s8  }
.Ltmp5:
0xdc: {  	_ = 	snop;
	(pc) =	sbr.rel @p0 .LBB2_1-.Ltmp5, $3  }
0xdd: {  	_ =	sdelay $0x1  }
0xde: {  	[sflag:s24] =	ssyncset.done $0x0  }
0xdf: {  	[sflag:s24] =	ssyncadd.s32 $0xFFFFC000  }
0xe0: {  	_ =	sfence.sel $0x180000  }
0xe1: {  	[bflag:$0x0] =	sbarrier.arrive $0xFFFF  }
0xe2: {  	_ =	strace $0x90000047  }
0xe3: {  	s0 =	stileid.u32;
	[bflag:$0x2] =	sbarrier.arrive $0xFFFF  }
0xe4: {  	p0 =	sne.s32 s0, $0x0;
	s0 =	rddreg [dreg:$0x2]  }
0xe5: {  	s0 =	sadd.s32 @!p0 $0x100000, s0  }
0xe6: {  	[sflag:s0] =	ssyncadd.tile.s32 @!p0 $0x1;
	_ =	shalt  }
.Lfunc_end2:
_tile_overlayer_lowered:
.L_overlay_start_2:
0xe7: {  	(tag) =	ssettag $0x2  }
0xe8: {  	s0 =	rddreg [dreg:$0x0];
	s2 =	stileid.u32  }
0xe9: {  	s1 =	rddreg [dreg:$0x1];
	p0 =	sne.s32 s2, $0x0  }
0xea: {  	s3 =	rddreg [dreg:$0x2];
	[bflag:$0x3] =	sbarrier.arrive $0xFFFF;
	s2 =	simm.s32 @!p0 $0x1C05  }
0xeb: {  	[timem:s3], [sflag:s2] =	dma.local @!p0 [hbm:s0], s1  }
0xec: {  	s0 =	simm.s32 @!p0 $0x5  }
0xed: {  	_ =	swait.ge @!p0 [sflag:s0], s1  }
0xee: {  	s1 =	ssub.s32 @!p0 $0x0, s1;
	[sflag:s0] =	ssyncset.done @!p0 $0x0  }
0xef: {  	[sflag:s0] =	ssyncadd.s32 @!p0 s1  }
0xf0: {  	[bflag:$0x3] =	sbarrier.arrive $0xFFFF  }
0xf1: {  	_ =	shalt  }

</sc_bundles>
